<compile_context>
chip_gen: v7x
topology: tpu7x:2x2x1
jax: 0.10.2.dev20260603
libtpu: 0.0.44.dev20260713+nightly
codegen_flags: <defaults>
</compile_context>

<pallas_src>
import functools

import jax
import jax.numpy as jnp
from jax import lax
from jax.experimental import pallas as pl
from jax.experimental.pallas import tpu as pltpu
from jax.experimental.pallas import tpu_sc as plsc

NUM_IMAGES = 8
ANCHORS = 262144
MAX_TARGETS = 512
NW = 32
WPI = NW // NUM_IMAGES
CHUNK = ANCHORS // WPI
SEG = 8192
NSEG = CHUNK // SEG
L = 16


def _sc_loss_kernel(match_hbm, tgt_hbm, rpn_hbm, out_sum, out_cnt,
                    seg_ref, idx_ref, tgt_ref, rows_ref, idx16_ref,
                    stage_f_ref, stage_i_ref, cnt_all_ref,
                    sem):
    c_idx = lax.axis_index("c")
    s_idx = lax.axis_index("s")
    wid = c_idx * 16 + s_idx
    image = wid // WPI
    quarter = s_idx % WPI
    chunk_start = quarter * CHUNK
    gchunk_start = wid * CHUNK

    iota16 = lax.iota(jnp.int32, L)
    zeros_i = jnp.zeros((L,), jnp.int32)
    zeros_f = jnp.zeros((L,), jnp.float32)

    pltpu.sync_copy(tgt_hbm.at[pl.ds(image * MAX_TARGETS * 4,
                                     MAX_TARGETS * 4)], tgt_ref)

    KV = 16

    def seg_body(s, n_vec):
        pltpu.sync_copy(match_hbm.at[pl.ds(gchunk_start + s * SEG, SEG)],
                        seg_ref)

        def blk_body(b, n_vec):
            base = b * (KV * L)
            acc = zeros_i
            for i in range(KV):
                v = seg_ref[pl.ds(base + i * L, L)]
                acc = acc + jnp.where(v == 1, 1, 0)
            tot = jnp.sum(acc)

            def scan_blk(n_vec):
                def vec_body(i, n_vec):
                    v = seg_ref[pl.ds(base + i * L, L)]
                    m = v == 1
                    cum = jnp.cumsum(jnp.where(m, 1, 0))
                    offs = n_vec + cum - 1
                    ids = chunk_start + s * SEG + base + i * L + iota16
                    plsc.store_scatter(idx_ref, [offs], ids, mask=m)
                    return n_vec + plsc.all_reduce_population_count(m)

                return lax.fori_loop(0, KV, vec_body, n_vec)

            return lax.cond(tot > 0, scan_blk, lambda n: n, n_vec)

        return lax.fori_loop(0, SEG // (KV * L), blk_body, n_vec)

    n_vec = lax.fori_loop(0, NSEG, seg_body, zeros_i)

    plsc.store_scatter(idx_ref, [n_vec + iota16], zeros_i)

    stage_i_ref[...] = n_vec
    pltpu.sync_copy(stage_i_ref, out_cnt.at[wid])
    plsc.subcore_barrier()
    pltpu.sync_copy(out_cnt.at[pl.ds((wid // WPI) * WPI, WPI)], cnt_all_ref)
    base_vec = zeros_i
    qvec = jnp.full((L,), quarter, jnp.int32)
    for j in range(WPI):
        row = plsc.load_gather(cnt_all_ref,
                               [jnp.full((L,), j, jnp.int32), iota16])
        base_vec = base_vec + jnp.where(qvec > j, row, zeros_i)

    n_scalar = jnp.sum(jnp.where(iota16 == 0, n_vec, zeros_i))

    img_base = image * (ANCHORS * 4)

    def pos_body(k, acc):
        idxv = idx_ref[pl.ds(k * L, L)]
        idx16_ref[...] = idxv
        copies = []
        for j in range(L):
            a_j = jnp.sum(jnp.where(iota16 == j, idxv, zeros_i))
            off = pl.multiple_of(img_base + (a_j & ~31) * 4, 128)
            copies.append(
                pltpu.async_copy(rpn_hbm.at[pl.ds(off, 128)],
                                 rows_ref.at[pl.ds(j * 128, 128)], sem))
        for cp in copies:
            cp.wait()
        for t in range(4):
            f = t * L + iota16
            r = f >> 2
            c = f & 3
            p = k * L + r
            rank = jnp.minimum(base_vec + p, MAX_TARGETS - 1)
            tgt = plsc.load_gather(tgt_ref, [rank * 4 + c])
            a = plsc.load_gather(idx16_ref, [r])
            rpn = plsc.load_gather(rows_ref, [r * 128 + (a & 31) * 4 + c])
            d = jnp.abs(tgt - rpn)
            sl1 = jnp.where(d < 1.0, 0.5 * d * d, d - 0.5)
            acc = acc + jnp.where(p < n_vec, sl1, zeros_f)
        return acc

    kmax = (n_scalar + (L - 1)) // L
    acc = lax.fori_loop(0, kmax, pos_body, zeros_f)

    stage_f_ref[...] = acc
    pltpu.sync_copy(stage_f_ref, out_sum.at[wid])


@jax.jit
def kernel(target_bbox, rpn_match, rpn_bbox):
    match_flat = jnp.reshape(rpn_match, (NUM_IMAGES * ANCHORS,))
    tgt_flat = jnp.reshape(target_bbox, (NUM_IMAGES * MAX_TARGETS * 4,))
    rpn_flat = jnp.reshape(rpn_bbox, (NUM_IMAGES * ANCHORS * 4,))

    mesh = plsc.VectorSubcoreMesh(core_axis_name="c", subcore_axis_name="s")
    f = functools.partial(
        pl.kernel,
        mesh=mesh,
        compiler_params=pltpu.CompilerParams(needs_layout_passes=False),
        out_type=[
            jax.ShapeDtypeStruct((NW, L), jnp.float32),
            jax.ShapeDtypeStruct((NW, L), jnp.int32),
        ],
        scratch_types=[
            pltpu.VMEM((SEG,), jnp.int32),
            pltpu.VMEM((CHUNK + L,), jnp.int32),
            pltpu.VMEM((MAX_TARGETS * 4,), jnp.float32),
            pltpu.VMEM((L * 128,), jnp.float32),
            pltpu.VMEM((L,), jnp.int32),
            pltpu.VMEM((L,), jnp.float32),
            pltpu.VMEM((L,), jnp.int32),
            pltpu.VMEM((WPI, L), jnp.int32),
            pltpu.SemaphoreType.DMA,
        ],
    )(_sc_loss_kernel)
    part_sum, part_cnt = f(match_flat, tgt_flat, rpn_flat)

    total = jnp.sum(part_sum)
    num_pos = jnp.sum(part_cnt[:, 0])
    num_elems = (num_pos * 4).astype(jnp.float32)
    return jnp.where(num_pos > 0, total / jnp.maximum(num_elems, 1.0),
                     jnp.asarray(0.0, dtype=jnp.float32))

# --- scband reference (transcript-rebuilt; emitter-appended) ---
"""Pipeline reference for scband-rpnbbox-loss-38637525795002 (READ-ONLY COPY).

The authoritative reference and input builder live on the scoring server;
editing this copy changes nothing except your own understanding.
"""

import jax, jax.numpy as jnp
import numpy as np

IMAGES_PER_GPU = 8


def smooth_l1_loss(y_true, y_pred):
    diff = jnp.abs(y_true - y_pred)
    less_than_one = (diff < 1.0).astype(diff.dtype)
    return less_than_one * 0.5 * diff ** 2 + (1.0 - less_than_one) * (diff - 0.5)


def setup_inputs(seed: int = 0):
    key = jax.random.key(seed)
    k1, k2, k3 = jax.random.split(key, 3)
    target_bbox = jax.random.normal(k1, (8, 512, 4), dtype=jnp.float32)
    rpn_match = jax.random.randint(k2, (8, 262144, 1), 0, 1024)
    rpn_bbox = jax.random.normal(k3, (8, 262144, 4), dtype=jnp.float32)
    return {"target_bbox": target_bbox, "rpn_match": rpn_match, "rpn_bbox": rpn_bbox}


def reference(target_bbox, rpn_match, rpn_bbox):
    # rpn_match: [B, A, 1] -> [B, A]
    match = jnp.squeeze(rpn_match, -1)
    pos_mask = (match == 1)
    # within-image rank of each positive anchor (tf.where/argwhere ordering is
    # row-major, so the j-th positive in image i pairs with target_bbox[i, j])
    rank = jnp.cumsum(pos_mask.astype(jnp.int32), axis=1) - 1
    max_targets = target_bbox.shape[1]
    rank_clipped = jnp.clip(rank, 0, max_targets - 1)
    # tf.gather_nd / batch_pack_graph equivalent at fixed shape [B, A, 4]
    paired_target = jnp.take_along_axis(target_bbox, rank_clipped[..., None], axis=1)
    loss_all = smooth_l1_loss(paired_target, rpn_bbox)
    mask_f = pos_mask.astype(loss_all.dtype)[..., None]
    num_pos = jnp.sum(pos_mask.astype(jnp.int32))
    num_elems = (num_pos * 4).astype(loss_all.dtype)
    loss_sum = jnp.sum(loss_all * mask_f)
    loss = jnp.where(num_pos > 0, loss_sum / jnp.maximum(num_elems, 1.0),
                     jnp.asarray(0.0, dtype=jnp.float32))
    return loss

if __name__ == "__main__":
    import jax
    _d = setup_inputs()
    print(jax.jit(kernel)(*tuple(_d.values())))

</pallas_src>

<mosaic_0001>
#map = affine_map<(d0, d1) -> (0)>
#map1 = affine_map<(d0, d1) -> (0, 0)>
module attributes {stable_mosaic.version = 14 : i64} {
  func.func @_sc_loss_kernel(%arg0: i32, %arg1: i32, %arg2: memref<2097152xi32, #tpu.memory_space<hbm>>, %arg3: memref<16384xf32, #tpu.memory_space<hbm>>, %arg4: memref<8388608xf32, #tpu.memory_space<hbm>>, %arg5: memref<32x16xf32, #tpu.memory_space<hbm>>, %arg6: memref<32x16xi32, #tpu.memory_space<hbm>>, %arg7: memref<8192xi32, #tpu.memory_space<vmem>>, %arg8: memref<65552xi32, #tpu.memory_space<vmem>>, %arg9: memref<2048xf32, #tpu.memory_space<vmem>>, %arg10: memref<2048xf32, #tpu.memory_space<vmem>>, %arg11: memref<16xi32, #tpu.memory_space<vmem>>, %arg12: memref<16xf32, #tpu.memory_space<vmem>>, %arg13: memref<16xi32, #tpu.memory_space<vmem>>, %arg14: memref<4x16xi32, #tpu.memory_space<vmem>>, %arg15: memref<!tpu.dma_semaphore, #tpu.memory_space<semaphore_mem>>) attributes {dimension_semantics = [#tpu.dimension_semantics<core_parallel>, #tpu.dimension_semantics<subcore_parallel>], iteration_bounds = array<i64: 2, 16>, scalar_prefetch = 0 : i64, scratch_operands = 9 : i64, tpu.core_type = #tpu.core_type<sc_vector_subcore>, window_params = [{transform_indices = #map}, {transform_indices = #map}, {transform_indices = #map}, {transform_indices = #map1}, {transform_indices = #map1}]} {
    %mul3A = arith.constant 16 : i32
    %mul3A_0 = arith.muli %arg0, %mul3A : i32
    %add3A = arith.addi %mul3A_0, %arg1 : i32
    %jit3A = arith.constant 4 : i32
    %div3A = arith.divsi %add3A, %jit3A : i32
    %sign3A = arith.constant 0 : i32
    %sign3A_1 = arith.cmpi sgt, %add3A, %sign3A : i32
    %sign3A_2 = arith.extui %sign3A_1 : i1 to i32
    %sign3A_3 = arith.constant 0 : i32
    %sign3A_4 = arith.cmpi slt, %add3A, %sign3A_3 : i32
    %sign3A_5 = arith.extui %sign3A_4 : i1 to i32
    %sign3A_6 = arith.subi %sign3A_2, %sign3A_5 : i32
    %sign3A_7 = arith.constant 0 : i32
    %sign3A_8 = arith.cmpi sgt, %jit3A, %sign3A_7 : i32
    %sign3A_9 = arith.extui %sign3A_8 : i1 to i32
    %sign3A_10 = arith.constant 0 : i32
    %sign3A_11 = arith.cmpi slt, %jit3A, %sign3A_10 : i32
    %sign3A_12 = arith.extui %sign3A_11 : i1 to i32
    %sign3A_13 = arith.subi %sign3A_9, %sign3A_12 : i32
    %ne3A = arith.cmpi ne, %sign3A_6, %sign3A_13 : i32
    %rem3A = arith.remsi %add3A, %jit3A : i32
    %ne3A_14 = arith.constant 0 : i32
    %ne3A_15 = arith.cmpi ne, %rem3A, %ne3A_14 : i32
    %and3A = arith.andi %ne3A, %ne3A_15 : i1
    %sub3A = arith.constant 1 : i32
    %sub3A_16 = arith.subi %div3A, %sub3A : i32
    %select_n3A = arith.select %and3A, %sub3A_16, %div3A : i32
    %jit3A_17 = arith.constant 4 : i32
    %eq3A = arith.constant 0 : i32
    %eq3A_18 = arith.cmpi eq, %jit3A_17, %eq3A : i32
    %jit3A_19 = arith.constant 1 : i32
    %select_n3A_20 = arith.select %eq3A_18, %jit3A_19, %jit3A_17 : i32
    %rem3A_21 = arith.remsi %arg1, %select_n3A_20 : i32
    %ne3A_22 = arith.constant 0 : i32
    %ne3A_23 = arith.cmpi ne, %rem3A_21, %ne3A_22 : i32
    %lt3A = arith.constant 0 : i32
    %lt3A_24 = arith.cmpi slt, %rem3A_21, %lt3A : i32
    %lt3A_25 = arith.constant 0 : i32
    %lt3A_26 = arith.cmpi slt, %select_n3A_20, %lt3A_25 : i32
    %ne3A_27 = arith.xori %lt3A_24, %lt3A_26 : i1
    %and3A_28 = arith.andi %ne3A_27, %ne3A_23 : i1
    %add3A_29 = arith.addi %rem3A_21, %select_n3A_20 : i32
    %select_n3A_30 = arith.select %and3A_28, %add3A_29, %rem3A_21 : i32
    %mul3A_31 = arith.constant 65536 : i32
    %mul3A_32 = arith.muli %select_n3A_30, %mul3A_31 : i32
    %mul3A_33 = arith.constant 65536 : i32
    %mul3A_34 = arith.muli %add3A, %mul3A_33 : i32
    %iota3A = tpu.iota {dimensions = array<i32: 0>} : vector<16xi32>
    %broadcast_in_dim3A = arith.constant 0 : i32
    %broadcast_in_dim3A_35 = vector.broadcast %broadcast_in_dim3A : i32 to vector<16xi32>
    %broadcast_in_dim3A_36 = arith.constant 0.000000e+00 : f32
    %broadcast_in_dim3A_37 = vector.broadcast %broadcast_in_dim3A_36 : f32 to vector<16xf32>
    %mul3A_38 = arith.constant 512 : i32
    %mul3A_39 = arith.muli %select_n3A, %mul3A_38 : i32
    %mul3A_40 = arith.constant 4 : i32
    %mul3A_41 = arith.muli %mul3A_39, %mul3A_40 : i32
    "tpu.region"() ({
      %run_scoped3A = tpu.sem_alloc : memref<!tpu.dma_semaphore, #tpu.memory_space<semaphore_mem>>
      %dma_start3A = tpu.memref_slice %arg3[%mul3A_41] : memref<16384xf32, #tpu.memory_space<hbm>> -> memref<2048xf32, #tpu.memory_space<hbm>>
      %dma_start3A_153 = tpu.memref_slice %arg3[%mul3A_41] : memref<16384xf32, #tpu.memory_space<hbm>> -> memref<2048xf32, #tpu.memory_space<hbm>>
      tpu.enqueue_dma source(%dma_start3A_153 : memref<2048xf32, #tpu.memory_space<hbm>>) target(%arg9 : memref<2048xf32, #tpu.memory_space<vmem>>) target_semaphore(%run_scoped3A : memref<!tpu.dma_semaphore, #tpu.memory_space<semaphore_mem>>)
      %dma_wait3A = tpu.memref_slice %arg3[%mul3A_41] : memref<16384xf32, #tpu.memory_space<hbm>> -> memref<2048xf32, #tpu.memory_space<hbm>>
      %dma_wait3A_154 = tpu.memref_slice %arg3[%mul3A_41] : memref<16384xf32, #tpu.memory_space<hbm>> -> memref<2048xf32, #tpu.memory_space<hbm>>
      tpu.wait_dma2 semaphore(%run_scoped3A : memref<!tpu.dma_semaphore, #tpu.memory_space<semaphore_mem>>) src(%dma_wait3A_154 : memref<2048xf32, #tpu.memory_space<hbm>>) dst(%arg9 : memref<2048xf32, #tpu.memory_space<vmem>>)
      tpu.yield
    }) : () -> ()
    %scan3A = arith.constant 0 : i32
    %scan3A_42 = arith.constant 8 : i32
    %scan3A_43 = arith.addi %scan3A, %scan3A_42 : i32
    %scan3A_44 = arith.constant 1 : i32
    %scan3A_45 = scf.for %scan3A_153 = %scan3A to %scan3A_43 step %scan3A_44 iter_args(%scan3A_154 = %broadcast_in_dim3A_35) -> (vector<16xi32>)  : i32 {
      %mul3A_155 = arith.constant 8192 : i32
      %mul3A_156 = arith.muli %scan3A_153, %mul3A_155 : i32
      %add3A_157 = arith.addi %mul3A_34, %mul3A_156 : i32
      "tpu.region"() ({
        %run_scoped3A = tpu.sem_alloc : memref<!tpu.dma_semaphore, #tpu.memory_space<semaphore_mem>>
        %dma_start3A = tpu.memref_slice %arg2[%add3A_157] : memref<2097152xi32, #tpu.memory_space<hbm>> -> memref<8192xi32, #tpu.memory_space<hbm>>
        %dma_start3A_164 = tpu.memref_slice %arg2[%add3A_157] : memref<2097152xi32, #tpu.memory_space<hbm>> -> memref<8192xi32, #tpu.memory_space<hbm>>
        tpu.enqueue_dma source(%dma_start3A_164 : memref<8192xi32, #tpu.memory_space<hbm>>) target(%arg7 : memref<8192xi32, #tpu.memory_space<vmem>>) target_semaphore(%run_scoped3A : memref<!tpu.dma_semaphore, #tpu.memory_space<semaphore_mem>>)
        %dma_wait3A = tpu.memref_slice %arg2[%add3A_157] : memref<2097152xi32, #tpu.memory_space<hbm>> -> memref<8192xi32, #tpu.memory_space<hbm>>
        %dma_wait3A_165 = tpu.memref_slice %arg2[%add3A_157] : memref<2097152xi32, #tpu.memory_space<hbm>> -> memref<8192xi32, #tpu.memory_space<hbm>>
        tpu.wait_dma2 semaphore(%run_scoped3A : memref<!tpu.dma_semaphore, #tpu.memory_space<semaphore_mem>>) src(%dma_wait3A_165 : memref<8192xi32, #tpu.memory_space<hbm>>) dst(%arg7 : memref<8192xi32, #tpu.memory_space<vmem>>)
        tpu.yield
      }) : () -> ()
      %scan3A_158 = arith.constant 0 : i32
      %scan3A_159 = arith.constant 32 : i32
      %scan3A_160 = arith.addi %scan3A_158, %scan3A_159 : i32
      %scan3A_161 = arith.constant 1 : i32
      %scan3A_162 = scf.for %scan3A_164 = %scan3A_158 to %scan3A_160 step %scan3A_161 iter_args(%scan3A_165 = %scan3A_154) -> (vector<16xi32>)  : i32 {
        %mul3A_166 = arith.constant 256 : i32
        %mul3A_167 = arith.muli %scan3A_164, %mul3A_166 : i32
        %add3A_168 = arith.constant 0 : i32
        %add3A_169 = arith.addi %mul3A_167, %add3A_168 : i32
        %get3A = arith.index_cast %add3A_169 : i32 to index
        %get3A_170 = tpu.vector_load %arg7[%get3A] {strides = array<i32>} : memref<8192xi32, #tpu.memory_space<vmem>>, vector<16xi32>,
        %eq3A_171 = arith.constant 1 : i32
        %eq3A_172 = vector.broadcast %eq3A_171 : i32 to vector<16xi32>
        %eq3A_173 = arith.cmpi eq, %get3A_170, %eq3A_172 : vector<16xi32>
        %jit3A_174 = arith.constant 1 : i32
        %jit3A_175 = arith.constant 0 : i32
        %broadcast_in_dim3A_176 = vector.broadcast %jit3A_174 : i32 to vector<16xi32>
        %broadcast_in_dim3A_177 = vector.broadcast %jit3A_175 : i32 to vector<16xi32>
        %select_n3A_178 = arith.select %eq3A_173, %broadcast_in_dim3A_176, %broadcast_in_dim3A_177 : vector<16xi1>, vector<16xi32>
        %add3A_179 = arith.addi %broadcast_in_dim3A_35, %select_n3A_178 : vector<16xi32>
        %add3A_180 = arith.constant 16 : i32
        %add3A_181 = arith.addi %mul3A_167, %add3A_180 : i32
        %get3A_182 = arith.index_cast %add3A_181 : i32 to index
        %get3A_183 = tpu.vector_load %arg7[%get3A_182] {strides = array<i32>} : memref<8192xi32, #tpu.memory_space<vmem>>, vector<16xi32>,
        %eq3A_184 = arith.constant 1 : i32
        %eq3A_185 = vector.broadcast %eq3A_184 : i32 to vector<16xi32>
        %eq3A_186 = arith.cmpi eq, %get3A_183, %eq3A_185 : vector<16xi32>
        %jit3A_187 = arith.constant 1 : i32
        %jit3A_188 = arith.constant 0 : i32
        %broadcast_in_dim3A_189 = vector.broadcast %jit3A_187 : i32 to vector<16xi32>
        %broadcast_in_dim3A_190 = vector.broadcast %jit3A_188 : i32 to vector<16xi32>
        %select_n3A_191 = arith.select %eq3A_186, %broadcast_in_dim3A_189, %broadcast_in_dim3A_190 : vector<16xi1>, vector<16xi32>
        %add3A_192 = arith.addi %add3A_179, %select_n3A_191 : vector<16xi32>
        %add3A_193 = arith.constant 32 : i32
        %add3A_194 = arith.addi %mul3A_167, %add3A_193 : i32
        %get3A_195 = arith.index_cast %add3A_194 : i32 to index
        %get3A_196 = tpu.vector_load %arg7[%get3A_195] {strides = array<i32>} : memref<8192xi32, #tpu.memory_space<vmem>>, vector<16xi32>,
        %eq3A_197 = arith.constant 1 : i32
        %eq3A_198 = vector.broadcast %eq3A_197 : i32 to vector<16xi32>
        %eq3A_199 = arith.cmpi eq, %get3A_196, %eq3A_198 : vector<16xi32>
        %jit3A_200 = arith.constant 1 : i32
        %jit3A_201 = arith.constant 0 : i32
        %broadcast_in_dim3A_202 = vector.broadcast %jit3A_200 : i32 to vector<16xi32>
        %broadcast_in_dim3A_203 = vector.broadcast %jit3A_201 : i32 to vector<16xi32>
        %select_n3A_204 = arith.select %eq3A_199, %broadcast_in_dim3A_202, %broadcast_in_dim3A_203 : vector<16xi1>, vector<16xi32>
        %add3A_205 = arith.addi %add3A_192, %select_n3A_204 : vector<16xi32>
        %add3A_206 = arith.constant 48 : i32
        %add3A_207 = arith.addi %mul3A_167, %add3A_206 : i32
        %get3A_208 = arith.index_cast %add3A_207 : i32 to index
        %get3A_209 = tpu.vector_load %arg7[%get3A_208] {strides = array<i32>} : memref<8192xi32, #tpu.memory_space<vmem>>, vector<16xi32>,
        %eq3A_210 = arith.constant 1 : i32
        %eq3A_211 = vector.broadcast %eq3A_210 : i32 to vector<16xi32>
        %eq3A_212 = arith.cmpi eq, %get3A_209, %eq3A_211 : vector<16xi32>
        %jit3A_213 = arith.constant 1 : i32
        %jit3A_214 = arith.constant 0 : i32
        %broadcast_in_dim3A_215 = vector.broadcast %jit3A_213 : i32 to vector<16xi32>
        %broadcast_in_dim3A_216 = vector.broadcast %jit3A_214 : i32 to vector<16xi32>
        %select_n3A_217 = arith.select %eq3A_212, %broadcast_in_dim3A_215, %broadcast_in_dim3A_216 : vector<16xi1>, vector<16xi32>
        %add3A_218 = arith.addi %add3A_205, %select_n3A_217 : vector<16xi32>
        %add3A_219 = arith.constant 64 : i32
        %add3A_220 = arith.addi %mul3A_167, %add3A_219 : i32
        %get3A_221 = arith.index_cast %add3A_220 : i32 to index
        %get3A_222 = tpu.vector_load %arg7[%get3A_221] {strides = array<i32>} : memref<8192xi32, #tpu.memory_space<vmem>>, vector<16xi32>,
        %eq3A_223 = arith.constant 1 : i32
        %eq3A_224 = vector.broadcast %eq3A_223 : i32 to vector<16xi32>
        %eq3A_225 = arith.cmpi eq, %get3A_222, %eq3A_224 : vector<16xi32>
        %jit3A_226 = arith.constant 1 : i32
        %jit3A_227 = arith.constant 0 : i32
        %broadcast_in_dim3A_228 = vector.broadcast %jit3A_226 : i32 to vector<16xi32>
        %broadcast_in_dim3A_229 = vector.broadcast %jit3A_227 : i32 to vector<16xi32>
        %select_n3A_230 = arith.select %eq3A_225, %broadcast_in_dim3A_228, %broadcast_in_dim3A_229 : vector<16xi1>, vector<16xi32>
        %add3A_231 = arith.addi %add3A_218, %select_n3A_230 : vector<16xi32>
        %add3A_232 = arith.constant 80 : i32
        %add3A_233 = arith.addi %mul3A_167, %add3A_232 : i32
        %get3A_234 = arith.index_cast %add3A_233 : i32 to index
        %get3A_235 = tpu.vector_load %arg7[%get3A_234] {strides = array<i32>} : memref<8192xi32, #tpu.memory_space<vmem>>, vector<16xi32>,
        %eq3A_236 = arith.constant 1 : i32
        %eq3A_237 = vector.broadcast %eq3A_236 : i32 to vector<16xi32>
        %eq3A_238 = arith.cmpi eq, %get3A_235, %eq3A_237 : vector<16xi32>
        %jit3A_239 = arith.constant 1 : i32
        %jit3A_240 = arith.constant 0 : i32
        %broadcast_in_dim3A_241 = vector.broadcast %jit3A_239 : i32 to vector<16xi32>
        %broadcast_in_dim3A_242 = vector.broadcast %jit3A_240 : i32 to vector<16xi32>
        %select_n3A_243 = arith.select %eq3A_238, %broadcast_in_dim3A_241, %broadcast_in_dim3A_242 : vector<16xi1>, vector<16xi32>
        %add3A_244 = arith.addi %add3A_231, %select_n3A_243 : vector<16xi32>
        %add3A_245 = arith.constant 96 : i32
        %add3A_246 = arith.addi %mul3A_167, %add3A_245 : i32
        %get3A_247 = arith.index_cast %add3A_246 : i32 to index
        %get3A_248 = tpu.vector_load %arg7[%get3A_247] {strides = array<i32>} : memref<8192xi32, #tpu.memory_space<vmem>>, vector<16xi32>,
        %eq3A_249 = arith.constant 1 : i32
        %eq3A_250 = vector.broadcast %eq3A_249 : i32 to vector<16xi32>
        %eq3A_251 = arith.cmpi eq, %get3A_248, %eq3A_250 : vector<16xi32>
        %jit3A_252 = arith.constant 1 : i32
        %jit3A_253 = arith.constant 0 : i32
        %broadcast_in_dim3A_254 = vector.broadcast %jit3A_252 : i32 to vector<16xi32>
        %broadcast_in_dim3A_255 = vector.broadcast %jit3A_253 : i32 to vector<16xi32>
        %select_n3A_256 = arith.select %eq3A_251, %broadcast_in_dim3A_254, %broadcast_in_dim3A_255 : vector<16xi1>, vector<16xi32>
        %add3A_257 = arith.addi %add3A_244, %select_n3A_256 : vector<16xi32>
        %add3A_258 = arith.constant 112 : i32
        %add3A_259 = arith.addi %mul3A_167, %add3A_258 : i32
        %get3A_260 = arith.index_cast %add3A_259 : i32 to index
        %get3A_261 = tpu.vector_load %arg7[%get3A_260] {strides = array<i32>} : memref<8192xi32, #tpu.memory_space<vmem>>, vector<16xi32>,
        %eq3A_262 = arith.constant 1 : i32
        %eq3A_263 = vector.broadcast %eq3A_262 : i32 to vector<16xi32>
        %eq3A_264 = arith.cmpi eq, %get3A_261, %eq3A_263 : vector<16xi32>
        %jit3A_265 = arith.constant 1 : i32
        %jit3A_266 = arith.constant 0 : i32
        %broadcast_in_dim3A_267 = vector.broadcast %jit3A_265 : i32 to vector<16xi32>
        %broadcast_in_dim3A_268 = vector.broadcast %jit3A_266 : i32 to vector<16xi32>
        %select_n3A_269 = arith.select %eq3A_264, %broadcast_in_dim3A_267, %broadcast_in_dim3A_268 : vector<16xi1>, vector<16xi32>
        %add3A_270 = arith.addi %add3A_257, %select_n3A_269 : vector<16xi32>
        %add3A_271 = arith.constant 128 : i32
        %add3A_272 = arith.addi %mul3A_167, %add3A_271 : i32
        %get3A_273 = arith.index_cast %add3A_272 : i32 to index
        %get3A_274 = tpu.vector_load %arg7[%get3A_273] {strides = array<i32>} : memref<8192xi32, #tpu.memory_space<vmem>>, vector<16xi32>,
        %eq3A_275 = arith.constant 1 : i32
        %eq3A_276 = vector.broadcast %eq3A_275 : i32 to vector<16xi32>
        %eq3A_277 = arith.cmpi eq, %get3A_274, %eq3A_276 : vector<16xi32>
        %jit3A_278 = arith.constant 1 : i32
        %jit3A_279 = arith.constant 0 : i32
        %broadcast_in_dim3A_280 = vector.broadcast %jit3A_278 : i32 to vector<16xi32>
        %broadcast_in_dim3A_281 = vector.broadcast %jit3A_279 : i32 to vector<16xi32>
        %select_n3A_282 = arith.select %eq3A_277, %broadcast_in_dim3A_280, %broadcast_in_dim3A_281 : vector<16xi1>, vector<16xi32>
        %add3A_283 = arith.addi %add3A_270, %select_n3A_282 : vector<16xi32>
        %add3A_284 = arith.constant 144 : i32
        %add3A_285 = arith.addi %mul3A_167, %add3A_284 : i32
        %get3A_286 = arith.index_cast %add3A_285 : i32 to index
        %get3A_287 = tpu.vector_load %arg7[%get3A_286] {strides = array<i32>} : memref<8192xi32, #tpu.memory_space<vmem>>, vector<16xi32>,
        %eq3A_288 = arith.constant 1 : i32
        %eq3A_289 = vector.broadcast %eq3A_288 : i32 to vector<16xi32>
        %eq3A_290 = arith.cmpi eq, %get3A_287, %eq3A_289 : vector<16xi32>
        %jit3A_291 = arith.constant 1 : i32
        %jit3A_292 = arith.constant 0 : i32
        %broadcast_in_dim3A_293 = vector.broadcast %jit3A_291 : i32 to vector<16xi32>
        %broadcast_in_dim3A_294 = vector.broadcast %jit3A_292 : i32 to vector<16xi32>
        %select_n3A_295 = arith.select %eq3A_290, %broadcast_in_dim3A_293, %broadcast_in_dim3A_294 : vector<16xi1>, vector<16xi32>
        %add3A_296 = arith.addi %add3A_283, %select_n3A_295 : vector<16xi32>
        %add3A_297 = arith.constant 160 : i32
        %add3A_298 = arith.addi %mul3A_167, %add3A_297 : i32
        %get3A_299 = arith.index_cast %add3A_298 : i32 to index
        %get3A_300 = tpu.vector_load %arg7[%get3A_299] {strides = array<i32>} : memref<8192xi32, #tpu.memory_space<vmem>>, vector<16xi32>,
        %eq3A_301 = arith.constant 1 : i32
        %eq3A_302 = vector.broadcast %eq3A_301 : i32 to vector<16xi32>
        %eq3A_303 = arith.cmpi eq, %get3A_300, %eq3A_302 : vector<16xi32>
        %jit3A_304 = arith.constant 1 : i32
        %jit3A_305 = arith.constant 0 : i32
        %broadcast_in_dim3A_306 = vector.broadcast %jit3A_304 : i32 to vector<16xi32>
        %broadcast_in_dim3A_307 = vector.broadcast %jit3A_305 : i32 to vector<16xi32>
        %select_n3A_308 = arith.select %eq3A_303, %broadcast_in_dim3A_306, %broadcast_in_dim3A_307 : vector<16xi1>, vector<16xi32>
        %add3A_309 = arith.addi %add3A_296, %select_n3A_308 : vector<16xi32>
        %add3A_310 = arith.constant 176 : i32
        %add3A_311 = arith.addi %mul3A_167, %add3A_310 : i32
        %get3A_312 = arith.index_cast %add3A_311 : i32 to index
        %get3A_313 = tpu.vector_load %arg7[%get3A_312] {strides = array<i32>} : memref<8192xi32, #tpu.memory_space<vmem>>, vector<16xi32>,
        %eq3A_314 = arith.constant 1 : i32
        %eq3A_315 = vector.broadcast %eq3A_314 : i32 to vector<16xi32>
        %eq3A_316 = arith.cmpi eq, %get3A_313, %eq3A_315 : vector<16xi32>
        %jit3A_317 = arith.constant 1 : i32
        %jit3A_318 = arith.constant 0 : i32
        %broadcast_in_dim3A_319 = vector.broadcast %jit3A_317 : i32 to vector<16xi32>
        %broadcast_in_dim3A_320 = vector.broadcast %jit3A_318 : i32 to vector<16xi32>
        %select_n3A_321 = arith.select %eq3A_316, %broadcast_in_dim3A_319, %broadcast_in_dim3A_320 : vector<16xi1>, vector<16xi32>
        %add3A_322 = arith.addi %add3A_309, %select_n3A_321 : vector<16xi32>
        %add3A_323 = arith.constant 192 : i32
        %add3A_324 = arith.addi %mul3A_167, %add3A_323 : i32
        %get3A_325 = arith.index_cast %add3A_324 : i32 to index
        %get3A_326 = tpu.vector_load %arg7[%get3A_325] {strides = array<i32>} : memref<8192xi32, #tpu.memory_space<vmem>>, vector<16xi32>,
        %eq3A_327 = arith.constant 1 : i32
        %eq3A_328 = vector.broadcast %eq3A_327 : i32 to vector<16xi32>
        %eq3A_329 = arith.cmpi eq, %get3A_326, %eq3A_328 : vector<16xi32>
        %jit3A_330 = arith.constant 1 : i32
        %jit3A_331 = arith.constant 0 : i32
        %broadcast_in_dim3A_332 = vector.broadcast %jit3A_330 : i32 to vector<16xi32>
        %broadcast_in_dim3A_333 = vector.broadcast %jit3A_331 : i32 to vector<16xi32>
        %select_n3A_334 = arith.select %eq3A_329, %broadcast_in_dim3A_332, %broadcast_in_dim3A_333 : vector<16xi1>, vector<16xi32>
        %add3A_335 = arith.addi %add3A_322, %select_n3A_334 : vector<16xi32>
        %add3A_336 = arith.constant 208 : i32
        %add3A_337 = arith.addi %mul3A_167, %add3A_336 : i32
        %get3A_338 = arith.index_cast %add3A_337 : i32 to index
        %get3A_339 = tpu.vector_load %arg7[%get3A_338] {strides = array<i32>} : memref<8192xi32, #tpu.memory_space<vmem>>, vector<16xi32>,
        %eq3A_340 = arith.constant 1 : i32
        %eq3A_341 = vector.broadcast %eq3A_340 : i32 to vector<16xi32>
        %eq3A_342 = arith.cmpi eq, %get3A_339, %eq3A_341 : vector<16xi32>
        %jit3A_343 = arith.constant 1 : i32
        %jit3A_344 = arith.constant 0 : i32
        %broadcast_in_dim3A_345 = vector.broadcast %jit3A_343 : i32 to vector<16xi32>
        %broadcast_in_dim3A_346 = vector.broadcast %jit3A_344 : i32 to vector<16xi32>
        %select_n3A_347 = arith.select %eq3A_342, %broadcast_in_dim3A_345, %broadcast_in_dim3A_346 : vector<16xi1>, vector<16xi32>
        %add3A_348 = arith.addi %add3A_335, %select_n3A_347 : vector<16xi32>
        %add3A_349 = arith.constant 224 : i32
        %add3A_350 = arith.addi %mul3A_167, %add3A_349 : i32
        %get3A_351 = arith.index_cast %add3A_350 : i32 to index
        %get3A_352 = tpu.vector_load %arg7[%get3A_351] {strides = array<i32>} : memref<8192xi32, #tpu.memory_space<vmem>>, vector<16xi32>,
        %eq3A_353 = arith.constant 1 : i32
        %eq3A_354 = vector.broadcast %eq3A_353 : i32 to vector<16xi32>
        %eq3A_355 = arith.cmpi eq, %get3A_352, %eq3A_354 : vector<16xi32>
        %jit3A_356 = arith.constant 1 : i32
        %jit3A_357 = arith.constant 0 : i32
        %broadcast_in_dim3A_358 = vector.broadcast %jit3A_356 : i32 to vector<16xi32>
        %broadcast_in_dim3A_359 = vector.broadcast %jit3A_357 : i32 to vector<16xi32>
        %select_n3A_360 = arith.select %eq3A_355, %broadcast_in_dim3A_358, %broadcast_in_dim3A_359 : vector<16xi1>, vector<16xi32>
        %add3A_361 = arith.addi %add3A_348, %select_n3A_360 : vector<16xi32>
        %add3A_362 = arith.constant 240 : i32
        %add3A_363 = arith.addi %mul3A_167, %add3A_362 : i32
        %get3A_364 = arith.index_cast %add3A_363 : i32 to index
        %get3A_365 = tpu.vector_load %arg7[%get3A_364] {strides = array<i32>} : memref<8192xi32, #tpu.memory_space<vmem>>, vector<16xi32>,
        %eq3A_366 = arith.constant 1 : i32
        %eq3A_367 = vector.broadcast %eq3A_366 : i32 to vector<16xi32>
        %eq3A_368 = arith.cmpi eq, %get3A_365, %eq3A_367 : vector<16xi32>
        %jit3A_369 = arith.constant 1 : i32
        %jit3A_370 = arith.constant 0 : i32
        %broadcast_in_dim3A_371 = vector.broadcast %jit3A_369 : i32 to vector<16xi32>
        %broadcast_in_dim3A_372 = vector.broadcast %jit3A_370 : i32 to vector<16xi32>
        %select_n3A_373 = arith.select %eq3A_368, %broadcast_in_dim3A_371, %broadcast_in_dim3A_372 : vector<16xi1>, vector<16xi32>
        %add3A_374 = arith.addi %add3A_361, %select_n3A_373 : vector<16xi32>
        %reduce_sum3A_375 = arith.constant true
        %reduce_sum3A_376 = vector.broadcast %reduce_sum3A_375 : i1 to vector<16xi1>
        %reduce_sum3A_377 = tpu.scan <sum>, %add3A_374 masked %reduce_sum3A_376 : vector<16xi32>, vector<16xi1> -> vector<16xi32>
        %reduce_sum3A_378 = vector.extract %reduce_sum3A_377[15] : i32 from vector<16xi32>
        %gt3A_379 = arith.constant 0 : i32
        %gt3A_380 = arith.cmpi sgt, %reduce_sum3A_378, %gt3A_379 : i32
        %convert_element_type3A = arith.extui %gt3A_380 : i1 to i32
        %cond3A = arith.constant 0 : i32
        %cond3A_381 = arith.cmpi ne, %convert_element_type3A, %cond3A : i32
        %cond3A_382 = scf.if %cond3A_381 -> (vector<16xi32>) {
          %scan3A_383 = arith.constant 0 : i32
          %scan3A_384 = arith.constant 16 : i32
          %scan3A_385 = arith.addi %scan3A_383, %scan3A_384 : i32
          %scan3A_386 = arith.constant 1 : i32
          %scan3A_387 = scf.for %scan3A_389 = %scan3A_383 to %scan3A_385 step %scan3A_386 iter_args(%scan3A_390 = %scan3A_165) -> (vector<16xi32>)  : i32 {
            %mul3A_391 = arith.constant 16 : i32
            %mul3A_392 = arith.muli %scan3A_389, %mul3A_391 : i32
            %add3A_393 = arith.addi %mul3A_167, %mul3A_392 : i32
            %get3A_394 = arith.index_cast %add3A_393 : i32 to index
            %get3A_395 = tpu.vector_load %arg7[%get3A_394] {strides = array<i32>} : memref<8192xi32, #tpu.memory_space<vmem>>, vector<16xi32>,
            %eq3A_396 = arith.constant 1 : i32
            %eq3A_397 = vector.broadcast %eq3A_396 : i32 to vector<16xi32>
            %eq3A_398 = arith.cmpi eq, %get3A_395, %eq3A_397 : vector<16xi32>
            %jit3A_399 = arith.constant 1 : i32
            %jit3A_400 = arith.constant 0 : i32
            %broadcast_in_dim3A_401 = vector.broadcast %jit3A_399 : i32 to vector<16xi32>
            %broadcast_in_dim3A_402 = vector.broadcast %jit3A_400 : i32 to vector<16xi32>
            %select_n3A_403 = arith.select %eq3A_398, %broadcast_in_dim3A_401, %broadcast_in_dim3A_402 : vector<16xi1>, vector<16xi32>
            %cumsum3A = arith.constant true
            %cumsum3A_404 = vector.broadcast %cumsum3A : i1 to vector<16xi1>
            %cumsum3A_405 = tpu.scan <sum>, %select_n3A_403 masked %cumsum3A_404 : vector<16xi32>, vector<16xi1> -> vector<16xi32>
            %add3A_406 = arith.addi %scan3A_390, %cumsum3A_405 : vector<16xi32>
            %sub3A_407 = arith.constant 1 : i32
            %sub3A_408 = vector.broadcast %sub3A_407 : i32 to vector<16xi32>
            %sub3A_409 = arith.subi %add3A_406, %sub3A_408 : vector<16xi32>
            %mul3A_410 = arith.constant 8192 : i32
            %mul3A_411 = arith.muli %scan3A_153, %mul3A_410 : i32
            %add3A_412 = arith.addi %mul3A_32, %mul3A_411 : i32
            %add3A_413 = arith.addi %add3A_412, %mul3A_167 : i32
            %mul3A_414 = arith.constant 16 : i32
            %mul3A_415 = arith.muli %scan3A_389, %mul3A_414 : i32
            %add3A_416 = arith.addi %add3A_413, %mul3A_415 : i32
            %add3A_417 = vector.broadcast %add3A_416 : i32 to vector<16xi32>
            %add3A_418 = arith.addi %add3A_417, %iota3A : vector<16xi32>
            tpu.vector_store_idx %arg8[%sub3A_409], %add3A_418 masked %eq3A_398 : memref<65552xi32, #tpu.memory_space<vmem>>[vector<16xi32>], vector<16xi32>, vector<16xi1>
            %all_reduce_population_count3A = tpu.all_reduce %eq3A_398 {dim = 0 : i64, kind = #tpu.reduction_kind<sum>} : vector<16xi1> -> vector<16xi32>
            %add3A_419 = arith.addi %scan3A_390, %all_reduce_population_count3A : vector<16xi32>
            scf.yield %add3A_419 : vector<16xi32>
          }
          %scan3A_388 = arith.constant 16 : i32
          scf.yield %scan3A_387 : vector<16xi32>
        } else {
          scf.yield %scan3A_165 : vector<16xi32>
        }
        scf.yield %cond3A_382 : vector<16xi32>
      }
      %scan3A_163 = arith.constant 32 : i32
      scf.yield %scan3A_162 : vector<16xi32>
    }
    %scan3A_46 = arith.constant 8 : i32
    %add3A_47 = arith.addi %scan3A_45, %iota3A : vector<16xi32>
    tpu.vector_store_idx %arg8[%add3A_47], %broadcast_in_dim3A_35 : memref<65552xi32, #tpu.memory_space<vmem>>[vector<16xi32>], vector<16xi32>,
    %swap3A = arith.constant 0 : index
    %swap3A_48 = tpu.vector_load %arg13[%swap3A] {strides = array<i32>} : memref<16xi32, #tpu.memory_space<vmem>>, vector<16xi32>,
    tpu.vector_store %arg13[%swap3A], %scan3A_45 {strides = array<i32>} : memref<16xi32, #tpu.memory_space<vmem>>, vector<16xi32>,
    "tpu.region"() ({
      %run_scoped3A = tpu.sem_alloc : memref<!tpu.dma_semaphore, #tpu.memory_space<semaphore_mem>>
      %dma_start3A = arith.constant 0 : i32
      %dma_start3A_153 = tpu.memref_slice %arg6[%add3A, %dma_start3A] : memref<32x16xi32, #tpu.memory_space<hbm>> -> memref<1x16xi32, #tpu.memory_space<hbm>>
      %dma_start3A_154 = tpu.memref_squeeze %dma_start3A_153 : memref<1x16xi32, #tpu.memory_space<hbm>> -> memref<16xi32, #tpu.memory_space<hbm>>
      %dma_start3A_155 = arith.constant 0 : i32
      %dma_start3A_156 = tpu.memref_slice %arg6[%add3A, %dma_start3A_155] : memref<32x16xi32, #tpu.memory_space<hbm>> -> memref<1x16xi32, #tpu.memory_space<hbm>>
      %dma_start3A_157 = tpu.memref_squeeze %dma_start3A_156 : memref<1x16xi32, #tpu.memory_space<hbm>> -> memref<16xi32, #tpu.memory_space<hbm>>
      tpu.enqueue_dma source(%arg13 : memref<16xi32, #tpu.memory_space<vmem>>) target(%dma_start3A_157 : memref<16xi32, #tpu.memory_space<hbm>>) target_semaphore(%run_scoped3A : memref<!tpu.dma_semaphore, #tpu.memory_space<semaphore_mem>>)
      %dma_wait3A = arith.constant 0 : i32
      %dma_wait3A_158 = tpu.memref_slice %arg6[%add3A, %dma_wait3A] : memref<32x16xi32, #tpu.memory_space<hbm>> -> memref<1x16xi32, #tpu.memory_space<hbm>>
      %dma_wait3A_159 = tpu.memref_squeeze %dma_wait3A_158 : memref<1x16xi32, #tpu.memory_space<hbm>> -> memref<16xi32, #tpu.memory_space<hbm>>
      %dma_wait3A_160 = arith.constant 0 : i32
      %dma_wait3A_161 = tpu.memref_slice %arg6[%add3A, %dma_wait3A_160] : memref<32x16xi32, #tpu.memory_space<hbm>> -> memref<1x16xi32, #tpu.memory_space<hbm>>
      %dma_wait3A_162 = tpu.memref_squeeze %dma_wait3A_161 : memref<1x16xi32, #tpu.memory_space<hbm>> -> memref<16xi32, #tpu.memory_space<hbm>>
      tpu.wait_dma2 semaphore(%run_scoped3A : memref<!tpu.dma_semaphore, #tpu.memory_space<semaphore_mem>>) src(%arg13 : memref<16xi32, #tpu.memory_space<vmem>>) dst(%dma_wait3A_162 : memref<16xi32, #tpu.memory_space<hbm>>)
      tpu.yield
    }) : () -> ()
    %barrier3A = arith.constant 0 : index
    tpu.barrier barrier_id(%barrier3A)
    %jit3A_49 = arith.constant 4 : i32
    %div3A_50 = arith.divsi %add3A, %jit3A_49 : i32
    %sign3A_51 = arith.constant 0 : i32
    %sign3A_52 = arith.cmpi sgt, %add3A, %sign3A_51 : i32
    %sign3A_53 = arith.extui %sign3A_52 : i1 to i32
    %sign3A_54 = arith.constant 0 : i32
    %sign3A_55 = arith.cmpi slt, %add3A, %sign3A_54 : i32
    %sign3A_56 = arith.extui %sign3A_55 : i1 to i32
    %sign3A_57 = arith.subi %sign3A_53, %sign3A_56 : i32
    %sign3A_58 = arith.constant 0 : i32
    %sign3A_59 = arith.cmpi sgt, %jit3A_49, %sign3A_58 : i32
    %sign3A_60 = arith.extui %sign3A_59 : i1 to i32
    %sign3A_61 = arith.constant 0 : i32
    %sign3A_62 = arith.cmpi slt, %jit3A_49, %sign3A_61 : i32
    %sign3A_63 = arith.extui %sign3A_62 : i1 to i32
    %sign3A_64 = arith.subi %sign3A_60, %sign3A_63 : i32
    %ne3A_65 = arith.cmpi ne, %sign3A_57, %sign3A_64 : i32
    %rem3A_66 = arith.remsi %add3A, %jit3A_49 : i32
    %ne3A_67 = arith.constant 0 : i32
    %ne3A_68 = arith.cmpi ne, %rem3A_66, %ne3A_67 : i32
    %and3A_69 = arith.andi %ne3A_65, %ne3A_68 : i1
    %sub3A_70 = arith.constant 1 : i32
    %sub3A_71 = arith.subi %div3A_50, %sub3A_70 : i32
    %select_n3A_72 = arith.select %and3A_69, %sub3A_71, %div3A_50 : i32
    %mul3A_73 = arith.constant 4 : i32
    %mul3A_74 = arith.muli %select_n3A_72, %mul3A_73 : i32
    "tpu.region"() ({
      %run_scoped3A = tpu.sem_alloc : memref<!tpu.dma_semaphore, #tpu.memory_space<semaphore_mem>>
      %dma_start3A = arith.constant 0 : i32
      %dma_start3A_153 = tpu.memref_slice %arg6[%mul3A_74, %dma_start3A] : memref<32x16xi32, #tpu.memory_space<hbm>> -> memref<4x16xi32, #tpu.memory_space<hbm>>
      %dma_start3A_154 = arith.constant 0 : i32
      %dma_start3A_155 = tpu.memref_slice %arg6[%mul3A_74, %dma_start3A_154] : memref<32x16xi32, #tpu.memory_space<hbm>> -> memref<4x16xi32, #tpu.memory_space<hbm>>
      tpu.enqueue_dma source(%dma_start3A_155 : memref<4x16xi32, #tpu.memory_space<hbm>>) target(%arg14 : memref<4x16xi32, #tpu.memory_space<vmem>>) target_semaphore(%run_scoped3A : memref<!tpu.dma_semaphore, #tpu.memory_space<semaphore_mem>>)
      %dma_wait3A = arith.constant 0 : i32
      %dma_wait3A_156 = tpu.memref_slice %arg6[%mul3A_74, %dma_wait3A] : memref<32x16xi32, #tpu.memory_space<hbm>> -> memref<4x16xi32, #tpu.memory_space<hbm>>
      %dma_wait3A_157 = arith.constant 0 : i32
      %dma_wait3A_158 = tpu.memref_slice %arg6[%mul3A_74, %dma_wait3A_157] : memref<32x16xi32, #tpu.memory_space<hbm>> -> memref<4x16xi32, #tpu.memory_space<hbm>>
      tpu.wait_dma2 semaphore(%run_scoped3A : memref<!tpu.dma_semaphore, #tpu.memory_space<semaphore_mem>>) src(%dma_wait3A_158 : memref<4x16xi32, #tpu.memory_space<hbm>>) dst(%arg14 : memref<4x16xi32, #tpu.memory_space<vmem>>)
      tpu.yield
    }) : () -> ()
    %broadcast_in_dim3A_75 = vector.broadcast %select_n3A_30 : i32 to vector<16xi32>
    %broadcast_in_dim3A_76 = arith.constant 0 : i32
    %broadcast_in_dim3A_77 = vector.broadcast %broadcast_in_dim3A_76 : i32 to vector<16xi32>
    %gather3A = tpu.vector_load_idx %arg14[%broadcast_in_dim3A_77, %iota3A] : memref<4x16xi32, #tpu.memory_space<vmem>>[vector<16xi32>, vector<16xi32>], vector<16xi32>,
    %gt3A = arith.constant 0 : i32
    %gt3A_78 = vector.broadcast %gt3A : i32 to vector<16xi32>
    %gt3A_79 = arith.cmpi sgt, %broadcast_in_dim3A_75, %gt3A_78 : vector<16xi32>
    %select_n3A_80 = arith.select %gt3A_79, %gather3A, %broadcast_in_dim3A_35 : vector<16xi1>, vector<16xi32>
    %add3A_81 = arith.addi %broadcast_in_dim3A_35, %select_n3A_80 : vector<16xi32>
    %broadcast_in_dim3A_82 = arith.constant 1 : i32
    %broadcast_in_dim3A_83 = vector.broadcast %broadcast_in_dim3A_82 : i32 to vector<16xi32>
    %gather3A_84 = tpu.vector_load_idx %arg14[%broadcast_in_dim3A_83, %iota3A] : memref<4x16xi32, #tpu.memory_space<vmem>>[vector<16xi32>, vector<16xi32>], vector<16xi32>,
    %gt3A_85 = arith.constant 1 : i32
    %gt3A_86 = vector.broadcast %gt3A_85 : i32 to vector<16xi32>
    %gt3A_87 = arith.cmpi sgt, %broadcast_in_dim3A_75, %gt3A_86 : vector<16xi32>
    %select_n3A_88 = arith.select %gt3A_87, %gather3A_84, %broadcast_in_dim3A_35 : vector<16xi1>, vector<16xi32>
    %add3A_89 = arith.addi %add3A_81, %select_n3A_88 : vector<16xi32>
    %broadcast_in_dim3A_90 = arith.constant 2 : i32
    %broadcast_in_dim3A_91 = vector.broadcast %broadcast_in_dim3A_90 : i32 to vector<16xi32>
    %gather3A_92 = tpu.vector_load_idx %arg14[%broadcast_in_dim3A_91, %iota3A] : memref<4x16xi32, #tpu.memory_space<vmem>>[vector<16xi32>, vector<16xi32>], vector<16xi32>,
    %gt3A_93 = arith.constant 2 : i32
    %gt3A_94 = vector.broadcast %gt3A_93 : i32 to vector<16xi32>
    %gt3A_95 = arith.cmpi sgt, %broadcast_in_dim3A_75, %gt3A_94 : vector<16xi32>
    %select_n3A_96 = arith.select %gt3A_95, %gather3A_92, %broadcast_in_dim3A_35 : vector<16xi1>, vector<16xi32>
    %add3A_97 = arith.addi %add3A_89, %select_n3A_96 : vector<16xi32>
    %broadcast_in_dim3A_98 = arith.constant 3 : i32
    %broadcast_in_dim3A_99 = vector.broadcast %broadcast_in_dim3A_98 : i32 to vector<16xi32>
    %gather3A_100 = tpu.vector_load_idx %arg14[%broadcast_in_dim3A_99, %iota3A] : memref<4x16xi32, #tpu.memory_space<vmem>>[vector<16xi32>, vector<16xi32>], vector<16xi32>,
    %gt3A_101 = arith.constant 3 : i32
    %gt3A_102 = vector.broadcast %gt3A_101 : i32 to vector<16xi32>
    %gt3A_103 = arith.cmpi sgt, %broadcast_in_dim3A_75, %gt3A_102 : vector<16xi32>
    %select_n3A_104 = arith.select %gt3A_103, %gather3A_100, %broadcast_in_dim3A_35 : vector<16xi1>, vector<16xi32>
    %add3A_105 = arith.addi %add3A_97, %select_n3A_104 : vector<16xi32>
    %eq3A_106 = arith.constant 0 : i32
    %eq3A_107 = vector.broadcast %eq3A_106 : i32 to vector<16xi32>
    %eq3A_108 = arith.cmpi eq, %iota3A, %eq3A_107 : vector<16xi32>
    %select_n3A_109 = arith.select %eq3A_108, %scan3A_45, %broadcast_in_dim3A_35 : vector<16xi1>, vector<16xi32>
    %reduce_sum3A = arith.constant true
    %reduce_sum3A_110 = vector.broadcast %reduce_sum3A : i1 to vector<16xi1>
    %reduce_sum3A_111 = tpu.scan <sum>, %select_n3A_109 masked %reduce_sum3A_110 : vector<16xi32>, vector<16xi1> -> vector<16xi32>
    %reduce_sum3A_112 = vector.extract %reduce_sum3A_111[15] : i32 from vector<16xi32>
    %mul3A_113 = arith.constant 1048576 : i32
    %mul3A_114 = arith.muli %select_n3A, %mul3A_113 : i32
    %add3A_115 = arith.constant 15 : i32
    %add3A_116 = arith.addi %reduce_sum3A_112, %add3A_115 : i32
    %jit3A_117 = arith.constant 16 : i32
    %div3A_118 = arith.divsi %add3A_116, %jit3A_117 : i32
    %sign3A_119 = arith.constant 0 : i32
    %sign3A_120 = arith.cmpi sgt, %add3A_116, %sign3A_119 : i32
    %sign3A_121 = arith.extui %sign3A_120 : i1 to i32
    %sign3A_122 = arith.constant 0 : i32
    %sign3A_123 = arith.cmpi slt, %add3A_116, %sign3A_122 : i32
    %sign3A_124 = arith.extui %sign3A_123 : i1 to i32
    %sign3A_125 = arith.subi %sign3A_121, %sign3A_124 : i32
    %sign3A_126 = arith.constant 0 : i32
    %sign3A_127 = arith.cmpi sgt, %jit3A_117, %sign3A_126 : i32
    %sign3A_128 = arith.extui %sign3A_127 : i1 to i32
    %sign3A_129 = arith.constant 0 : i32
    %sign3A_130 = arith.cmpi slt, %jit3A_117, %sign3A_129 : i32
    %sign3A_131 = arith.extui %sign3A_130 : i1 to i32
    %sign3A_132 = arith.subi %sign3A_128, %sign3A_131 : i32
    %ne3A_133 = arith.cmpi ne, %sign3A_125, %sign3A_132 : i32
    %rem3A_134 = arith.remsi %add3A_116, %jit3A_117 : i32
    %ne3A_135 = arith.constant 0 : i32
    %ne3A_136 = arith.cmpi ne, %rem3A_134, %ne3A_135 : i32
    %and3A_137 = arith.andi %ne3A_133, %ne3A_136 : i1
    %sub3A_138 = arith.constant 1 : i32
    %sub3A_139 = arith.subi %div3A_118, %sub3A_138 : i32
    %select_n3A_140 = arith.select %and3A_137, %sub3A_139, %div3A_118 : i32
    %while3A = arith.constant 0 : i32
    %while3A_141 = arith.subi %select_n3A_140, %while3A : i32
    %while3A_142 = arith.addi %while3A, %while3A_141 : i32
    %while3A_143 = arith.constant 1 : i32
    %while3A_144 = arith.divsi %while3A_141, %while3A_143 : i32
    %while3A_145 = arith.muli %while3A_144, %while3A_143 : i32
    %while3A_146 = arith.addi %while3A, %while3A_145 : i32
    %while3A_147 = arith.constant 1 : i32
    %while3A_148 = scf.for %while3A_153 = %while3A to %while3A_146 step %while3A_147 iter_args(%while3A_154 = %broadcast_in_dim3A_37) -> (vector<16xf32>)  : i32 {
      %mul3A_155 = arith.constant 16 : i32
      %mul3A_156 = arith.muli %while3A_153, %mul3A_155 : i32
      %get3A = arith.index_cast %mul3A_156 : i32 to index
      %get3A_157 = tpu.vector_load %arg8[%get3A] {strides = array<i32>} : memref<65552xi32, #tpu.memory_space<vmem>>, vector<16xi32>,
      %swap3A_158 = arith.constant 0 : index
      %swap3A_159 = tpu.vector_load %arg11[%swap3A_158] {strides = array<i32>} : memref<16xi32, #tpu.memory_space<vmem>>, vector<16xi32>,
      tpu.vector_store %arg11[%swap3A_158], %get3A_157 {strides = array<i32>} : memref<16xi32, #tpu.memory_space<vmem>>, vector<16xi32>,
      %eq3A_160 = arith.constant 0 : i32
      %eq3A_161 = vector.broadcast %eq3A_160 : i32 to vector<16xi32>
      %eq3A_162 = arith.cmpi eq, %iota3A, %eq3A_161 : vector<16xi32>
      %select_n3A_163 = arith.select %eq3A_162, %get3A_157, %broadcast_in_dim3A_35 : vector<16xi1>, vector<16xi32>
      %reduce_sum3A_164 = arith.constant true
      %reduce_sum3A_165 = vector.broadcast %reduce_sum3A_164 : i1 to vector<16xi1>
      %reduce_sum3A_166 = tpu.scan <sum>, %select_n3A_163 masked %reduce_sum3A_165 : vector<16xi32>, vector<16xi1> -> vector<16xi32>
      %reduce_sum3A_167 = vector.extract %reduce_sum3A_166[15] : i32 from vector<16xi32>
      %and3A_168 = arith.constant -32 : i32
      %and3A_169 = arith.andi %reduce_sum3A_167, %and3A_168 : i32
      %mul3A_170 = arith.constant 4 : i32
      %mul3A_171 = arith.muli %and3A_169, %mul3A_170 : i32
      %add3A_172 = arith.addi %mul3A_114, %mul3A_171 : i32
      %multiple_of3A = tpu.assume_multiple %add3A_172, 128 : i32
      %dma_start3A = arith.constant 0 : i32
      %dma_start3A_173 = tpu.memref_slice %arg10[%dma_start3A] : memref<2048xf32, #tpu.memory_space<vmem>> -> memref<128xf32, #tpu.memory_space<vmem>>
      %dma_start3A_174 = tpu.memref_slice %arg4[%multiple_of3A] : memref<8388608xf32, #tpu.memory_space<hbm>> -> memref<128xf32, #tpu.memory_space<hbm>>
      %dma_start3A_175 = arith.constant 0 : i32
      %dma_start3A_176 = tpu.memref_slice %arg10[%dma_start3A_175] : memref<2048xf32, #tpu.memory_space<vmem>> -> memref<128xf32, #tpu.memory_space<vmem>>
      %dma_start3A_177 = tpu.memref_slice %arg4[%multiple_of3A] : memref<8388608xf32, #tpu.memory_space<hbm>> -> memref<128xf32, #tpu.memory_space<hbm>>
      tpu.enqueue_dma source(%dma_start3A_177 : memref<128xf32, #tpu.memory_space<hbm>>) target(%dma_start3A_176 : memref<128xf32, #tpu.memory_space<vmem>>) target_semaphore(%arg15 : memref<!tpu.dma_semaphore, #tpu.memory_space<semaphore_mem>>)
      %eq3A_178 = arith.constant 1 : i32
      %eq3A_179 = vector.broadcast %eq3A_178 : i32 to vector<16xi32>
      %eq3A_180 = arith.cmpi eq, %iota3A, %eq3A_179 : vector<16xi32>
      %select_n3A_181 = arith.select %eq3A_180, %get3A_157, %broadcast_in_dim3A_35 : vector<16xi1>, vector<16xi32>
      %reduce_sum3A_182 = arith.constant true
      %reduce_sum3A_183 = vector.broadcast %reduce_sum3A_182 : i1 to vector<16xi1>
      %reduce_sum3A_184 = tpu.scan <sum>, %select_n3A_181 masked %reduce_sum3A_183 : vector<16xi32>, vector<16xi1> -> vector<16xi32>
      %reduce_sum3A_185 = vector.extract %reduce_sum3A_184[15] : i32 from vector<16xi32>
      %and3A_186 = arith.constant -32 : i32
      %and3A_187 = arith.andi %reduce_sum3A_185, %and3A_186 : i32
      %mul3A_188 = arith.constant 4 : i32
      %mul3A_189 = arith.muli %and3A_187, %mul3A_188 : i32
      %add3A_190 = arith.addi %mul3A_114, %mul3A_189 : i32
      %multiple_of3A_191 = tpu.assume_multiple %add3A_190, 128 : i32
      %dma_start3A_192 = arith.constant 128 : i32
      %dma_start3A_193 = tpu.memref_slice %arg10[%dma_start3A_192] : memref<2048xf32, #tpu.memory_space<vmem>> -> memref<128xf32, #tpu.memory_space<vmem>>
      %dma_start3A_194 = tpu.memref_slice %arg4[%multiple_of3A_191] : memref<8388608xf32, #tpu.memory_space<hbm>> -> memref<128xf32, #tpu.memory_space<hbm>>
      %dma_start3A_195 = arith.constant 128 : i32
      %dma_start3A_196 = tpu.memref_slice %arg10[%dma_start3A_195] : memref<2048xf32, #tpu.memory_space<vmem>> -> memref<128xf32, #tpu.memory_space<vmem>>
      %dma_start3A_197 = tpu.memref_slice %arg4[%multiple_of3A_191] : memref<8388608xf32, #tpu.memory_space<hbm>> -> memref<128xf32, #tpu.memory_space<hbm>>
      tpu.enqueue_dma source(%dma_start3A_197 : memref<128xf32, #tpu.memory_space<hbm>>) target(%dma_start3A_196 : memref<128xf32, #tpu.memory_space<vmem>>) target_semaphore(%arg15 : memref<!tpu.dma_semaphore, #tpu.memory_space<semaphore_mem>>)
      %eq3A_198 = arith.constant 2 : i32
      %eq3A_199 = vector.broadcast %eq3A_198 : i32 to vector<16xi32>
      %eq3A_200 = arith.cmpi eq, %iota3A, %eq3A_199 : vector<16xi32>
      %select_n3A_201 = arith.select %eq3A_200, %get3A_157, %broadcast_in_dim3A_35 : vector<16xi1>, vector<16xi32>
      %reduce_sum3A_202 = arith.constant true
      %reduce_sum3A_203 = vector.broadcast %reduce_sum3A_202 : i1 to vector<16xi1>
      %reduce_sum3A_204 = tpu.scan <sum>, %select_n3A_201 masked %reduce_sum3A_203 : vector<16xi32>, vector<16xi1> -> vector<16xi32>
      %reduce_sum3A_205 = vector.extract %reduce_sum3A_204[15] : i32 from vector<16xi32>
      %and3A_206 = arith.constant -32 : i32
      %and3A_207 = arith.andi %reduce_sum3A_205, %and3A_206 : i32
      %mul3A_208 = arith.constant 4 : i32
      %mul3A_209 = arith.muli %and3A_207, %mul3A_208 : i32
      %add3A_210 = arith.addi %mul3A_114, %mul3A_209 : i32
      %multiple_of3A_211 = tpu.assume_multiple %add3A_210, 128 : i32
      %dma_start3A_212 = arith.constant 256 : i32
      %dma_start3A_213 = tpu.memref_slice %arg10[%dma_start3A_212] : memref<2048xf32, #tpu.memory_space<vmem>> -> memref<128xf32, #tpu.memory_space<vmem>>
      %dma_start3A_214 = tpu.memref_slice %arg4[%multiple_of3A_211] : memref<8388608xf32, #tpu.memory_space<hbm>> -> memref<128xf32, #tpu.memory_space<hbm>>
      %dma_start3A_215 = arith.constant 256 : i32
      %dma_start3A_216 = tpu.memref_slice %arg10[%dma_start3A_215] : memref<2048xf32, #tpu.memory_space<vmem>> -> memref<128xf32, #tpu.memory_space<vmem>>
      %dma_start3A_217 = tpu.memref_slice %arg4[%multiple_of3A_211] : memref<8388608xf32, #tpu.memory_space<hbm>> -> memref<128xf32, #tpu.memory_space<hbm>>
      tpu.enqueue_dma source(%dma_start3A_217 : memref<128xf32, #tpu.memory_space<hbm>>) target(%dma_start3A_216 : memref<128xf32, #tpu.memory_space<vmem>>) target_semaphore(%arg15 : memref<!tpu.dma_semaphore, #tpu.memory_space<semaphore_mem>>)
      %eq3A_218 = arith.constant 3 : i32
      %eq3A_219 = vector.broadcast %eq3A_218 : i32 to vector<16xi32>
      %eq3A_220 = arith.cmpi eq, %iota3A, %eq3A_219 : vector<16xi32>
      %select_n3A_221 = arith.select %eq3A_220, %get3A_157, %broadcast_in_dim3A_35 : vector<16xi1>, vector<16xi32>
      %reduce_sum3A_222 = arith.constant true
      %reduce_sum3A_223 = vector.broadcast %reduce_sum3A_222 : i1 to vector<16xi1>
      %reduce_sum3A_224 = tpu.scan <sum>, %select_n3A_221 masked %reduce_sum3A_223 : vector<16xi32>, vector<16xi1> -> vector<16xi32>
      %reduce_sum3A_225 = vector.extract %reduce_sum3A_224[15] : i32 from vector<16xi32>
      %and3A_226 = arith.constant -32 : i32
      %and3A_227 = arith.andi %reduce_sum3A_225, %and3A_226 : i32
      %mul3A_228 = arith.constant 4 : i32
      %mul3A_229 = arith.muli %and3A_227, %mul3A_228 : i32
      %add3A_230 = arith.addi %mul3A_114, %mul3A_229 : i32
      %multiple_of3A_231 = tpu.assume_multiple %add3A_230, 128 : i32
      %dma_start3A_232 = arith.constant 384 : i32
      %dma_start3A_233 = tpu.memref_slice %arg10[%dma_start3A_232] : memref<2048xf32, #tpu.memory_space<vmem>> -> memref<128xf32, #tpu.memory_space<vmem>>
      %dma_start3A_234 = tpu.memref_slice %arg4[%multiple_of3A_231] : memref<8388608xf32, #tpu.memory_space<hbm>> -> memref<128xf32, #tpu.memory_space<hbm>>
      %dma_start3A_235 = arith.constant 384 : i32
      %dma_start3A_236 = tpu.memref_slice %arg10[%dma_start3A_235] : memref<2048xf32, #tpu.memory_space<vmem>> -> memref<128xf32, #tpu.memory_space<vmem>>
      %dma_start3A_237 = tpu.memref_slice %arg4[%multiple_of3A_231] : memref<8388608xf32, #tpu.memory_space<hbm>> -> memref<128xf32, #tpu.memory_space<hbm>>
      tpu.enqueue_dma source(%dma_start3A_237 : memref<128xf32, #tpu.memory_space<hbm>>) target(%dma_start3A_236 : memref<128xf32, #tpu.memory_space<vmem>>) target_semaphore(%arg15 : memref<!tpu.dma_semaphore, #tpu.memory_space<semaphore_mem>>)
      %eq3A_238 = arith.constant 4 : i32
      %eq3A_239 = vector.broadcast %eq3A_238 : i32 to vector<16xi32>
      %eq3A_240 = arith.cmpi eq, %iota3A, %eq3A_239 : vector<16xi32>
      %select_n3A_241 = arith.select %eq3A_240, %get3A_157, %broadcast_in_dim3A_35 : vector<16xi1>, vector<16xi32>
      %reduce_sum3A_242 = arith.constant true
      %reduce_sum3A_243 = vector.broadcast %reduce_sum3A_242 : i1 to vector<16xi1>
      %reduce_sum3A_244 = tpu.scan <sum>, %select_n3A_241 masked %reduce_sum3A_243 : vector<16xi32>, vector<16xi1> -> vector<16xi32>
      %reduce_sum3A_245 = vector.extract %reduce_sum3A_244[15] : i32 from vector<16xi32>
      %and3A_246 = arith.constant -32 : i32
      %and3A_247 = arith.andi %reduce_sum3A_245, %and3A_246 : i32
      %mul3A_248 = arith.constant 4 : i32
      %mul3A_249 = arith.muli %and3A_247, %mul3A_248 : i32
      %add3A_250 = arith.addi %mul3A_114, %mul3A_249 : i32
      %multiple_of3A_251 = tpu.assume_multiple %add3A_250, 128 : i32
      %dma_start3A_252 = arith.constant 512 : i32
      %dma_start3A_253 = tpu.memref_slice %arg10[%dma_start3A_252] : memref<2048xf32, #tpu.memory_space<vmem>> -> memref<128xf32, #tpu.memory_space<vmem>>
      %dma_start3A_254 = tpu.memref_slice %arg4[%multiple_of3A_251] : memref<8388608xf32, #tpu.memory_space<hbm>> -> memref<128xf32, #tpu.memory_space<hbm>>
      %dma_start3A_255 = arith.constant 512 : i32
      %dma_start3A_256 = tpu.memref_slice %arg10[%dma_start3A_255] : memref<2048xf32, #tpu.memory_space<vmem>> -> memref<128xf32, #tpu.memory_space<vmem>>
      %dma_start3A_257 = tpu.memref_slice %arg4[%multiple_of3A_251] : memref<8388608xf32, #tpu.memory_space<hbm>> -> memref<128xf32, #tpu.memory_space<hbm>>
      tpu.enqueue_dma source(%dma_start3A_257 : memref<128xf32, #tpu.memory_space<hbm>>) target(%dma_start3A_256 : memref<128xf32, #tpu.memory_space<vmem>>) target_semaphore(%arg15 : memref<!tpu.dma_semaphore, #tpu.memory_space<semaphore_mem>>)
      %eq3A_258 = arith.constant 5 : i32
      %eq3A_259 = vector.broadcast %eq3A_258 : i32 to vector<16xi32>
      %eq3A_260 = arith.cmpi eq, %iota3A, %eq3A_259 : vector<16xi32>
      %select_n3A_261 = arith.select %eq3A_260, %get3A_157, %broadcast_in_dim3A_35 : vector<16xi1>, vector<16xi32>
      %reduce_sum3A_262 = arith.constant true
      %reduce_sum3A_263 = vector.broadcast %reduce_sum3A_262 : i1 to vector<16xi1>
      %reduce_sum3A_264 = tpu.scan <sum>, %select_n3A_261 masked %reduce_sum3A_263 : vector<16xi32>, vector<16xi1> -> vector<16xi32>
      %reduce_sum3A_265 = vector.extract %reduce_sum3A_264[15] : i32 from vector<16xi32>
      %and3A_266 = arith.constant -32 : i32
      %and3A_267 = arith.andi %reduce_sum3A_265, %and3A_266 : i32
      %mul3A_268 = arith.constant 4 : i32
      %mul3A_269 = arith.muli %and3A_267, %mul3A_268 : i32
      %add3A_270 = arith.addi %mul3A_114, %mul3A_269 : i32
      %multiple_of3A_271 = tpu.assume_multiple %add3A_270, 128 : i32
      %dma_start3A_272 = arith.constant 640 : i32
      %dma_start3A_273 = tpu.memref_slice %arg10[%dma_start3A_272] : memref<2048xf32, #tpu.memory_space<vmem>> -> memref<128xf32, #tpu.memory_space<vmem>>
      %dma_start3A_274 = tpu.memref_slice %arg4[%multiple_of3A_271] : memref<8388608xf32, #tpu.memory_space<hbm>> -> memref<128xf32, #tpu.memory_space<hbm>>
      %dma_start3A_275 = arith.constant 640 : i32
      %dma_start3A_276 = tpu.memref_slice %arg10[%dma_start3A_275] : memref<2048xf32, #tpu.memory_space<vmem>> -> memref<128xf32, #tpu.memory_space<vmem>>
      %dma_start3A_277 = tpu.memref_slice %arg4[%multiple_of3A_271] : memref<8388608xf32, #tpu.memory_space<hbm>> -> memref<128xf32, #tpu.memory_space<hbm>>
      tpu.enqueue_dma source(%dma_start3A_277 : memref<128xf32, #tpu.memory_space<hbm>>) target(%dma_start3A_276 : memref<128xf32, #tpu.memory_space<vmem>>) target_semaphore(%arg15 : memref<!tpu.dma_semaphore, #tpu.memory_space<semaphore_mem>>)
      %eq3A_278 = arith.constant 6 : i32
      %eq3A_279 = vector.broadcast %eq3A_278 : i32 to vector<16xi32>
      %eq3A_280 = arith.cmpi eq, %iota3A, %eq3A_279 : vector<16xi32>
      %select_n3A_281 = arith.select %eq3A_280, %get3A_157, %broadcast_in_dim3A_35 : vector<16xi1>, vector<16xi32>
      %reduce_sum3A_282 = arith.constant true
      %reduce_sum3A_283 = vector.broadcast %reduce_sum3A_282 : i1 to vector<16xi1>
      %reduce_sum3A_284 = tpu.scan <sum>, %select_n3A_281 masked %reduce_sum3A_283 : vector<16xi32>, vector<16xi1> -> vector<16xi32>
      %reduce_sum3A_285 = vector.extract %reduce_sum3A_284[15] : i32 from vector<16xi32>
      %and3A_286 = arith.constant -32 : i32
      %and3A_287 = arith.andi %reduce_sum3A_285, %and3A_286 : i32
      %mul3A_288 = arith.constant 4 : i32
      %mul3A_289 = arith.muli %and3A_287, %mul3A_288 : i32
      %add3A_290 = arith.addi %mul3A_114, %mul3A_289 : i32
      %multiple_of3A_291 = tpu.assume_multiple %add3A_290, 128 : i32
      %dma_start3A_292 = arith.constant 768 : i32
      %dma_start3A_293 = tpu.memref_slice %arg10[%dma_start3A_292] : memref<2048xf32, #tpu.memory_space<vmem>> -> memref<128xf32, #tpu.memory_space<vmem>>
      %dma_start3A_294 = tpu.memref_slice %arg4[%multiple_of3A_291] : memref<8388608xf32, #tpu.memory_space<hbm>> -> memref<128xf32, #tpu.memory_space<hbm>>
      %dma_start3A_295 = arith.constant 768 : i32
      %dma_start3A_296 = tpu.memref_slice %arg10[%dma_start3A_295] : memref<2048xf32, #tpu.memory_space<vmem>> -> memref<128xf32, #tpu.memory_space<vmem>>
      %dma_start3A_297 = tpu.memref_slice %arg4[%multiple_of3A_291] : memref<8388608xf32, #tpu.memory_space<hbm>> -> memref<128xf32, #tpu.memory_space<hbm>>
      tpu.enqueue_dma source(%dma_start3A_297 : memref<128xf32, #tpu.memory_space<hbm>>) target(%dma_start3A_296 : memref<128xf32, #tpu.memory_space<vmem>>) target_semaphore(%arg15 : memref<!tpu.dma_semaphore, #tpu.memory_space<semaphore_mem>>)
      %eq3A_298 = arith.constant 7 : i32
      %eq3A_299 = vector.broadcast %eq3A_298 : i32 to vector<16xi32>
      %eq3A_300 = arith.cmpi eq, %iota3A, %eq3A_299 : vector<16xi32>
      %select_n3A_301 = arith.select %eq3A_300, %get3A_157, %broadcast_in_dim3A_35 : vector<16xi1>, vector<16xi32>
      %reduce_sum3A_302 = arith.constant true
      %reduce_sum3A_303 = vector.broadcast %reduce_sum3A_302 : i1 to vector<16xi1>
      %reduce_sum3A_304 = tpu.scan <sum>, %select_n3A_301 masked %reduce_sum3A_303 : vector<16xi32>, vector<16xi1> -> vector<16xi32>
      %reduce_sum3A_305 = vector.extract %reduce_sum3A_304[15] : i32 from vector<16xi32>
      %and3A_306 = arith.constant -32 : i32
      %and3A_307 = arith.andi %reduce_sum3A_305, %and3A_306 : i32
      %mul3A_308 = arith.constant 4 : i32
      %mul3A_309 = arith.muli %and3A_307, %mul3A_308 : i32
      %add3A_310 = arith.addi %mul3A_114, %mul3A_309 : i32
      %multiple_of3A_311 = tpu.assume_multiple %add3A_310, 128 : i32
      %dma_start3A_312 = arith.constant 896 : i32
      %dma_start3A_313 = tpu.memref_slice %arg10[%dma_start3A_312] : memref<2048xf32, #tpu.memory_space<vmem>> -> memref<128xf32, #tpu.memory_space<vmem>>
      %dma_start3A_314 = tpu.memref_slice %arg4[%multiple_of3A_311] : memref<8388608xf32, #tpu.memory_space<hbm>> -> memref<128xf32, #tpu.memory_space<hbm>>
      %dma_start3A_315 = arith.constant 896 : i32
      %dma_start3A_316 = tpu.memref_slice %arg10[%dma_start3A_315] : memref<2048xf32, #tpu.memory_space<vmem>> -> memref<128xf32, #tpu.memory_space<vmem>>
      %dma_start3A_317 = tpu.memref_slice %arg4[%multiple_of3A_311] : memref<8388608xf32, #tpu.memory_space<hbm>> -> memref<128xf32, #tpu.memory_space<hbm>>
      tpu.enqueue_dma source(%dma_start3A_317 : memref<128xf32, #tpu.memory_space<hbm>>) target(%dma_start3A_316 : memref<128xf32, #tpu.memory_space<vmem>>) target_semaphore(%arg15 : memref<!tpu.dma_semaphore, #tpu.memory_space<semaphore_mem>>)
      %eq3A_318 = arith.constant 8 : i32
      %eq3A_319 = vector.broadcast %eq3A_318 : i32 to vector<16xi32>
      %eq3A_320 = arith.cmpi eq, %iota3A, %eq3A_319 : vector<16xi32>
      %select_n3A_321 = arith.select %eq3A_320, %get3A_157, %broadcast_in_dim3A_35 : vector<16xi1>, vector<16xi32>
      %reduce_sum3A_322 = arith.constant true
      %reduce_sum3A_323 = vector.broadcast %reduce_sum3A_322 : i1 to vector<16xi1>
      %reduce_sum3A_324 = tpu.scan <sum>, %select_n3A_321 masked %reduce_sum3A_323 : vector<16xi32>, vector<16xi1> -> vector<16xi32>
      %reduce_sum3A_325 = vector.extract %reduce_sum3A_324[15] : i32 from vector<16xi32>
      %and3A_326 = arith.constant -32 : i32
      %and3A_327 = arith.andi %reduce_sum3A_325, %and3A_326 : i32
      %mul3A_328 = arith.constant 4 : i32
      %mul3A_329 = arith.muli %and3A_327, %mul3A_328 : i32
      %add3A_330 = arith.addi %mul3A_114, %mul3A_329 : i32
      %multiple_of3A_331 = tpu.assume_multiple %add3A_330, 128 : i32
      %dma_start3A_332 = arith.constant 1024 : i32
      %dma_start3A_333 = tpu.memref_slice %arg10[%dma_start3A_332] : memref<2048xf32, #tpu.memory_space<vmem>> -> memref<128xf32, #tpu.memory_space<vmem>>
      %dma_start3A_334 = tpu.memref_slice %arg4[%multiple_of3A_331] : memref<8388608xf32, #tpu.memory_space<hbm>> -> memref<128xf32, #tpu.memory_space<hbm>>
      %dma_start3A_335 = arith.constant 1024 : i32
      %dma_start3A_336 = tpu.memref_slice %arg10[%dma_start3A_335] : memref<2048xf32, #tpu.memory_space<vmem>> -> memref<128xf32, #tpu.memory_space<vmem>>
      %dma_start3A_337 = tpu.memref_slice %arg4[%multiple_of3A_331] : memref<8388608xf32, #tpu.memory_space<hbm>> -> memref<128xf32, #tpu.memory_space<hbm>>
      tpu.enqueue_dma source(%dma_start3A_337 : memref<128xf32, #tpu.memory_space<hbm>>) target(%dma_start3A_336 : memref<128xf32, #tpu.memory_space<vmem>>) target_semaphore(%arg15 : memref<!tpu.dma_semaphore, #tpu.memory_space<semaphore_mem>>)
      %eq3A_338 = arith.constant 9 : i32
      %eq3A_339 = vector.broadcast %eq3A_338 : i32 to vector<16xi32>
      %eq3A_340 = arith.cmpi eq, %iota3A, %eq3A_339 : vector<16xi32>
      %select_n3A_341 = arith.select %eq3A_340, %get3A_157, %broadcast_in_dim3A_35 : vector<16xi1>, vector<16xi32>
      %reduce_sum3A_342 = arith.constant true
      %reduce_sum3A_343 = vector.broadcast %reduce_sum3A_342 : i1 to vector<16xi1>
      %reduce_sum3A_344 = tpu.scan <sum>, %select_n3A_341 masked %reduce_sum3A_343 : vector<16xi32>, vector<16xi1> -> vector<16xi32>
      %reduce_sum3A_345 = vector.extract %reduce_sum3A_344[15] : i32 from vector<16xi32>
      %and3A_346 = arith.constant -32 : i32
      %and3A_347 = arith.andi %reduce_sum3A_345, %and3A_346 : i32
      %mul3A_348 = arith.constant 4 : i32
      %mul3A_349 = arith.muli %and3A_347, %mul3A_348 : i32
      %add3A_350 = arith.addi %mul3A_114, %mul3A_349 : i32
      %multiple_of3A_351 = tpu.assume_multiple %add3A_350, 128 : i32
      %dma_start3A_352 = arith.constant 1152 : i32
      %dma_start3A_353 = tpu.memref_slice %arg10[%dma_start3A_352] : memref<2048xf32, #tpu.memory_space<vmem>> -> memref<128xf32, #tpu.memory_space<vmem>>
      %dma_start3A_354 = tpu.memref_slice %arg4[%multiple_of3A_351] : memref<8388608xf32, #tpu.memory_space<hbm>> -> memref<128xf32, #tpu.memory_space<hbm>>
      %dma_start3A_355 = arith.constant 1152 : i32
      %dma_start3A_356 = tpu.memref_slice %arg10[%dma_start3A_355] : memref<2048xf32, #tpu.memory_space<vmem>> -> memref<128xf32, #tpu.memory_space<vmem>>
      %dma_start3A_357 = tpu.memref_slice %arg4[%multiple_of3A_351] : memref<8388608xf32, #tpu.memory_space<hbm>> -> memref<128xf32, #tpu.memory_space<hbm>>
      tpu.enqueue_dma source(%dma_start3A_357 : memref<128xf32, #tpu.memory_space<hbm>>) target(%dma_start3A_356 : memref<128xf32, #tpu.memory_space<vmem>>) target_semaphore(%arg15 : memref<!tpu.dma_semaphore, #tpu.memory_space<semaphore_mem>>)
      %eq3A_358 = arith.constant 10 : i32
      %eq3A_359 = vector.broadcast %eq3A_358 : i32 to vector<16xi32>
      %eq3A_360 = arith.cmpi eq, %iota3A, %eq3A_359 : vector<16xi32>
      %select_n3A_361 = arith.select %eq3A_360, %get3A_157, %broadcast_in_dim3A_35 : vector<16xi1>, vector<16xi32>
      %reduce_sum3A_362 = arith.constant true
      %reduce_sum3A_363 = vector.broadcast %reduce_sum3A_362 : i1 to vector<16xi1>
      %reduce_sum3A_364 = tpu.scan <sum>, %select_n3A_361 masked %reduce_sum3A_363 : vector<16xi32>, vector<16xi1> -> vector<16xi32>
      %reduce_sum3A_365 = vector.extract %reduce_sum3A_364[15] : i32 from vector<16xi32>
      %and3A_366 = arith.constant -32 : i32
      %and3A_367 = arith.andi %reduce_sum3A_365, %and3A_366 : i32
      %mul3A_368 = arith.constant 4 : i32
      %mul3A_369 = arith.muli %and3A_367, %mul3A_368 : i32
      %add3A_370 = arith.addi %mul3A_114, %mul3A_369 : i32
      %multiple_of3A_371 = tpu.assume_multiple %add3A_370, 128 : i32
      %dma_start3A_372 = arith.constant 1280 : i32
      %dma_start3A_373 = tpu.memref_slice %arg10[%dma_start3A_372] : memref<2048xf32, #tpu.memory_space<vmem>> -> memref<128xf32, #tpu.memory_space<vmem>>
      %dma_start3A_374 = tpu.memref_slice %arg4[%multiple_of3A_371] : memref<8388608xf32, #tpu.memory_space<hbm>> -> memref<128xf32, #tpu.memory_space<hbm>>
      %dma_start3A_375 = arith.constant 1280 : i32
      %dma_start3A_376 = tpu.memref_slice %arg10[%dma_start3A_375] : memref<2048xf32, #tpu.memory_space<vmem>> -> memref<128xf32, #tpu.memory_space<vmem>>
      %dma_start3A_377 = tpu.memref_slice %arg4[%multiple_of3A_371] : memref<8388608xf32, #tpu.memory_space<hbm>> -> memref<128xf32, #tpu.memory_space<hbm>>
      tpu.enqueue_dma source(%dma_start3A_377 : memref<128xf32, #tpu.memory_space<hbm>>) target(%dma_start3A_376 : memref<128xf32, #tpu.memory_space<vmem>>) target_semaphore(%arg15 : memref<!tpu.dma_semaphore, #tpu.memory_space<semaphore_mem>>)
      %eq3A_378 = arith.constant 11 : i32
      %eq3A_379 = vector.broadcast %eq3A_378 : i32 to vector<16xi32>
      %eq3A_380 = arith.cmpi eq, %iota3A, %eq3A_379 : vector<16xi32>
      %select_n3A_381 = arith.select %eq3A_380, %get3A_157, %broadcast_in_dim3A_35 : vector<16xi1>, vector<16xi32>
      %reduce_sum3A_382 = arith.constant true
      %reduce_sum3A_383 = vector.broadcast %reduce_sum3A_382 : i1 to vector<16xi1>
      %reduce_sum3A_384 = tpu.scan <sum>, %select_n3A_381 masked %reduce_sum3A_383 : vector<16xi32>, vector<16xi1> -> vector<16xi32>
      %reduce_sum3A_385 = vector.extract %reduce_sum3A_384[15] : i32 from vector<16xi32>
      %and3A_386 = arith.constant -32 : i32
      %and3A_387 = arith.andi %reduce_sum3A_385, %and3A_386 : i32
      %mul3A_388 = arith.constant 4 : i32
      %mul3A_389 = arith.muli %and3A_387, %mul3A_388 : i32
      %add3A_390 = arith.addi %mul3A_114, %mul3A_389 : i32
      %multiple_of3A_391 = tpu.assume_multiple %add3A_390, 128 : i32
      %dma_start3A_392 = arith.constant 1408 : i32
      %dma_start3A_393 = tpu.memref_slice %arg10[%dma_start3A_392] : memref<2048xf32, #tpu.memory_space<vmem>> -> memref<128xf32, #tpu.memory_space<vmem>>
      %dma_start3A_394 = tpu.memref_slice %arg4[%multiple_of3A_391] : memref<8388608xf32, #tpu.memory_space<hbm>> -> memref<128xf32, #tpu.memory_space<hbm>>
      %dma_start3A_395 = arith.constant 1408 : i32
      %dma_start3A_396 = tpu.memref_slice %arg10[%dma_start3A_395] : memref<2048xf32, #tpu.memory_space<vmem>> -> memref<128xf32, #tpu.memory_space<vmem>>
      %dma_start3A_397 = tpu.memref_slice %arg4[%multiple_of3A_391] : memref<8388608xf32, #tpu.memory_space<hbm>> -> memref<128xf32, #tpu.memory_space<hbm>>
      tpu.enqueue_dma source(%dma_start3A_397 : memref<128xf32, #tpu.memory_space<hbm>>) target(%dma_start3A_396 : memref<128xf32, #tpu.memory_space<vmem>>) target_semaphore(%arg15 : memref<!tpu.dma_semaphore, #tpu.memory_space<semaphore_mem>>)
      %eq3A_398 = arith.constant 12 : i32
      %eq3A_399 = vector.broadcast %eq3A_398 : i32 to vector<16xi32>
      %eq3A_400 = arith.cmpi eq, %iota3A, %eq3A_399 : vector<16xi32>
      %select_n3A_401 = arith.select %eq3A_400, %get3A_157, %broadcast_in_dim3A_35 : vector<16xi1>, vector<16xi32>
      %reduce_sum3A_402 = arith.constant true
      %reduce_sum3A_403 = vector.broadcast %reduce_sum3A_402 : i1 to vector<16xi1>
      %reduce_sum3A_404 = tpu.scan <sum>, %select_n3A_401 masked %reduce_sum3A_403 : vector<16xi32>, vector<16xi1> -> vector<16xi32>
      %reduce_sum3A_405 = vector.extract %reduce_sum3A_404[15] : i32 from vector<16xi32>
      %and3A_406 = arith.constant -32 : i32
      %and3A_407 = arith.andi %reduce_sum3A_405, %and3A_406 : i32
      %mul3A_408 = arith.constant 4 : i32
      %mul3A_409 = arith.muli %and3A_407, %mul3A_408 : i32
      %add3A_410 = arith.addi %mul3A_114, %mul3A_409 : i32
      %multiple_of3A_411 = tpu.assume_multiple %add3A_410, 128 : i32
      %dma_start3A_412 = arith.constant 1536 : i32
      %dma_start3A_413 = tpu.memref_slice %arg10[%dma_start3A_412] : memref<2048xf32, #tpu.memory_space<vmem>> -> memref<128xf32, #tpu.memory_space<vmem>>
      %dma_start3A_414 = tpu.memref_slice %arg4[%multiple_of3A_411] : memref<8388608xf32, #tpu.memory_space<hbm>> -> memref<128xf32, #tpu.memory_space<hbm>>
      %dma_start3A_415 = arith.constant 1536 : i32
      %dma_start3A_416 = tpu.memref_slice %arg10[%dma_start3A_415] : memref<2048xf32, #tpu.memory_space<vmem>> -> memref<128xf32, #tpu.memory_space<vmem>>
      %dma_start3A_417 = tpu.memref_slice %arg4[%multiple_of3A_411] : memref<8388608xf32, #tpu.memory_space<hbm>> -> memref<128xf32, #tpu.memory_space<hbm>>
      tpu.enqueue_dma source(%dma_start3A_417 : memref<128xf32, #tpu.memory_space<hbm>>) target(%dma_start3A_416 : memref<128xf32, #tpu.memory_space<vmem>>) target_semaphore(%arg15 : memref<!tpu.dma_semaphore, #tpu.memory_space<semaphore_mem>>)
      %eq3A_418 = arith.constant 13 : i32
      %eq3A_419 = vector.broadcast %eq3A_418 : i32 to vector<16xi32>
      %eq3A_420 = arith.cmpi eq, %iota3A, %eq3A_419 : vector<16xi32>
      %select_n3A_421 = arith.select %eq3A_420, %get3A_157, %broadcast_in_dim3A_35 : vector<16xi1>, vector<16xi32>
      %reduce_sum3A_422 = arith.constant true
      %reduce_sum3A_423 = vector.broadcast %reduce_sum3A_422 : i1 to vector<16xi1>
      %reduce_sum3A_424 = tpu.scan <sum>, %select_n3A_421 masked %reduce_sum3A_423 : vector<16xi32>, vector<16xi1> -> vector<16xi32>
      %reduce_sum3A_425 = vector.extract %reduce_sum3A_424[15] : i32 from vector<16xi32>
      %and3A_426 = arith.constant -32 : i32
      %and3A_427 = arith.andi %reduce_sum3A_425, %and3A_426 : i32
      %mul3A_428 = arith.constant 4 : i32
      %mul3A_429 = arith.muli %and3A_427, %mul3A_428 : i32
      %add3A_430 = arith.addi %mul3A_114, %mul3A_429 : i32
      %multiple_of3A_431 = tpu.assume_multiple %add3A_430, 128 : i32
      %dma_start3A_432 = arith.constant 1664 : i32
      %dma_start3A_433 = tpu.memref_slice %arg10[%dma_start3A_432] : memref<2048xf32, #tpu.memory_space<vmem>> -> memref<128xf32, #tpu.memory_space<vmem>>
      %dma_start3A_434 = tpu.memref_slice %arg4[%multiple_of3A_431] : memref<8388608xf32, #tpu.memory_space<hbm>> -> memref<128xf32, #tpu.memory_space<hbm>>
      %dma_start3A_435 = arith.constant 1664 : i32
      %dma_start3A_436 = tpu.memref_slice %arg10[%dma_start3A_435] : memref<2048xf32, #tpu.memory_space<vmem>> -> memref<128xf32, #tpu.memory_space<vmem>>
      %dma_start3A_437 = tpu.memref_slice %arg4[%multiple_of3A_431] : memref<8388608xf32, #tpu.memory_space<hbm>> -> memref<128xf32, #tpu.memory_space<hbm>>
      tpu.enqueue_dma source(%dma_start3A_437 : memref<128xf32, #tpu.memory_space<hbm>>) target(%dma_start3A_436 : memref<128xf32, #tpu.memory_space<vmem>>) target_semaphore(%arg15 : memref<!tpu.dma_semaphore, #tpu.memory_space<semaphore_mem>>)
      %eq3A_438 = arith.constant 14 : i32
      %eq3A_439 = vector.broadcast %eq3A_438 : i32 to vector<16xi32>
      %eq3A_440 = arith.cmpi eq, %iota3A, %eq3A_439 : vector<16xi32>
      %select_n3A_441 = arith.select %eq3A_440, %get3A_157, %broadcast_in_dim3A_35 : vector<16xi1>, vector<16xi32>
      %reduce_sum3A_442 = arith.constant true
      %reduce_sum3A_443 = vector.broadcast %reduce_sum3A_442 : i1 to vector<16xi1>
      %reduce_sum3A_444 = tpu.scan <sum>, %select_n3A_441 masked %reduce_sum3A_443 : vector<16xi32>, vector<16xi1> -> vector<16xi32>
      %reduce_sum3A_445 = vector.extract %reduce_sum3A_444[15] : i32 from vector<16xi32>
      %and3A_446 = arith.constant -32 : i32
      %and3A_447 = arith.andi %reduce_sum3A_445, %and3A_446 : i32
      %mul3A_448 = arith.constant 4 : i32
      %mul3A_449 = arith.muli %and3A_447, %mul3A_448 : i32
      %add3A_450 = arith.addi %mul3A_114, %mul3A_449 : i32
      %multiple_of3A_451 = tpu.assume_multiple %add3A_450, 128 : i32
      %dma_start3A_452 = arith.constant 1792 : i32
      %dma_start3A_453 = tpu.memref_slice %arg10[%dma_start3A_452] : memref<2048xf32, #tpu.memory_space<vmem>> -> memref<128xf32, #tpu.memory_space<vmem>>
      %dma_start3A_454 = tpu.memref_slice %arg4[%multiple_of3A_451] : memref<8388608xf32, #tpu.memory_space<hbm>> -> memref<128xf32, #tpu.memory_space<hbm>>
      %dma_start3A_455 = arith.constant 1792 : i32
      %dma_start3A_456 = tpu.memref_slice %arg10[%dma_start3A_455] : memref<2048xf32, #tpu.memory_space<vmem>> -> memref<128xf32, #tpu.memory_space<vmem>>
      %dma_start3A_457 = tpu.memref_slice %arg4[%multiple_of3A_451] : memref<8388608xf32, #tpu.memory_space<hbm>> -> memref<128xf32, #tpu.memory_space<hbm>>
      tpu.enqueue_dma source(%dma_start3A_457 : memref<128xf32, #tpu.memory_space<hbm>>) target(%dma_start3A_456 : memref<128xf32, #tpu.memory_space<vmem>>) target_semaphore(%arg15 : memref<!tpu.dma_semaphore, #tpu.memory_space<semaphore_mem>>)
      %eq3A_458 = arith.constant 15 : i32
      %eq3A_459 = vector.broadcast %eq3A_458 : i32 to vector<16xi32>
      %eq3A_460 = arith.cmpi eq, %iota3A, %eq3A_459 : vector<16xi32>
      %select_n3A_461 = arith.select %eq3A_460, %get3A_157, %broadcast_in_dim3A_35 : vector<16xi1>, vector<16xi32>
      %reduce_sum3A_462 = arith.constant true
      %reduce_sum3A_463 = vector.broadcast %reduce_sum3A_462 : i1 to vector<16xi1>
      %reduce_sum3A_464 = tpu.scan <sum>, %select_n3A_461 masked %reduce_sum3A_463 : vector<16xi32>, vector<16xi1> -> vector<16xi32>
      %reduce_sum3A_465 = vector.extract %reduce_sum3A_464[15] : i32 from vector<16xi32>
      %and3A_466 = arith.constant -32 : i32
      %and3A_467 = arith.andi %reduce_sum3A_465, %and3A_466 : i32
      %mul3A_468 = arith.constant 4 : i32
      %mul3A_469 = arith.muli %and3A_467, %mul3A_468 : i32
      %add3A_470 = arith.addi %mul3A_114, %mul3A_469 : i32
      %multiple_of3A_471 = tpu.assume_multiple %add3A_470, 128 : i32
      %dma_start3A_472 = arith.constant 1920 : i32
      %dma_start3A_473 = tpu.memref_slice %arg10[%dma_start3A_472] : memref<2048xf32, #tpu.memory_space<vmem>> -> memref<128xf32, #tpu.memory_space<vmem>>
      %dma_start3A_474 = tpu.memref_slice %arg4[%multiple_of3A_471] : memref<8388608xf32, #tpu.memory_space<hbm>> -> memref<128xf32, #tpu.memory_space<hbm>>
      %dma_start3A_475 = arith.constant 1920 : i32
      %dma_start3A_476 = tpu.memref_slice %arg10[%dma_start3A_475] : memref<2048xf32, #tpu.memory_space<vmem>> -> memref<128xf32, #tpu.memory_space<vmem>>
      %dma_start3A_477 = tpu.memref_slice %arg4[%multiple_of3A_471] : memref<8388608xf32, #tpu.memory_space<hbm>> -> memref<128xf32, #tpu.memory_space<hbm>>
      tpu.enqueue_dma source(%dma_start3A_477 : memref<128xf32, #tpu.memory_space<hbm>>) target(%dma_start3A_476 : memref<128xf32, #tpu.memory_space<vmem>>) target_semaphore(%arg15 : memref<!tpu.dma_semaphore, #tpu.memory_space<semaphore_mem>>)
      %dma_wait3A = arith.constant 0 : i32
      %dma_wait3A_478 = tpu.memref_slice %arg10[%dma_wait3A] : memref<2048xf32, #tpu.memory_space<vmem>> -> memref<128xf32, #tpu.memory_space<vmem>>
      %dma_wait3A_479 = tpu.memref_slice %arg4[%multiple_of3A] : memref<8388608xf32, #tpu.memory_space<hbm>> -> memref<128xf32, #tpu.memory_space<hbm>>
      %dma_wait3A_480 = arith.constant 0 : i32
      %dma_wait3A_481 = tpu.memref_slice %arg10[%dma_wait3A_480] : memref<2048xf32, #tpu.memory_space<vmem>> -> memref<128xf32, #tpu.memory_space<vmem>>
      %dma_wait3A_482 = tpu.memref_slice %arg4[%multiple_of3A] : memref<8388608xf32, #tpu.memory_space<hbm>> -> memref<128xf32, #tpu.memory_space<hbm>>
      tpu.wait_dma2 semaphore(%arg15 : memref<!tpu.dma_semaphore, #tpu.memory_space<semaphore_mem>>) src(%dma_wait3A_482 : memref<128xf32, #tpu.memory_space<hbm>>) dst(%dma_wait3A_481 : memref<128xf32, #tpu.memory_space<vmem>>)
      %dma_wait3A_483 = arith.constant 128 : i32
      %dma_wait3A_484 = tpu.memref_slice %arg10[%dma_wait3A_483] : memref<2048xf32, #tpu.memory_space<vmem>> -> memref<128xf32, #tpu.memory_space<vmem>>
      %dma_wait3A_485 = tpu.memref_slice %arg4[%multiple_of3A_191] : memref<8388608xf32, #tpu.memory_space<hbm>> -> memref<128xf32, #tpu.memory_space<hbm>>
      %dma_wait3A_486 = arith.constant 128 : i32
      %dma_wait3A_487 = tpu.memref_slice %arg10[%dma_wait3A_486] : memref<2048xf32, #tpu.memory_space<vmem>> -> memref<128xf32, #tpu.memory_space<vmem>>
      %dma_wait3A_488 = tpu.memref_slice %arg4[%multiple_of3A_191] : memref<8388608xf32, #tpu.memory_space<hbm>> -> memref<128xf32, #tpu.memory_space<hbm>>
      tpu.wait_dma2 semaphore(%arg15 : memref<!tpu.dma_semaphore, #tpu.memory_space<semaphore_mem>>) src(%dma_wait3A_488 : memref<128xf32, #tpu.memory_space<hbm>>) dst(%dma_wait3A_487 : memref<128xf32, #tpu.memory_space<vmem>>)
      %dma_wait3A_489 = arith.constant 256 : i32
      %dma_wait3A_490 = tpu.memref_slice %arg10[%dma_wait3A_489] : memref<2048xf32, #tpu.memory_space<vmem>> -> memref<128xf32, #tpu.memory_space<vmem>>
      %dma_wait3A_491 = tpu.memref_slice %arg4[%multiple_of3A_211] : memref<8388608xf32, #tpu.memory_space<hbm>> -> memref<128xf32, #tpu.memory_space<hbm>>
      %dma_wait3A_492 = arith.constant 256 : i32
      %dma_wait3A_493 = tpu.memref_slice %arg10[%dma_wait3A_492] : memref<2048xf32, #tpu.memory_space<vmem>> -> memref<128xf32, #tpu.memory_space<vmem>>
      %dma_wait3A_494 = tpu.memref_slice %arg4[%multiple_of3A_211] : memref<8388608xf32, #tpu.memory_space<hbm>> -> memref<128xf32, #tpu.memory_space<hbm>>
      tpu.wait_dma2 semaphore(%arg15 : memref<!tpu.dma_semaphore, #tpu.memory_space<semaphore_mem>>) src(%dma_wait3A_494 : memref<128xf32, #tpu.memory_space<hbm>>) dst(%dma_wait3A_493 : memref<128xf32, #tpu.memory_space<vmem>>)
      %dma_wait3A_495 = arith.constant 384 : i32
      %dma_wait3A_496 = tpu.memref_slice %arg10[%dma_wait3A_495] : memref<2048xf32, #tpu.memory_space<vmem>> -> memref<128xf32, #tpu.memory_space<vmem>>
      %dma_wait3A_497 = tpu.memref_slice %arg4[%multiple_of3A_231] : memref<8388608xf32, #tpu.memory_space<hbm>> -> memref<128xf32, #tpu.memory_space<hbm>>
      %dma_wait3A_498 = arith.constant 384 : i32
      %dma_wait3A_499 = tpu.memref_slice %arg10[%dma_wait3A_498] : memref<2048xf32, #tpu.memory_space<vmem>> -> memref<128xf32, #tpu.memory_space<vmem>>
      %dma_wait3A_500 = tpu.memref_slice %arg4[%multiple_of3A_231] : memref<8388608xf32, #tpu.memory_space<hbm>> -> memref<128xf32, #tpu.memory_space<hbm>>
      tpu.wait_dma2 semaphore(%arg15 : memref<!tpu.dma_semaphore, #tpu.memory_space<semaphore_mem>>) src(%dma_wait3A_500 : memref<128xf32, #tpu.memory_space<hbm>>) dst(%dma_wait3A_499 : memref<128xf32, #tpu.memory_space<vmem>>)
      %dma_wait3A_501 = arith.constant 512 : i32
      %dma_wait3A_502 = tpu.memref_slice %arg10[%dma_wait3A_501] : memref<2048xf32, #tpu.memory_space<vmem>> -> memref<128xf32, #tpu.memory_space<vmem>>
      %dma_wait3A_503 = tpu.memref_slice %arg4[%multiple_of3A_251] : memref<8388608xf32, #tpu.memory_space<hbm>> -> memref<128xf32, #tpu.memory_space<hbm>>
      %dma_wait3A_504 = arith.constant 512 : i32
      %dma_wait3A_505 = tpu.memref_slice %arg10[%dma_wait3A_504] : memref<2048xf32, #tpu.memory_space<vmem>> -> memref<128xf32, #tpu.memory_space<vmem>>
      %dma_wait3A_506 = tpu.memref_slice %arg4[%multiple_of3A_251] : memref<8388608xf32, #tpu.memory_space<hbm>> -> memref<128xf32, #tpu.memory_space<hbm>>
      tpu.wait_dma2 semaphore(%arg15 : memref<!tpu.dma_semaphore, #tpu.memory_space<semaphore_mem>>) src(%dma_wait3A_506 : memref<128xf32, #tpu.memory_space<hbm>>) dst(%dma_wait3A_505 : memref<128xf32, #tpu.memory_space<vmem>>)
      %dma_wait3A_507 = arith.constant 640 : i32
      %dma_wait3A_508 = tpu.memref_slice %arg10[%dma_wait3A_507] : memref<2048xf32, #tpu.memory_space<vmem>> -> memref<128xf32, #tpu.memory_space<vmem>>
      %dma_wait3A_509 = tpu.memref_slice %arg4[%multiple_of3A_271] : memref<8388608xf32, #tpu.memory_space<hbm>> -> memref<128xf32, #tpu.memory_space<hbm>>
      %dma_wait3A_510 = arith.constant 640 : i32
      %dma_wait3A_511 = tpu.memref_slice %arg10[%dma_wait3A_510] : memref<2048xf32, #tpu.memory_space<vmem>> -> memref<128xf32, #tpu.memory_space<vmem>>
      %dma_wait3A_512 = tpu.memref_slice %arg4[%multiple_of3A_271] : memref<8388608xf32, #tpu.memory_space<hbm>> -> memref<128xf32, #tpu.memory_space<hbm>>
      tpu.wait_dma2 semaphore(%arg15 : memref<!tpu.dma_semaphore, #tpu.memory_space<semaphore_mem>>) src(%dma_wait3A_512 : memref<128xf32, #tpu.memory_space<hbm>>) dst(%dma_wait3A_511 : memref<128xf32, #tpu.memory_space<vmem>>)
      %dma_wait3A_513 = arith.constant 768 : i32
      %dma_wait3A_514 = tpu.memref_slice %arg10[%dma_wait3A_513] : memref<2048xf32, #tpu.memory_space<vmem>> -> memref<128xf32, #tpu.memory_space<vmem>>
      %dma_wait3A_515 = tpu.memref_slice %arg4[%multiple_of3A_291] : memref<8388608xf32, #tpu.memory_space<hbm>> -> memref<128xf32, #tpu.memory_space<hbm>>
      %dma_wait3A_516 = arith.constant 768 : i32
      %dma_wait3A_517 = tpu.memref_slice %arg10[%dma_wait3A_516] : memref<2048xf32, #tpu.memory_space<vmem>> -> memref<128xf32, #tpu.memory_space<vmem>>
      %dma_wait3A_518 = tpu.memref_slice %arg4[%multiple_of3A_291] : memref<8388608xf32, #tpu.memory_space<hbm>> -> memref<128xf32, #tpu.memory_space<hbm>>
      tpu.wait_dma2 semaphore(%arg15 : memref<!tpu.dma_semaphore, #tpu.memory_space<semaphore_mem>>) src(%dma_wait3A_518 : memref<128xf32, #tpu.memory_space<hbm>>) dst(%dma_wait3A_517 : memref<128xf32, #tpu.memory_space<vmem>>)
      %dma_wait3A_519 = arith.constant 896 : i32
      %dma_wait3A_520 = tpu.memref_slice %arg10[%dma_wait3A_519] : memref<2048xf32, #tpu.memory_space<vmem>> -> memref<128xf32, #tpu.memory_space<vmem>>
      %dma_wait3A_521 = tpu.memref_slice %arg4[%multiple_of3A_311] : memref<8388608xf32, #tpu.memory_space<hbm>> -> memref<128xf32, #tpu.memory_space<hbm>>
      %dma_wait3A_522 = arith.constant 896 : i32
      %dma_wait3A_523 = tpu.memref_slice %arg10[%dma_wait3A_522] : memref<2048xf32, #tpu.memory_space<vmem>> -> memref<128xf32, #tpu.memory_space<vmem>>
      %dma_wait3A_524 = tpu.memref_slice %arg4[%multiple_of3A_311] : memref<8388608xf32, #tpu.memory_space<hbm>> -> memref<128xf32, #tpu.memory_space<hbm>>
      tpu.wait_dma2 semaphore(%arg15 : memref<!tpu.dma_semaphore, #tpu.memory_space<semaphore_mem>>) src(%dma_wait3A_524 : memref<128xf32, #tpu.memory_space<hbm>>) dst(%dma_wait3A_523 : memref<128xf32, #tpu.memory_space<vmem>>)
      %dma_wait3A_525 = arith.constant 1024 : i32
      %dma_wait3A_526 = tpu.memref_slice %arg10[%dma_wait3A_525] : memref<2048xf32, #tpu.memory_space<vmem>> -> memref<128xf32, #tpu.memory_space<vmem>>
      %dma_wait3A_527 = tpu.memref_slice %arg4[%multiple_of3A_331] : memref<8388608xf32, #tpu.memory_space<hbm>> -> memref<128xf32, #tpu.memory_space<hbm>>
      %dma_wait3A_528 = arith.constant 1024 : i32
      %dma_wait3A_529 = tpu.memref_slice %arg10[%dma_wait3A_528] : memref<2048xf32, #tpu.memory_space<vmem>> -> memref<128xf32, #tpu.memory_space<vmem>>
      %dma_wait3A_530 = tpu.memref_slice %arg4[%multiple_of3A_331] : memref<8388608xf32, #tpu.memory_space<hbm>> -> memref<128xf32, #tpu.memory_space<hbm>>
      tpu.wait_dma2 semaphore(%arg15 : memref<!tpu.dma_semaphore, #tpu.memory_space<semaphore_mem>>) src(%dma_wait3A_530 : memref<128xf32, #tpu.memory_space<hbm>>) dst(%dma_wait3A_529 : memref<128xf32, #tpu.memory_space<vmem>>)
      %dma_wait3A_531 = arith.constant 1152 : i32
      %dma_wait3A_532 = tpu.memref_slice %arg10[%dma_wait3A_531] : memref<2048xf32, #tpu.memory_space<vmem>> -> memref<128xf32, #tpu.memory_space<vmem>>
      %dma_wait3A_533 = tpu.memref_slice %arg4[%multiple_of3A_351] : memref<8388608xf32, #tpu.memory_space<hbm>> -> memref<128xf32, #tpu.memory_space<hbm>>
      %dma_wait3A_534 = arith.constant 1152 : i32
      %dma_wait3A_535 = tpu.memref_slice %arg10[%dma_wait3A_534] : memref<2048xf32, #tpu.memory_space<vmem>> -> memref<128xf32, #tpu.memory_space<vmem>>
      %dma_wait3A_536 = tpu.memref_slice %arg4[%multiple_of3A_351] : memref<8388608xf32, #tpu.memory_space<hbm>> -> memref<128xf32, #tpu.memory_space<hbm>>
      tpu.wait_dma2 semaphore(%arg15 : memref<!tpu.dma_semaphore, #tpu.memory_space<semaphore_mem>>) src(%dma_wait3A_536 : memref<128xf32, #tpu.memory_space<hbm>>) dst(%dma_wait3A_535 : memref<128xf32, #tpu.memory_space<vmem>>)
      %dma_wait3A_537 = arith.constant 1280 : i32
      %dma_wait3A_538 = tpu.memref_slice %arg10[%dma_wait3A_537] : memref<2048xf32, #tpu.memory_space<vmem>> -> memref<128xf32, #tpu.memory_space<vmem>>
      %dma_wait3A_539 = tpu.memref_slice %arg4[%multiple_of3A_371] : memref<8388608xf32, #tpu.memory_space<hbm>> -> memref<128xf32, #tpu.memory_space<hbm>>
      %dma_wait3A_540 = arith.constant 1280 : i32
      %dma_wait3A_541 = tpu.memref_slice %arg10[%dma_wait3A_540] : memref<2048xf32, #tpu.memory_space<vmem>> -> memref<128xf32, #tpu.memory_space<vmem>>
      %dma_wait3A_542 = tpu.memref_slice %arg4[%multiple_of3A_371] : memref<8388608xf32, #tpu.memory_space<hbm>> -> memref<128xf32, #tpu.memory_space<hbm>>
      tpu.wait_dma2 semaphore(%arg15 : memref<!tpu.dma_semaphore, #tpu.memory_space<semaphore_mem>>) src(%dma_wait3A_542 : memref<128xf32, #tpu.memory_space<hbm>>) dst(%dma_wait3A_541 : memref<128xf32, #tpu.memory_space<vmem>>)
      %dma_wait3A_543 = arith.constant 1408 : i32
      %dma_wait3A_544 = tpu.memref_slice %arg10[%dma_wait3A_543] : memref<2048xf32, #tpu.memory_space<vmem>> -> memref<128xf32, #tpu.memory_space<vmem>>
      %dma_wait3A_545 = tpu.memref_slice %arg4[%multiple_of3A_391] : memref<8388608xf32, #tpu.memory_space<hbm>> -> memref<128xf32, #tpu.memory_space<hbm>>
      %dma_wait3A_546 = arith.constant 1408 : i32
      %dma_wait3A_547 = tpu.memref_slice %arg10[%dma_wait3A_546] : memref<2048xf32, #tpu.memory_space<vmem>> -> memref<128xf32, #tpu.memory_space<vmem>>
      %dma_wait3A_548 = tpu.memref_slice %arg4[%multiple_of3A_391] : memref<8388608xf32, #tpu.memory_space<hbm>> -> memref<128xf32, #tpu.memory_space<hbm>>
      tpu.wait_dma2 semaphore(%arg15 : memref<!tpu.dma_semaphore, #tpu.memory_space<semaphore_mem>>) src(%dma_wait3A_548 : memref<128xf32, #tpu.memory_space<hbm>>) dst(%dma_wait3A_547 : memref<128xf32, #tpu.memory_space<vmem>>)
      %dma_wait3A_549 = arith.constant 1536 : i32
      %dma_wait3A_550 = tpu.memref_slice %arg10[%dma_wait3A_549] : memref<2048xf32, #tpu.memory_space<vmem>> -> memref<128xf32, #tpu.memory_space<vmem>>
      %dma_wait3A_551 = tpu.memref_slice %arg4[%multiple_of3A_411] : memref<8388608xf32, #tpu.memory_space<hbm>> -> memref<128xf32, #tpu.memory_space<hbm>>
      %dma_wait3A_552 = arith.constant 1536 : i32
      %dma_wait3A_553 = tpu.memref_slice %arg10[%dma_wait3A_552] : memref<2048xf32, #tpu.memory_space<vmem>> -> memref<128xf32, #tpu.memory_space<vmem>>
      %dma_wait3A_554 = tpu.memref_slice %arg4[%multiple_of3A_411] : memref<8388608xf32, #tpu.memory_space<hbm>> -> memref<128xf32, #tpu.memory_space<hbm>>
      tpu.wait_dma2 semaphore(%arg15 : memref<!tpu.dma_semaphore, #tpu.memory_space<semaphore_mem>>) src(%dma_wait3A_554 : memref<128xf32, #tpu.memory_space<hbm>>) dst(%dma_wait3A_553 : memref<128xf32, #tpu.memory_space<vmem>>)
      %dma_wait3A_555 = arith.constant 1664 : i32
      %dma_wait3A_556 = tpu.memref_slice %arg10[%dma_wait3A_555] : memref<2048xf32, #tpu.memory_space<vmem>> -> memref<128xf32, #tpu.memory_space<vmem>>
      %dma_wait3A_557 = tpu.memref_slice %arg4[%multiple_of3A_431] : memref<8388608xf32, #tpu.memory_space<hbm>> -> memref<128xf32, #tpu.memory_space<hbm>>
      %dma_wait3A_558 = arith.constant 1664 : i32
      %dma_wait3A_559 = tpu.memref_slice %arg10[%dma_wait3A_558] : memref<2048xf32, #tpu.memory_space<vmem>> -> memref<128xf32, #tpu.memory_space<vmem>>
      %dma_wait3A_560 = tpu.memref_slice %arg4[%multiple_of3A_431] : memref<8388608xf32, #tpu.memory_space<hbm>> -> memref<128xf32, #tpu.memory_space<hbm>>
      tpu.wait_dma2 semaphore(%arg15 : memref<!tpu.dma_semaphore, #tpu.memory_space<semaphore_mem>>) src(%dma_wait3A_560 : memref<128xf32, #tpu.memory_space<hbm>>) dst(%dma_wait3A_559 : memref<128xf32, #tpu.memory_space<vmem>>)
      %dma_wait3A_561 = arith.constant 1792 : i32
      %dma_wait3A_562 = tpu.memref_slice %arg10[%dma_wait3A_561] : memref<2048xf32, #tpu.memory_space<vmem>> -> memref<128xf32, #tpu.memory_space<vmem>>
      %dma_wait3A_563 = tpu.memref_slice %arg4[%multiple_of3A_451] : memref<8388608xf32, #tpu.memory_space<hbm>> -> memref<128xf32, #tpu.memory_space<hbm>>
      %dma_wait3A_564 = arith.constant 1792 : i32
      %dma_wait3A_565 = tpu.memref_slice %arg10[%dma_wait3A_564] : memref<2048xf32, #tpu.memory_space<vmem>> -> memref<128xf32, #tpu.memory_space<vmem>>
      %dma_wait3A_566 = tpu.memref_slice %arg4[%multiple_of3A_451] : memref<8388608xf32, #tpu.memory_space<hbm>> -> memref<128xf32, #tpu.memory_space<hbm>>
      tpu.wait_dma2 semaphore(%arg15 : memref<!tpu.dma_semaphore, #tpu.memory_space<semaphore_mem>>) src(%dma_wait3A_566 : memref<128xf32, #tpu.memory_space<hbm>>) dst(%dma_wait3A_565 : memref<128xf32, #tpu.memory_space<vmem>>)
      %dma_wait3A_567 = arith.constant 1920 : i32
      %dma_wait3A_568 = tpu.memref_slice %arg10[%dma_wait3A_567] : memref<2048xf32, #tpu.memory_space<vmem>> -> memref<128xf32, #tpu.memory_space<vmem>>
      %dma_wait3A_569 = tpu.memref_slice %arg4[%multiple_of3A_471] : memref<8388608xf32, #tpu.memory_space<hbm>> -> memref<128xf32, #tpu.memory_space<hbm>>
      %dma_wait3A_570 = arith.constant 1920 : i32
      %dma_wait3A_571 = tpu.memref_slice %arg10[%dma_wait3A_570] : memref<2048xf32, #tpu.memory_space<vmem>> -> memref<128xf32, #tpu.memory_space<vmem>>
      %dma_wait3A_572 = tpu.memref_slice %arg4[%multiple_of3A_471] : memref<8388608xf32, #tpu.memory_space<hbm>> -> memref<128xf32, #tpu.memory_space<hbm>>
      tpu.wait_dma2 semaphore(%arg15 : memref<!tpu.dma_semaphore, #tpu.memory_space<semaphore_mem>>) src(%dma_wait3A_572 : memref<128xf32, #tpu.memory_space<hbm>>) dst(%dma_wait3A_571 : memref<128xf32, #tpu.memory_space<vmem>>)
      %add3A_573 = arith.constant 0 : i32
      %add3A_574 = vector.broadcast %add3A_573 : i32 to vector<16xi32>
      %add3A_575 = arith.addi %add3A_574, %iota3A : vector<16xi32>
      %shift_right_arithmetic3A = arith.constant 2 : i32
      %shift_right_arithmetic3A_576 = vector.broadcast %shift_right_arithmetic3A : i32 to vector<16xi32>
      %shift_right_arithmetic3A_577 = arith.shrsi %add3A_575, %shift_right_arithmetic3A_576 : vector<16xi32>
      %and3A_578 = arith.constant 3 : i32
      %and3A_579 = vector.broadcast %and3A_578 : i32 to vector<16xi32>
      %and3A_580 = arith.andi %add3A_575, %and3A_579 : vector<16xi32>
      %mul3A_581 = arith.constant 16 : i32
      %mul3A_582 = arith.muli %while3A_153, %mul3A_581 : i32
      %add3A_583 = vector.broadcast %mul3A_582 : i32 to vector<16xi32>
      %add3A_584 = arith.addi %add3A_583, %shift_right_arithmetic3A_577 : vector<16xi32>
      %add3A_585 = arith.addi %add3A_105, %add3A_584 : vector<16xi32>
      %min3A = arith.constant 511 : i32
      %min3A_586 = vector.broadcast %min3A : i32 to vector<16xi32>
      %min3A_587 = arith.minsi %add3A_585, %min3A_586 : vector<16xi32>
      %mul3A_588 = arith.constant 4 : i32
      %mul3A_589 = vector.broadcast %mul3A_588 : i32 to vector<16xi32>
      %mul3A_590 = arith.muli %min3A_587, %mul3A_589 : vector<16xi32>
      %add3A_591 = arith.addi %mul3A_590, %and3A_580 : vector<16xi32>
      %gather3A_592 = tpu.vector_load_idx %arg9[%add3A_591] : memref<2048xf32, #tpu.memory_space<vmem>>[vector<16xi32>], vector<16xf32>,
      %gather3A_593 = tpu.vector_load_idx %arg11[%shift_right_arithmetic3A_577] : memref<16xi32, #tpu.memory_space<vmem>>[vector<16xi32>], vector<16xi32>,
      %mul3A_594 = arith.constant 128 : i32
      %mul3A_595 = vector.broadcast %mul3A_594 : i32 to vector<16xi32>
      %mul3A_596 = arith.muli %shift_right_arithmetic3A_577, %mul3A_595 : vector<16xi32>
      %and3A_597 = arith.constant 31 : i32
      %and3A_598 = vector.broadcast %and3A_597 : i32 to vector<16xi32>
      %and3A_599 = arith.andi %gather3A_593, %and3A_598 : vector<16xi32>
      %mul3A_600 = arith.constant 4 : i32
      %mul3A_601 = vector.broadcast %mul3A_600 : i32 to vector<16xi32>
      %mul3A_602 = arith.muli %and3A_599, %mul3A_601 : vector<16xi32>
      %add3A_603 = arith.addi %mul3A_596, %mul3A_602 : vector<16xi32>
      %add3A_604 = arith.addi %add3A_603, %and3A_580 : vector<16xi32>
      %gather3A_605 = tpu.vector_load_idx %arg10[%add3A_604] : memref<2048xf32, #tpu.memory_space<vmem>>[vector<16xi32>], vector<16xf32>,
      %sub3A_606 = arith.subf %gather3A_592, %gather3A_605 : vector<16xf32>
      %abs3A = math.absf %sub3A_606 : vector<16xf32>
      %lt3A_607 = arith.constant 1.000000e+00 : f32
      %lt3A_608 = vector.broadcast %lt3A_607 : f32 to vector<16xf32>
      %lt3A_609 = arith.cmpf olt, %abs3A, %lt3A_608 : vector<16xf32>
      %mul3A_610 = arith.constant 5.000000e-01 : f32
      %mul3A_611 = vector.broadcast %mul3A_610 : f32 to vector<16xf32>
      %mul3A_612 = arith.mulf %mul3A_611, %abs3A : vector<16xf32>
      %mul3A_613 = arith.mulf %mul3A_612, %abs3A : vector<16xf32>
      %sub3A_614 = arith.constant 5.000000e-01 : f32
      %sub3A_615 = vector.broadcast %sub3A_614 : f32 to vector<16xf32>
      %sub3A_616 = arith.subf %abs3A, %sub3A_615 : vector<16xf32>
      %select_n3A_617 = arith.select %lt3A_609, %mul3A_613, %sub3A_616 : vector<16xi1>, vector<16xf32>
      %lt3A_618 = arith.cmpi slt, %add3A_584, %scan3A_45 : vector<16xi32>
      %select_n3A_619 = arith.select %lt3A_618, %select_n3A_617, %broadcast_in_dim3A_37 : vector<16xi1>, vector<16xf32>
      %add3A_620 = arith.addf %while3A_154, %select_n3A_619 : vector<16xf32>
      %add3A_621 = arith.constant 16 : i32
      %add3A_622 = vector.broadcast %add3A_621 : i32 to vector<16xi32>
      %add3A_623 = arith.addi %add3A_622, %iota3A : vector<16xi32>
      %shift_right_arithmetic3A_624 = arith.constant 2 : i32
      %shift_right_arithmetic3A_625 = vector.broadcast %shift_right_arithmetic3A_624 : i32 to vector<16xi32>
      %shift_right_arithmetic3A_626 = arith.shrsi %add3A_623, %shift_right_arithmetic3A_625 : vector<16xi32>
      %and3A_627 = arith.constant 3 : i32
      %and3A_628 = vector.broadcast %and3A_627 : i32 to vector<16xi32>
      %and3A_629 = arith.andi %add3A_623, %and3A_628 : vector<16xi32>
      %mul3A_630 = arith.constant 16 : i32
      %mul3A_631 = arith.muli %while3A_153, %mul3A_630 : i32
      %add3A_632 = vector.broadcast %mul3A_631 : i32 to vector<16xi32>
      %add3A_633 = arith.addi %add3A_632, %shift_right_arithmetic3A_626 : vector<16xi32>
      %add3A_634 = arith.addi %add3A_105, %add3A_633 : vector<16xi32>
      %min3A_635 = arith.constant 511 : i32
      %min3A_636 = vector.broadcast %min3A_635 : i32 to vector<16xi32>
      %min3A_637 = arith.minsi %add3A_634, %min3A_636 : vector<16xi32>
      %mul3A_638 = arith.constant 4 : i32
      %mul3A_639 = vector.broadcast %mul3A_638 : i32 to vector<16xi32>
      %mul3A_640 = arith.muli %min3A_637, %mul3A_639 : vector<16xi32>
      %add3A_641 = arith.addi %mul3A_640, %and3A_629 : vector<16xi32>
      %gather3A_642 = tpu.vector_load_idx %arg9[%add3A_641] : memref<2048xf32, #tpu.memory_space<vmem>>[vector<16xi32>], vector<16xf32>,
      %gather3A_643 = tpu.vector_load_idx %arg11[%shift_right_arithmetic3A_626] : memref<16xi32, #tpu.memory_space<vmem>>[vector<16xi32>], vector<16xi32>,
      %mul3A_644 = arith.constant 128 : i32
      %mul3A_645 = vector.broadcast %mul3A_644 : i32 to vector<16xi32>
      %mul3A_646 = arith.muli %shift_right_arithmetic3A_626, %mul3A_645 : vector<16xi32>
      %and3A_647 = arith.constant 31 : i32
      %and3A_648 = vector.broadcast %and3A_647 : i32 to vector<16xi32>
      %and3A_649 = arith.andi %gather3A_643, %and3A_648 : vector<16xi32>
      %mul3A_650 = arith.constant 4 : i32
      %mul3A_651 = vector.broadcast %mul3A_650 : i32 to vector<16xi32>
      %mul3A_652 = arith.muli %and3A_649, %mul3A_651 : vector<16xi32>
      %add3A_653 = arith.addi %mul3A_646, %mul3A_652 : vector<16xi32>
      %add3A_654 = arith.addi %add3A_653, %and3A_629 : vector<16xi32>
      %gather3A_655 = tpu.vector_load_idx %arg10[%add3A_654] : memref<2048xf32, #tpu.memory_space<vmem>>[vector<16xi32>], vector<16xf32>,
      %sub3A_656 = arith.subf %gather3A_642, %gather3A_655 : vector<16xf32>
      %abs3A_657 = math.absf %sub3A_656 : vector<16xf32>
      %lt3A_658 = arith.constant 1.000000e+00 : f32
      %lt3A_659 = vector.broadcast %lt3A_658 : f32 to vector<16xf32>
      %lt3A_660 = arith.cmpf olt, %abs3A_657, %lt3A_659 : vector<16xf32>
      %mul3A_661 = arith.constant 5.000000e-01 : f32
      %mul3A_662 = vector.broadcast %mul3A_661 : f32 to vector<16xf32>
      %mul3A_663 = arith.mulf %mul3A_662, %abs3A_657 : vector<16xf32>
      %mul3A_664 = arith.mulf %mul3A_663, %abs3A_657 : vector<16xf32>
      %sub3A_665 = arith.constant 5.000000e-01 : f32
      %sub3A_666 = vector.broadcast %sub3A_665 : f32 to vector<16xf32>
      %sub3A_667 = arith.subf %abs3A_657, %sub3A_666 : vector<16xf32>
      %select_n3A_668 = arith.select %lt3A_660, %mul3A_664, %sub3A_667 : vector<16xi1>, vector<16xf32>
      %lt3A_669 = arith.cmpi slt, %add3A_633, %scan3A_45 : vector<16xi32>
      %select_n3A_670 = arith.select %lt3A_669, %select_n3A_668, %broadcast_in_dim3A_37 : vector<16xi1>, vector<16xf32>
      %add3A_671 = arith.addf %add3A_620, %select_n3A_670 : vector<16xf32>
      %add3A_672 = arith.constant 32 : i32
      %add3A_673 = vector.broadcast %add3A_672 : i32 to vector<16xi32>
      %add3A_674 = arith.addi %add3A_673, %iota3A : vector<16xi32>
      %shift_right_arithmetic3A_675 = arith.constant 2 : i32
      %shift_right_arithmetic3A_676 = vector.broadcast %shift_right_arithmetic3A_675 : i32 to vector<16xi32>
      %shift_right_arithmetic3A_677 = arith.shrsi %add3A_674, %shift_right_arithmetic3A_676 : vector<16xi32>
      %and3A_678 = arith.constant 3 : i32
      %and3A_679 = vector.broadcast %and3A_678 : i32 to vector<16xi32>
      %and3A_680 = arith.andi %add3A_674, %and3A_679 : vector<16xi32>
      %mul3A_681 = arith.constant 16 : i32
      %mul3A_682 = arith.muli %while3A_153, %mul3A_681 : i32
      %add3A_683 = vector.broadcast %mul3A_682 : i32 to vector<16xi32>
      %add3A_684 = arith.addi %add3A_683, %shift_right_arithmetic3A_677 : vector<16xi32>
      %add3A_685 = arith.addi %add3A_105, %add3A_684 : vector<16xi32>
      %min3A_686 = arith.constant 511 : i32
      %min3A_687 = vector.broadcast %min3A_686 : i32 to vector<16xi32>
      %min3A_688 = arith.minsi %add3A_685, %min3A_687 : vector<16xi32>
      %mul3A_689 = arith.constant 4 : i32
      %mul3A_690 = vector.broadcast %mul3A_689 : i32 to vector<16xi32>
      %mul3A_691 = arith.muli %min3A_688, %mul3A_690 : vector<16xi32>
      %add3A_692 = arith.addi %mul3A_691, %and3A_680 : vector<16xi32>
      %gather3A_693 = tpu.vector_load_idx %arg9[%add3A_692] : memref<2048xf32, #tpu.memory_space<vmem>>[vector<16xi32>], vector<16xf32>,
      %gather3A_694 = tpu.vector_load_idx %arg11[%shift_right_arithmetic3A_677] : memref<16xi32, #tpu.memory_space<vmem>>[vector<16xi32>], vector<16xi32>,
      %mul3A_695 = arith.constant 128 : i32
      %mul3A_696 = vector.broadcast %mul3A_695 : i32 to vector<16xi32>
      %mul3A_697 = arith.muli %shift_right_arithmetic3A_677, %mul3A_696 : vector<16xi32>
      %and3A_698 = arith.constant 31 : i32
      %and3A_699 = vector.broadcast %and3A_698 : i32 to vector<16xi32>
      %and3A_700 = arith.andi %gather3A_694, %and3A_699 : vector<16xi32>
      %mul3A_701 = arith.constant 4 : i32
      %mul3A_702 = vector.broadcast %mul3A_701 : i32 to vector<16xi32>
      %mul3A_703 = arith.muli %and3A_700, %mul3A_702 : vector<16xi32>
      %add3A_704 = arith.addi %mul3A_697, %mul3A_703 : vector<16xi32>
      %add3A_705 = arith.addi %add3A_704, %and3A_680 : vector<16xi32>
      %gather3A_706 = tpu.vector_load_idx %arg10[%add3A_705] : memref<2048xf32, #tpu.memory_space<vmem>>[vector<16xi32>], vector<16xf32>,
      %sub3A_707 = arith.subf %gather3A_693, %gather3A_706 : vector<16xf32>
      %abs3A_708 = math.absf %sub3A_707 : vector<16xf32>
      %lt3A_709 = arith.constant 1.000000e+00 : f32
      %lt3A_710 = vector.broadcast %lt3A_709 : f32 to vector<16xf32>
      %lt3A_711 = arith.cmpf olt, %abs3A_708, %lt3A_710 : vector<16xf32>
      %mul3A_712 = arith.constant 5.000000e-01 : f32
      %mul3A_713 = vector.broadcast %mul3A_712 : f32 to vector<16xf32>
      %mul3A_714 = arith.mulf %mul3A_713, %abs3A_708 : vector<16xf32>
      %mul3A_715 = arith.mulf %mul3A_714, %abs3A_708 : vector<16xf32>
      %sub3A_716 = arith.constant 5.000000e-01 : f32
      %sub3A_717 = vector.broadcast %sub3A_716 : f32 to vector<16xf32>
      %sub3A_718 = arith.subf %abs3A_708, %sub3A_717 : vector<16xf32>
      %select_n3A_719 = arith.select %lt3A_711, %mul3A_715, %sub3A_718 : vector<16xi1>, vector<16xf32>
      %lt3A_720 = arith.cmpi slt, %add3A_684, %scan3A_45 : vector<16xi32>
      %select_n3A_721 = arith.select %lt3A_720, %select_n3A_719, %broadcast_in_dim3A_37 : vector<16xi1>, vector<16xf32>
      %add3A_722 = arith.addf %add3A_671, %select_n3A_721 : vector<16xf32>
      %add3A_723 = arith.constant 48 : i32
      %add3A_724 = vector.broadcast %add3A_723 : i32 to vector<16xi32>
      %add3A_725 = arith.addi %add3A_724, %iota3A : vector<16xi32>
      %shift_right_arithmetic3A_726 = arith.constant 2 : i32
      %shift_right_arithmetic3A_727 = vector.broadcast %shift_right_arithmetic3A_726 : i32 to vector<16xi32>
      %shift_right_arithmetic3A_728 = arith.shrsi %add3A_725, %shift_right_arithmetic3A_727 : vector<16xi32>
      %and3A_729 = arith.constant 3 : i32
      %and3A_730 = vector.broadcast %and3A_729 : i32 to vector<16xi32>
      %and3A_731 = arith.andi %add3A_725, %and3A_730 : vector<16xi32>
      %mul3A_732 = arith.constant 16 : i32
      %mul3A_733 = arith.muli %while3A_153, %mul3A_732 : i32
      %add3A_734 = vector.broadcast %mul3A_733 : i32 to vector<16xi32>
      %add3A_735 = arith.addi %add3A_734, %shift_right_arithmetic3A_728 : vector<16xi32>
      %add3A_736 = arith.addi %add3A_105, %add3A_735 : vector<16xi32>
      %min3A_737 = arith.constant 511 : i32
      %min3A_738 = vector.broadcast %min3A_737 : i32 to vector<16xi32>
      %min3A_739 = arith.minsi %add3A_736, %min3A_738 : vector<16xi32>
      %mul3A_740 = arith.constant 4 : i32
      %mul3A_741 = vector.broadcast %mul3A_740 : i32 to vector<16xi32>
      %mul3A_742 = arith.muli %min3A_739, %mul3A_741 : vector<16xi32>
      %add3A_743 = arith.addi %mul3A_742, %and3A_731 : vector<16xi32>
      %gather3A_744 = tpu.vector_load_idx %arg9[%add3A_743] : memref<2048xf32, #tpu.memory_space<vmem>>[vector<16xi32>], vector<16xf32>,
      %gather3A_745 = tpu.vector_load_idx %arg11[%shift_right_arithmetic3A_728] : memref<16xi32, #tpu.memory_space<vmem>>[vector<16xi32>], vector<16xi32>,
      %mul3A_746 = arith.constant 128 : i32
      %mul3A_747 = vector.broadcast %mul3A_746 : i32 to vector<16xi32>
      %mul3A_748 = arith.muli %shift_right_arithmetic3A_728, %mul3A_747 : vector<16xi32>
      %and3A_749 = arith.constant 31 : i32
      %and3A_750 = vector.broadcast %and3A_749 : i32 to vector<16xi32>
      %and3A_751 = arith.andi %gather3A_745, %and3A_750 : vector<16xi32>
      %mul3A_752 = arith.constant 4 : i32
      %mul3A_753 = vector.broadcast %mul3A_752 : i32 to vector<16xi32>
      %mul3A_754 = arith.muli %and3A_751, %mul3A_753 : vector<16xi32>
      %add3A_755 = arith.addi %mul3A_748, %mul3A_754 : vector<16xi32>
      %add3A_756 = arith.addi %add3A_755, %and3A_731 : vector<16xi32>
      %gather3A_757 = tpu.vector_load_idx %arg10[%add3A_756] : memref<2048xf32, #tpu.memory_space<vmem>>[vector<16xi32>], vector<16xf32>,
      %sub3A_758 = arith.subf %gather3A_744, %gather3A_757 : vector<16xf32>
      %abs3A_759 = math.absf %sub3A_758 : vector<16xf32>
      %lt3A_760 = arith.constant 1.000000e+00 : f32
      %lt3A_761 = vector.broadcast %lt3A_760 : f32 to vector<16xf32>
      %lt3A_762 = arith.cmpf olt, %abs3A_759, %lt3A_761 : vector<16xf32>
      %mul3A_763 = arith.constant 5.000000e-01 : f32
      %mul3A_764 = vector.broadcast %mul3A_763 : f32 to vector<16xf32>
      %mul3A_765 = arith.mulf %mul3A_764, %abs3A_759 : vector<16xf32>
      %mul3A_766 = arith.mulf %mul3A_765, %abs3A_759 : vector<16xf32>
      %sub3A_767 = arith.constant 5.000000e-01 : f32
      %sub3A_768 = vector.broadcast %sub3A_767 : f32 to vector<16xf32>
      %sub3A_769 = arith.subf %abs3A_759, %sub3A_768 : vector<16xf32>
      %select_n3A_770 = arith.select %lt3A_762, %mul3A_766, %sub3A_769 : vector<16xi1>, vector<16xf32>
      %lt3A_771 = arith.cmpi slt, %add3A_735, %scan3A_45 : vector<16xi32>
      %select_n3A_772 = arith.select %lt3A_771, %select_n3A_770, %broadcast_in_dim3A_37 : vector<16xi1>, vector<16xf32>
      %add3A_773 = arith.addf %add3A_722, %select_n3A_772 : vector<16xf32>
      scf.yield %add3A_773 : vector<16xf32>
    }
    %while3A_149 = arith.constant 1 : i32
    %while3A_150 = scf.for %while3A_153 = %while3A_146 to %while3A_142 step %while3A_149 iter_args(%while3A_154 = %while3A_148) -> (vector<16xf32>)  : i32 {
      %mul3A_155 = arith.constant 16 : i32
      %mul3A_156 = arith.muli %while3A_153, %mul3A_155 : i32
      %get3A = arith.index_cast %mul3A_156 : i32 to index
      %get3A_157 = tpu.vector_load %arg8[%get3A] {strides = array<i32>} : memref<65552xi32, #tpu.memory_space<vmem>>, vector<16xi32>,
      %swap3A_158 = arith.constant 0 : index
      %swap3A_159 = tpu.vector_load %arg11[%swap3A_158] {strides = array<i32>} : memref<16xi32, #tpu.memory_space<vmem>>, vector<16xi32>,
      tpu.vector_store %arg11[%swap3A_158], %get3A_157 {strides = array<i32>} : memref<16xi32, #tpu.memory_space<vmem>>, vector<16xi32>,
      %eq3A_160 = arith.constant 0 : i32
      %eq3A_161 = vector.broadcast %eq3A_160 : i32 to vector<16xi32>
      %eq3A_162 = arith.cmpi eq, %iota3A, %eq3A_161 : vector<16xi32>
      %select_n3A_163 = arith.select %eq3A_162, %get3A_157, %broadcast_in_dim3A_35 : vector<16xi1>, vector<16xi32>
      %reduce_sum3A_164 = arith.constant true
      %reduce_sum3A_165 = vector.broadcast %reduce_sum3A_164 : i1 to vector<16xi1>
      %reduce_sum3A_166 = tpu.scan <sum>, %select_n3A_163 masked %reduce_sum3A_165 : vector<16xi32>, vector<16xi1> -> vector<16xi32>
      %reduce_sum3A_167 = vector.extract %reduce_sum3A_166[15] : i32 from vector<16xi32>
      %and3A_168 = arith.constant -32 : i32
      %and3A_169 = arith.andi %reduce_sum3A_167, %and3A_168 : i32
      %mul3A_170 = arith.constant 4 : i32
      %mul3A_171 = arith.muli %and3A_169, %mul3A_170 : i32
      %add3A_172 = arith.addi %mul3A_114, %mul3A_171 : i32
      %multiple_of3A = tpu.assume_multiple %add3A_172, 128 : i32
      %dma_start3A = arith.constant 0 : i32
      %dma_start3A_173 = tpu.memref_slice %arg10[%dma_start3A] : memref<2048xf32, #tpu.memory_space<vmem>> -> memref<128xf32, #tpu.memory_space<vmem>>
      %dma_start3A_174 = tpu.memref_slice %arg4[%multiple_of3A] : memref<8388608xf32, #tpu.memory_space<hbm>> -> memref<128xf32, #tpu.memory_space<hbm>>
      %dma_start3A_175 = arith.constant 0 : i32
      %dma_start3A_176 = tpu.memref_slice %arg10[%dma_start3A_175] : memref<2048xf32, #tpu.memory_space<vmem>> -> memref<128xf32, #tpu.memory_space<vmem>>
      %dma_start3A_177 = tpu.memref_slice %arg4[%multiple_of3A] : memref<8388608xf32, #tpu.memory_space<hbm>> -> memref<128xf32, #tpu.memory_space<hbm>>
      tpu.enqueue_dma source(%dma_start3A_177 : memref<128xf32, #tpu.memory_space<hbm>>) target(%dma_start3A_176 : memref<128xf32, #tpu.memory_space<vmem>>) target_semaphore(%arg15 : memref<!tpu.dma_semaphore, #tpu.memory_space<semaphore_mem>>)
      %eq3A_178 = arith.constant 1 : i32
      %eq3A_179 = vector.broadcast %eq3A_178 : i32 to vector<16xi32>
      %eq3A_180 = arith.cmpi eq, %iota3A, %eq3A_179 : vector<16xi32>
      %select_n3A_181 = arith.select %eq3A_180, %get3A_157, %broadcast_in_dim3A_35 : vector<16xi1>, vector<16xi32>
      %reduce_sum3A_182 = arith.constant true
      %reduce_sum3A_183 = vector.broadcast %reduce_sum3A_182 : i1 to vector<16xi1>
      %reduce_sum3A_184 = tpu.scan <sum>, %select_n3A_181 masked %reduce_sum3A_183 : vector<16xi32>, vector<16xi1> -> vector<16xi32>
      %reduce_sum3A_185 = vector.extract %reduce_sum3A_184[15] : i32 from vector<16xi32>
      %and3A_186 = arith.constant -32 : i32
      %and3A_187 = arith.andi %reduce_sum3A_185, %and3A_186 : i32
      %mul3A_188 = arith.constant 4 : i32
      %mul3A_189 = arith.muli %and3A_187, %mul3A_188 : i32
      %add3A_190 = arith.addi %mul3A_114, %mul3A_189 : i32
      %multiple_of3A_191 = tpu.assume_multiple %add3A_190, 128 : i32
      %dma_start3A_192 = arith.constant 128 : i32
      %dma_start3A_193 = tpu.memref_slice %arg10[%dma_start3A_192] : memref<2048xf32, #tpu.memory_space<vmem>> -> memref<128xf32, #tpu.memory_space<vmem>>
      %dma_start3A_194 = tpu.memref_slice %arg4[%multiple_of3A_191] : memref<8388608xf32, #tpu.memory_space<hbm>> -> memref<128xf32, #tpu.memory_space<hbm>>
      %dma_start3A_195 = arith.constant 128 : i32
      %dma_start3A_196 = tpu.memref_slice %arg10[%dma_start3A_195] : memref<2048xf32, #tpu.memory_space<vmem>> -> memref<128xf32, #tpu.memory_space<vmem>>
      %dma_start3A_197 = tpu.memref_slice %arg4[%multiple_of3A_191] : memref<8388608xf32, #tpu.memory_space<hbm>> -> memref<128xf32, #tpu.memory_space<hbm>>
      tpu.enqueue_dma source(%dma_start3A_197 : memref<128xf32, #tpu.memory_space<hbm>>) target(%dma_start3A_196 : memref<128xf32, #tpu.memory_space<vmem>>) target_semaphore(%arg15 : memref<!tpu.dma_semaphore, #tpu.memory_space<semaphore_mem>>)
      %eq3A_198 = arith.constant 2 : i32
      %eq3A_199 = vector.broadcast %eq3A_198 : i32 to vector<16xi32>
      %eq3A_200 = arith.cmpi eq, %iota3A, %eq3A_199 : vector<16xi32>
      %select_n3A_201 = arith.select %eq3A_200, %get3A_157, %broadcast_in_dim3A_35 : vector<16xi1>, vector<16xi32>
      %reduce_sum3A_202 = arith.constant true
      %reduce_sum3A_203 = vector.broadcast %reduce_sum3A_202 : i1 to vector<16xi1>
      %reduce_sum3A_204 = tpu.scan <sum>, %select_n3A_201 masked %reduce_sum3A_203 : vector<16xi32>, vector<16xi1> -> vector<16xi32>
      %reduce_sum3A_205 = vector.extract %reduce_sum3A_204[15] : i32 from vector<16xi32>
      %and3A_206 = arith.constant -32 : i32
      %and3A_207 = arith.andi %reduce_sum3A_205, %and3A_206 : i32
      %mul3A_208 = arith.constant 4 : i32
      %mul3A_209 = arith.muli %and3A_207, %mul3A_208 : i32
      %add3A_210 = arith.addi %mul3A_114, %mul3A_209 : i32
      %multiple_of3A_211 = tpu.assume_multiple %add3A_210, 128 : i32
      %dma_start3A_212 = arith.constant 256 : i32
      %dma_start3A_213 = tpu.memref_slice %arg10[%dma_start3A_212] : memref<2048xf32, #tpu.memory_space<vmem>> -> memref<128xf32, #tpu.memory_space<vmem>>
      %dma_start3A_214 = tpu.memref_slice %arg4[%multiple_of3A_211] : memref<8388608xf32, #tpu.memory_space<hbm>> -> memref<128xf32, #tpu.memory_space<hbm>>
      %dma_start3A_215 = arith.constant 256 : i32
      %dma_start3A_216 = tpu.memref_slice %arg10[%dma_start3A_215] : memref<2048xf32, #tpu.memory_space<vmem>> -> memref<128xf32, #tpu.memory_space<vmem>>
      %dma_start3A_217 = tpu.memref_slice %arg4[%multiple_of3A_211] : memref<8388608xf32, #tpu.memory_space<hbm>> -> memref<128xf32, #tpu.memory_space<hbm>>
      tpu.enqueue_dma source(%dma_start3A_217 : memref<128xf32, #tpu.memory_space<hbm>>) target(%dma_start3A_216 : memref<128xf32, #tpu.memory_space<vmem>>) target_semaphore(%arg15 : memref<!tpu.dma_semaphore, #tpu.memory_space<semaphore_mem>>)
      %eq3A_218 = arith.constant 3 : i32
      %eq3A_219 = vector.broadcast %eq3A_218 : i32 to vector<16xi32>
      %eq3A_220 = arith.cmpi eq, %iota3A, %eq3A_219 : vector<16xi32>
      %select_n3A_221 = arith.select %eq3A_220, %get3A_157, %broadcast_in_dim3A_35 : vector<16xi1>, vector<16xi32>
      %reduce_sum3A_222 = arith.constant true
      %reduce_sum3A_223 = vector.broadcast %reduce_sum3A_222 : i1 to vector<16xi1>
      %reduce_sum3A_224 = tpu.scan <sum>, %select_n3A_221 masked %reduce_sum3A_223 : vector<16xi32>, vector<16xi1> -> vector<16xi32>
      %reduce_sum3A_225 = vector.extract %reduce_sum3A_224[15] : i32 from vector<16xi32>
      %and3A_226 = arith.constant -32 : i32
      %and3A_227 = arith.andi %reduce_sum3A_225, %and3A_226 : i32
      %mul3A_228 = arith.constant 4 : i32
      %mul3A_229 = arith.muli %and3A_227, %mul3A_228 : i32
      %add3A_230 = arith.addi %mul3A_114, %mul3A_229 : i32
      %multiple_of3A_231 = tpu.assume_multiple %add3A_230, 128 : i32
      %dma_start3A_232 = arith.constant 384 : i32
      %dma_start3A_233 = tpu.memref_slice %arg10[%dma_start3A_232] : memref<2048xf32, #tpu.memory_space<vmem>> -> memref<128xf32, #tpu.memory_space<vmem>>
      %dma_start3A_234 = tpu.memref_slice %arg4[%multiple_of3A_231] : memref<8388608xf32, #tpu.memory_space<hbm>> -> memref<128xf32, #tpu.memory_space<hbm>>
      %dma_start3A_235 = arith.constant 384 : i32
      %dma_start3A_236 = tpu.memref_slice %arg10[%dma_start3A_235] : memref<2048xf32, #tpu.memory_space<vmem>> -> memref<128xf32, #tpu.memory_space<vmem>>
      %dma_start3A_237 = tpu.memref_slice %arg4[%multiple_of3A_231] : memref<8388608xf32, #tpu.memory_space<hbm>> -> memref<128xf32, #tpu.memory_space<hbm>>
      tpu.enqueue_dma source(%dma_start3A_237 : memref<128xf32, #tpu.memory_space<hbm>>) target(%dma_start3A_236 : memref<128xf32, #tpu.memory_space<vmem>>) target_semaphore(%arg15 : memref<!tpu.dma_semaphore, #tpu.memory_space<semaphore_mem>>)
      %eq3A_238 = arith.constant 4 : i32
      %eq3A_239 = vector.broadcast %eq3A_238 : i32 to vector<16xi32>
      %eq3A_240 = arith.cmpi eq, %iota3A, %eq3A_239 : vector<16xi32>
      %select_n3A_241 = arith.select %eq3A_240, %get3A_157, %broadcast_in_dim3A_35 : vector<16xi1>, vector<16xi32>
      %reduce_sum3A_242 = arith.constant true
      %reduce_sum3A_243 = vector.broadcast %reduce_sum3A_242 : i1 to vector<16xi1>
      %reduce_sum3A_244 = tpu.scan <sum>, %select_n3A_241 masked %reduce_sum3A_243 : vector<16xi32>, vector<16xi1> -> vector<16xi32>
      %reduce_sum3A_245 = vector.extract %reduce_sum3A_244[15] : i32 from vector<16xi32>
      %and3A_246 = arith.constant -32 : i32
      %and3A_247 = arith.andi %reduce_sum3A_245, %and3A_246 : i32
      %mul3A_248 = arith.constant 4 : i32
      %mul3A_249 = arith.muli %and3A_247, %mul3A_248 : i32
      %add3A_250 = arith.addi %mul3A_114, %mul3A_249 : i32
      %multiple_of3A_251 = tpu.assume_multiple %add3A_250, 128 : i32
      %dma_start3A_252 = arith.constant 512 : i32
      %dma_start3A_253 = tpu.memref_slice %arg10[%dma_start3A_252] : memref<2048xf32, #tpu.memory_space<vmem>> -> memref<128xf32, #tpu.memory_space<vmem>>
      %dma_start3A_254 = tpu.memref_slice %arg4[%multiple_of3A_251] : memref<8388608xf32, #tpu.memory_space<hbm>> -> memref<128xf32, #tpu.memory_space<hbm>>
      %dma_start3A_255 = arith.constant 512 : i32
      %dma_start3A_256 = tpu.memref_slice %arg10[%dma_start3A_255] : memref<2048xf32, #tpu.memory_space<vmem>> -> memref<128xf32, #tpu.memory_space<vmem>>
      %dma_start3A_257 = tpu.memref_slice %arg4[%multiple_of3A_251] : memref<8388608xf32, #tpu.memory_space<hbm>> -> memref<128xf32, #tpu.memory_space<hbm>>
      tpu.enqueue_dma source(%dma_start3A_257 : memref<128xf32, #tpu.memory_space<hbm>>) target(%dma_start3A_256 : memref<128xf32, #tpu.memory_space<vmem>>) target_semaphore(%arg15 : memref<!tpu.dma_semaphore, #tpu.memory_space<semaphore_mem>>)
      %eq3A_258 = arith.constant 5 : i32
      %eq3A_259 = vector.broadcast %eq3A_258 : i32 to vector<16xi32>
      %eq3A_260 = arith.cmpi eq, %iota3A, %eq3A_259 : vector<16xi32>
      %select_n3A_261 = arith.select %eq3A_260, %get3A_157, %broadcast_in_dim3A_35 : vector<16xi1>, vector<16xi32>
      %reduce_sum3A_262 = arith.constant true
      %reduce_sum3A_263 = vector.broadcast %reduce_sum3A_262 : i1 to vector<16xi1>
      %reduce_sum3A_264 = tpu.scan <sum>, %select_n3A_261 masked %reduce_sum3A_263 : vector<16xi32>, vector<16xi1> -> vector<16xi32>
      %reduce_sum3A_265 = vector.extract %reduce_sum3A_264[15] : i32 from vector<16xi32>
      %and3A_266 = arith.constant -32 : i32
      %and3A_267 = arith.andi %reduce_sum3A_265, %and3A_266 : i32
      %mul3A_268 = arith.constant 4 : i32
      %mul3A_269 = arith.muli %and3A_267, %mul3A_268 : i32
      %add3A_270 = arith.addi %mul3A_114, %mul3A_269 : i32
      %multiple_of3A_271 = tpu.assume_multiple %add3A_270, 128 : i32
      %dma_start3A_272 = arith.constant 640 : i32
      %dma_start3A_273 = tpu.memref_slice %arg10[%dma_start3A_272] : memref<2048xf32, #tpu.memory_space<vmem>> -> memref<128xf32, #tpu.memory_space<vmem>>
      %dma_start3A_274 = tpu.memref_slice %arg4[%multiple_of3A_271] : memref<8388608xf32, #tpu.memory_space<hbm>> -> memref<128xf32, #tpu.memory_space<hbm>>
      %dma_start3A_275 = arith.constant 640 : i32
      %dma_start3A_276 = tpu.memref_slice %arg10[%dma_start3A_275] : memref<2048xf32, #tpu.memory_space<vmem>> -> memref<128xf32, #tpu.memory_space<vmem>>
      %dma_start3A_277 = tpu.memref_slice %arg4[%multiple_of3A_271] : memref<8388608xf32, #tpu.memory_space<hbm>> -> memref<128xf32, #tpu.memory_space<hbm>>
      tpu.enqueue_dma source(%dma_start3A_277 : memref<128xf32, #tpu.memory_space<hbm>>) target(%dma_start3A_276 : memref<128xf32, #tpu.memory_space<vmem>>) target_semaphore(%arg15 : memref<!tpu.dma_semaphore, #tpu.memory_space<semaphore_mem>>)
      %eq3A_278 = arith.constant 6 : i32
      %eq3A_279 = vector.broadcast %eq3A_278 : i32 to vector<16xi32>
      %eq3A_280 = arith.cmpi eq, %iota3A, %eq3A_279 : vector<16xi32>
      %select_n3A_281 = arith.select %eq3A_280, %get3A_157, %broadcast_in_dim3A_35 : vector<16xi1>, vector<16xi32>
      %reduce_sum3A_282 = arith.constant true
      %reduce_sum3A_283 = vector.broadcast %reduce_sum3A_282 : i1 to vector<16xi1>
      %reduce_sum3A_284 = tpu.scan <sum>, %select_n3A_281 masked %reduce_sum3A_283 : vector<16xi32>, vector<16xi1> -> vector<16xi32>
      %reduce_sum3A_285 = vector.extract %reduce_sum3A_284[15] : i32 from vector<16xi32>
      %and3A_286 = arith.constant -32 : i32
      %and3A_287 = arith.andi %reduce_sum3A_285, %and3A_286 : i32
      %mul3A_288 = arith.constant 4 : i32
      %mul3A_289 = arith.muli %and3A_287, %mul3A_288 : i32
      %add3A_290 = arith.addi %mul3A_114, %mul3A_289 : i32
      %multiple_of3A_291 = tpu.assume_multiple %add3A_290, 128 : i32
      %dma_start3A_292 = arith.constant 768 : i32
      %dma_start3A_293 = tpu.memref_slice %arg10[%dma_start3A_292] : memref<2048xf32, #tpu.memory_space<vmem>> -> memref<128xf32, #tpu.memory_space<vmem>>
      %dma_start3A_294 = tpu.memref_slice %arg4[%multiple_of3A_291] : memref<8388608xf32, #tpu.memory_space<hbm>> -> memref<128xf32, #tpu.memory_space<hbm>>
      %dma_start3A_295 = arith.constant 768 : i32
      %dma_start3A_296 = tpu.memref_slice %arg10[%dma_start3A_295] : memref<2048xf32, #tpu.memory_space<vmem>> -> memref<128xf32, #tpu.memory_space<vmem>>
      %dma_start3A_297 = tpu.memref_slice %arg4[%multiple_of3A_291] : memref<8388608xf32, #tpu.memory_space<hbm>> -> memref<128xf32, #tpu.memory_space<hbm>>
      tpu.enqueue_dma source(%dma_start3A_297 : memref<128xf32, #tpu.memory_space<hbm>>) target(%dma_start3A_296 : memref<128xf32, #tpu.memory_space<vmem>>) target_semaphore(%arg15 : memref<!tpu.dma_semaphore, #tpu.memory_space<semaphore_mem>>)
      %eq3A_298 = arith.constant 7 : i32
      %eq3A_299 = vector.broadcast %eq3A_298 : i32 to vector<16xi32>
      %eq3A_300 = arith.cmpi eq, %iota3A, %eq3A_299 : vector<16xi32>
      %select_n3A_301 = arith.select %eq3A_300, %get3A_157, %broadcast_in_dim3A_35 : vector<16xi1>, vector<16xi32>
      %reduce_sum3A_302 = arith.constant true
      %reduce_sum3A_303 = vector.broadcast %reduce_sum3A_302 : i1 to vector<16xi1>
      %reduce_sum3A_304 = tpu.scan <sum>, %select_n3A_301 masked %reduce_sum3A_303 : vector<16xi32>, vector<16xi1> -> vector<16xi32>
      %reduce_sum3A_305 = vector.extract %reduce_sum3A_304[15] : i32 from vector<16xi32>
      %and3A_306 = arith.constant -32 : i32
      %and3A_307 = arith.andi %reduce_sum3A_305, %and3A_306 : i32
      %mul3A_308 = arith.constant 4 : i32
      %mul3A_309 = arith.muli %and3A_307, %mul3A_308 : i32
      %add3A_310 = arith.addi %mul3A_114, %mul3A_309 : i32
      %multiple_of3A_311 = tpu.assume_multiple %add3A_310, 128 : i32
      %dma_start3A_312 = arith.constant 896 : i32
      %dma_start3A_313 = tpu.memref_slice %arg10[%dma_start3A_312] : memref<2048xf32, #tpu.memory_space<vmem>> -> memref<128xf32, #tpu.memory_space<vmem>>
      %dma_start3A_314 = tpu.memref_slice %arg4[%multiple_of3A_311] : memref<8388608xf32, #tpu.memory_space<hbm>> -> memref<128xf32, #tpu.memory_space<hbm>>
      %dma_start3A_315 = arith.constant 896 : i32
      %dma_start3A_316 = tpu.memref_slice %arg10[%dma_start3A_315] : memref<2048xf32, #tpu.memory_space<vmem>> -> memref<128xf32, #tpu.memory_space<vmem>>
      %dma_start3A_317 = tpu.memref_slice %arg4[%multiple_of3A_311] : memref<8388608xf32, #tpu.memory_space<hbm>> -> memref<128xf32, #tpu.memory_space<hbm>>
      tpu.enqueue_dma source(%dma_start3A_317 : memref<128xf32, #tpu.memory_space<hbm>>) target(%dma_start3A_316 : memref<128xf32, #tpu.memory_space<vmem>>) target_semaphore(%arg15 : memref<!tpu.dma_semaphore, #tpu.memory_space<semaphore_mem>>)
      %eq3A_318 = arith.constant 8 : i32
      %eq3A_319 = vector.broadcast %eq3A_318 : i32 to vector<16xi32>
      %eq3A_320 = arith.cmpi eq, %iota3A, %eq3A_319 : vector<16xi32>
      %select_n3A_321 = arith.select %eq3A_320, %get3A_157, %broadcast_in_dim3A_35 : vector<16xi1>, vector<16xi32>
      %reduce_sum3A_322 = arith.constant true
      %reduce_sum3A_323 = vector.broadcast %reduce_sum3A_322 : i1 to vector<16xi1>
      %reduce_sum3A_324 = tpu.scan <sum>, %select_n3A_321 masked %reduce_sum3A_323 : vector<16xi32>, vector<16xi1> -> vector<16xi32>
      %reduce_sum3A_325 = vector.extract %reduce_sum3A_324[15] : i32 from vector<16xi32>
      %and3A_326 = arith.constant -32 : i32
      %and3A_327 = arith.andi %reduce_sum3A_325, %and3A_326 : i32
      %mul3A_328 = arith.constant 4 : i32
      %mul3A_329 = arith.muli %and3A_327, %mul3A_328 : i32
      %add3A_330 = arith.addi %mul3A_114, %mul3A_329 : i32
      %multiple_of3A_331 = tpu.assume_multiple %add3A_330, 128 : i32
      %dma_start3A_332 = arith.constant 1024 : i32
      %dma_start3A_333 = tpu.memref_slice %arg10[%dma_start3A_332] : memref<2048xf32, #tpu.memory_space<vmem>> -> memref<128xf32, #tpu.memory_space<vmem>>
      %dma_start3A_334 = tpu.memref_slice %arg4[%multiple_of3A_331] : memref<8388608xf32, #tpu.memory_space<hbm>> -> memref<128xf32, #tpu.memory_space<hbm>>
      %dma_start3A_335 = arith.constant 1024 : i32
      %dma_start3A_336 = tpu.memref_slice %arg10[%dma_start3A_335] : memref<2048xf32, #tpu.memory_space<vmem>> -> memref<128xf32, #tpu.memory_space<vmem>>
      %dma_start3A_337 = tpu.memref_slice %arg4[%multiple_of3A_331] : memref<8388608xf32, #tpu.memory_space<hbm>> -> memref<128xf32, #tpu.memory_space<hbm>>
      tpu.enqueue_dma source(%dma_start3A_337 : memref<128xf32, #tpu.memory_space<hbm>>) target(%dma_start3A_336 : memref<128xf32, #tpu.memory_space<vmem>>) target_semaphore(%arg15 : memref<!tpu.dma_semaphore, #tpu.memory_space<semaphore_mem>>)
      %eq3A_338 = arith.constant 9 : i32
      %eq3A_339 = vector.broadcast %eq3A_338 : i32 to vector<16xi32>
      %eq3A_340 = arith.cmpi eq, %iota3A, %eq3A_339 : vector<16xi32>
      %select_n3A_341 = arith.select %eq3A_340, %get3A_157, %broadcast_in_dim3A_35 : vector<16xi1>, vector<16xi32>
      %reduce_sum3A_342 = arith.constant true
      %reduce_sum3A_343 = vector.broadcast %reduce_sum3A_342 : i1 to vector<16xi1>
      %reduce_sum3A_344 = tpu.scan <sum>, %select_n3A_341 masked %reduce_sum3A_343 : vector<16xi32>, vector<16xi1> -> vector<16xi32>
      %reduce_sum3A_345 = vector.extract %reduce_sum3A_344[15] : i32 from vector<16xi32>
      %and3A_346 = arith.constant -32 : i32
      %and3A_347 = arith.andi %reduce_sum3A_345, %and3A_346 : i32
      %mul3A_348 = arith.constant 4 : i32
      %mul3A_349 = arith.muli %and3A_347, %mul3A_348 : i32
      %add3A_350 = arith.addi %mul3A_114, %mul3A_349 : i32
      %multiple_of3A_351 = tpu.assume_multiple %add3A_350, 128 : i32
      %dma_start3A_352 = arith.constant 1152 : i32
      %dma_start3A_353 = tpu.memref_slice %arg10[%dma_start3A_352] : memref<2048xf32, #tpu.memory_space<vmem>> -> memref<128xf32, #tpu.memory_space<vmem>>
      %dma_start3A_354 = tpu.memref_slice %arg4[%multiple_of3A_351] : memref<8388608xf32, #tpu.memory_space<hbm>> -> memref<128xf32, #tpu.memory_space<hbm>>
      %dma_start3A_355 = arith.constant 1152 : i32
      %dma_start3A_356 = tpu.memref_slice %arg10[%dma_start3A_355] : memref<2048xf32, #tpu.memory_space<vmem>> -> memref<128xf32, #tpu.memory_space<vmem>>
      %dma_start3A_357 = tpu.memref_slice %arg4[%multiple_of3A_351] : memref<8388608xf32, #tpu.memory_space<hbm>> -> memref<128xf32, #tpu.memory_space<hbm>>
      tpu.enqueue_dma source(%dma_start3A_357 : memref<128xf32, #tpu.memory_space<hbm>>) target(%dma_start3A_356 : memref<128xf32, #tpu.memory_space<vmem>>) target_semaphore(%arg15 : memref<!tpu.dma_semaphore, #tpu.memory_space<semaphore_mem>>)
      %eq3A_358 = arith.constant 10 : i32
      %eq3A_359 = vector.broadcast %eq3A_358 : i32 to vector<16xi32>
      %eq3A_360 = arith.cmpi eq, %iota3A, %eq3A_359 : vector<16xi32>
      %select_n3A_361 = arith.select %eq3A_360, %get3A_157, %broadcast_in_dim3A_35 : vector<16xi1>, vector<16xi32>
      %reduce_sum3A_362 = arith.constant true
      %reduce_sum3A_363 = vector.broadcast %reduce_sum3A_362 : i1 to vector<16xi1>
      %reduce_sum3A_364 = tpu.scan <sum>, %select_n3A_361 masked %reduce_sum3A_363 : vector<16xi32>, vector<16xi1> -> vector<16xi32>
      %reduce_sum3A_365 = vector.extract %reduce_sum3A_364[15] : i32 from vector<16xi32>
      %and3A_366 = arith.constant -32 : i32
      %and3A_367 = arith.andi %reduce_sum3A_365, %and3A_366 : i32
      %mul3A_368 = arith.constant 4 : i32
      %mul3A_369 = arith.muli %and3A_367, %mul3A_368 : i32
      %add3A_370 = arith.addi %mul3A_114, %mul3A_369 : i32
      %multiple_of3A_371 = tpu.assume_multiple %add3A_370, 128 : i32
      %dma_start3A_372 = arith.constant 1280 : i32
      %dma_start3A_373 = tpu.memref_slice %arg10[%dma_start3A_372] : memref<2048xf32, #tpu.memory_space<vmem>> -> memref<128xf32, #tpu.memory_space<vmem>>
      %dma_start3A_374 = tpu.memref_slice %arg4[%multiple_of3A_371] : memref<8388608xf32, #tpu.memory_space<hbm>> -> memref<128xf32, #tpu.memory_space<hbm>>
      %dma_start3A_375 = arith.constant 1280 : i32
      %dma_start3A_376 = tpu.memref_slice %arg10[%dma_start3A_375] : memref<2048xf32, #tpu.memory_space<vmem>> -> memref<128xf32, #tpu.memory_space<vmem>>
      %dma_start3A_377 = tpu.memref_slice %arg4[%multiple_of3A_371] : memref<8388608xf32, #tpu.memory_space<hbm>> -> memref<128xf32, #tpu.memory_space<hbm>>
      tpu.enqueue_dma source(%dma_start3A_377 : memref<128xf32, #tpu.memory_space<hbm>>) target(%dma_start3A_376 : memref<128xf32, #tpu.memory_space<vmem>>) target_semaphore(%arg15 : memref<!tpu.dma_semaphore, #tpu.memory_space<semaphore_mem>>)
      %eq3A_378 = arith.constant 11 : i32
      %eq3A_379 = vector.broadcast %eq3A_378 : i32 to vector<16xi32>
      %eq3A_380 = arith.cmpi eq, %iota3A, %eq3A_379 : vector<16xi32>
      %select_n3A_381 = arith.select %eq3A_380, %get3A_157, %broadcast_in_dim3A_35 : vector<16xi1>, vector<16xi32>
      %reduce_sum3A_382 = arith.constant true
      %reduce_sum3A_383 = vector.broadcast %reduce_sum3A_382 : i1 to vector<16xi1>
      %reduce_sum3A_384 = tpu.scan <sum>, %select_n3A_381 masked %reduce_sum3A_383 : vector<16xi32>, vector<16xi1> -> vector<16xi32>
      %reduce_sum3A_385 = vector.extract %reduce_sum3A_384[15] : i32 from vector<16xi32>
      %and3A_386 = arith.constant -32 : i32
      %and3A_387 = arith.andi %reduce_sum3A_385, %and3A_386 : i32
      %mul3A_388 = arith.constant 4 : i32
      %mul3A_389 = arith.muli %and3A_387, %mul3A_388 : i32
      %add3A_390 = arith.addi %mul3A_114, %mul3A_389 : i32
      %multiple_of3A_391 = tpu.assume_multiple %add3A_390, 128 : i32
      %dma_start3A_392 = arith.constant 1408 : i32
      %dma_start3A_393 = tpu.memref_slice %arg10[%dma_start3A_392] : memref<2048xf32, #tpu.memory_space<vmem>> -> memref<128xf32, #tpu.memory_space<vmem>>
      %dma_start3A_394 = tpu.memref_slice %arg4[%multiple_of3A_391] : memref<8388608xf32, #tpu.memory_space<hbm>> -> memref<128xf32, #tpu.memory_space<hbm>>
      %dma_start3A_395 = arith.constant 1408 : i32
      %dma_start3A_396 = tpu.memref_slice %arg10[%dma_start3A_395] : memref<2048xf32, #tpu.memory_space<vmem>> -> memref<128xf32, #tpu.memory_space<vmem>>
      %dma_start3A_397 = tpu.memref_slice %arg4[%multiple_of3A_391] : memref<8388608xf32, #tpu.memory_space<hbm>> -> memref<128xf32, #tpu.memory_space<hbm>>
      tpu.enqueue_dma source(%dma_start3A_397 : memref<128xf32, #tpu.memory_space<hbm>>) target(%dma_start3A_396 : memref<128xf32, #tpu.memory_space<vmem>>) target_semaphore(%arg15 : memref<!tpu.dma_semaphore, #tpu.memory_space<semaphore_mem>>)
      %eq3A_398 = arith.constant 12 : i32
      %eq3A_399 = vector.broadcast %eq3A_398 : i32 to vector<16xi32>
      %eq3A_400 = arith.cmpi eq, %iota3A, %eq3A_399 : vector<16xi32>
      %select_n3A_401 = arith.select %eq3A_400, %get3A_157, %broadcast_in_dim3A_35 : vector<16xi1>, vector<16xi32>
      %reduce_sum3A_402 = arith.constant true
      %reduce_sum3A_403 = vector.broadcast %reduce_sum3A_402 : i1 to vector<16xi1>
      %reduce_sum3A_404 = tpu.scan <sum>, %select_n3A_401 masked %reduce_sum3A_403 : vector<16xi32>, vector<16xi1> -> vector<16xi32>
      %reduce_sum3A_405 = vector.extract %reduce_sum3A_404[15] : i32 from vector<16xi32>
      %and3A_406 = arith.constant -32 : i32
      %and3A_407 = arith.andi %reduce_sum3A_405, %and3A_406 : i32
      %mul3A_408 = arith.constant 4 : i32
      %mul3A_409 = arith.muli %and3A_407, %mul3A_408 : i32
      %add3A_410 = arith.addi %mul3A_114, %mul3A_409 : i32
      %multiple_of3A_411 = tpu.assume_multiple %add3A_410, 128 : i32
      %dma_start3A_412 = arith.constant 1536 : i32
      %dma_start3A_413 = tpu.memref_slice %arg10[%dma_start3A_412] : memref<2048xf32, #tpu.memory_space<vmem>> -> memref<128xf32, #tpu.memory_space<vmem>>
      %dma_start3A_414 = tpu.memref_slice %arg4[%multiple_of3A_411] : memref<8388608xf32, #tpu.memory_space<hbm>> -> memref<128xf32, #tpu.memory_space<hbm>>
      %dma_start3A_415 = arith.constant 1536 : i32
      %dma_start3A_416 = tpu.memref_slice %arg10[%dma_start3A_415] : memref<2048xf32, #tpu.memory_space<vmem>> -> memref<128xf32, #tpu.memory_space<vmem>>
      %dma_start3A_417 = tpu.memref_slice %arg4[%multiple_of3A_411] : memref<8388608xf32, #tpu.memory_space<hbm>> -> memref<128xf32, #tpu.memory_space<hbm>>
      tpu.enqueue_dma source(%dma_start3A_417 : memref<128xf32, #tpu.memory_space<hbm>>) target(%dma_start3A_416 : memref<128xf32, #tpu.memory_space<vmem>>) target_semaphore(%arg15 : memref<!tpu.dma_semaphore, #tpu.memory_space<semaphore_mem>>)
      %eq3A_418 = arith.constant 13 : i32
      %eq3A_419 = vector.broadcast %eq3A_418 : i32 to vector<16xi32>
      %eq3A_420 = arith.cmpi eq, %iota3A, %eq3A_419 : vector<16xi32>
      %select_n3A_421 = arith.select %eq3A_420, %get3A_157, %broadcast_in_dim3A_35 : vector<16xi1>, vector<16xi32>
      %reduce_sum3A_422 = arith.constant true
      %reduce_sum3A_423 = vector.broadcast %reduce_sum3A_422 : i1 to vector<16xi1>
      %reduce_sum3A_424 = tpu.scan <sum>, %select_n3A_421 masked %reduce_sum3A_423 : vector<16xi32>, vector<16xi1> -> vector<16xi32>
      %reduce_sum3A_425 = vector.extract %reduce_sum3A_424[15] : i32 from vector<16xi32>
      %and3A_426 = arith.constant -32 : i32
      %and3A_427 = arith.andi %reduce_sum3A_425, %and3A_426 : i32
      %mul3A_428 = arith.constant 4 : i32
      %mul3A_429 = arith.muli %and3A_427, %mul3A_428 : i32
      %add3A_430 = arith.addi %mul3A_114, %mul3A_429 : i32
      %multiple_of3A_431 = tpu.assume_multiple %add3A_430, 128 : i32
      %dma_start3A_432 = arith.constant 1664 : i32
      %dma_start3A_433 = tpu.memref_slice %arg10[%dma_start3A_432] : memref<2048xf32, #tpu.memory_space<vmem>> -> memref<128xf32, #tpu.memory_space<vmem>>
      %dma_start3A_434 = tpu.memref_slice %arg4[%multiple_of3A_431] : memref<8388608xf32, #tpu.memory_space<hbm>> -> memref<128xf32, #tpu.memory_space<hbm>>
      %dma_start3A_435 = arith.constant 1664 : i32
      %dma_start3A_436 = tpu.memref_slice %arg10[%dma_start3A_435] : memref<2048xf32, #tpu.memory_space<vmem>> -> memref<128xf32, #tpu.memory_space<vmem>>
      %dma_start3A_437 = tpu.memref_slice %arg4[%multiple_of3A_431] : memref<8388608xf32, #tpu.memory_space<hbm>> -> memref<128xf32, #tpu.memory_space<hbm>>
      tpu.enqueue_dma source(%dma_start3A_437 : memref<128xf32, #tpu.memory_space<hbm>>) target(%dma_start3A_436 : memref<128xf32, #tpu.memory_space<vmem>>) target_semaphore(%arg15 : memref<!tpu.dma_semaphore, #tpu.memory_space<semaphore_mem>>)
      %eq3A_438 = arith.constant 14 : i32
      %eq3A_439 = vector.broadcast %eq3A_438 : i32 to vector<16xi32>
      %eq3A_440 = arith.cmpi eq, %iota3A, %eq3A_439 : vector<16xi32>
      %select_n3A_441 = arith.select %eq3A_440, %get3A_157, %broadcast_in_dim3A_35 : vector<16xi1>, vector<16xi32>
      %reduce_sum3A_442 = arith.constant true
      %reduce_sum3A_443 = vector.broadcast %reduce_sum3A_442 : i1 to vector<16xi1>
      %reduce_sum3A_444 = tpu.scan <sum>, %select_n3A_441 masked %reduce_sum3A_443 : vector<16xi32>, vector<16xi1> -> vector<16xi32>
      %reduce_sum3A_445 = vector.extract %reduce_sum3A_444[15] : i32 from vector<16xi32>
      %and3A_446 = arith.constant -32 : i32
      %and3A_447 = arith.andi %reduce_sum3A_445, %and3A_446 : i32
      %mul3A_448 = arith.constant 4 : i32
      %mul3A_449 = arith.muli %and3A_447, %mul3A_448 : i32
      %add3A_450 = arith.addi %mul3A_114, %mul3A_449 : i32
      %multiple_of3A_451 = tpu.assume_multiple %add3A_450, 128 : i32
      %dma_start3A_452 = arith.constant 1792 : i32
      %dma_start3A_453 = tpu.memref_slice %arg10[%dma_start3A_452] : memref<2048xf32, #tpu.memory_space<vmem>> -> memref<128xf32, #tpu.memory_space<vmem>>
      %dma_start3A_454 = tpu.memref_slice %arg4[%multiple_of3A_451] : memref<8388608xf32, #tpu.memory_space<hbm>> -> memref<128xf32, #tpu.memory_space<hbm>>
      %dma_start3A_455 = arith.constant 1792 : i32
      %dma_start3A_456 = tpu.memref_slice %arg10[%dma_start3A_455] : memref<2048xf32, #tpu.memory_space<vmem>> -> memref<128xf32, #tpu.memory_space<vmem>>
      %dma_start3A_457 = tpu.memref_slice %arg4[%multiple_of3A_451] : memref<8388608xf32, #tpu.memory_space<hbm>> -> memref<128xf32, #tpu.memory_space<hbm>>
      tpu.enqueue_dma source(%dma_start3A_457 : memref<128xf32, #tpu.memory_space<hbm>>) target(%dma_start3A_456 : memref<128xf32, #tpu.memory_space<vmem>>) target_semaphore(%arg15 : memref<!tpu.dma_semaphore, #tpu.memory_space<semaphore_mem>>)
      %eq3A_458 = arith.constant 15 : i32
      %eq3A_459 = vector.broadcast %eq3A_458 : i32 to vector<16xi32>
      %eq3A_460 = arith.cmpi eq, %iota3A, %eq3A_459 : vector<16xi32>
      %select_n3A_461 = arith.select %eq3A_460, %get3A_157, %broadcast_in_dim3A_35 : vector<16xi1>, vector<16xi32>
      %reduce_sum3A_462 = arith.constant true
      %reduce_sum3A_463 = vector.broadcast %reduce_sum3A_462 : i1 to vector<16xi1>
      %reduce_sum3A_464 = tpu.scan <sum>, %select_n3A_461 masked %reduce_sum3A_463 : vector<16xi32>, vector<16xi1> -> vector<16xi32>
      %reduce_sum3A_465 = vector.extract %reduce_sum3A_464[15] : i32 from vector<16xi32>
      %and3A_466 = arith.constant -32 : i32
      %and3A_467 = arith.andi %reduce_sum3A_465, %and3A_466 : i32
      %mul3A_468 = arith.constant 4 : i32
      %mul3A_469 = arith.muli %and3A_467, %mul3A_468 : i32
      %add3A_470 = arith.addi %mul3A_114, %mul3A_469 : i32
      %multiple_of3A_471 = tpu.assume_multiple %add3A_470, 128 : i32
      %dma_start3A_472 = arith.constant 1920 : i32
      %dma_start3A_473 = tpu.memref_slice %arg10[%dma_start3A_472] : memref<2048xf32, #tpu.memory_space<vmem>> -> memref<128xf32, #tpu.memory_space<vmem>>
      %dma_start3A_474 = tpu.memref_slice %arg4[%multiple_of3A_471] : memref<8388608xf32, #tpu.memory_space<hbm>> -> memref<128xf32, #tpu.memory_space<hbm>>
      %dma_start3A_475 = arith.constant 1920 : i32
      %dma_start3A_476 = tpu.memref_slice %arg10[%dma_start3A_475] : memref<2048xf32, #tpu.memory_space<vmem>> -> memref<128xf32, #tpu.memory_space<vmem>>
      %dma_start3A_477 = tpu.memref_slice %arg4[%multiple_of3A_471] : memref<8388608xf32, #tpu.memory_space<hbm>> -> memref<128xf32, #tpu.memory_space<hbm>>
      tpu.enqueue_dma source(%dma_start3A_477 : memref<128xf32, #tpu.memory_space<hbm>>) target(%dma_start3A_476 : memref<128xf32, #tpu.memory_space<vmem>>) target_semaphore(%arg15 : memref<!tpu.dma_semaphore, #tpu.memory_space<semaphore_mem>>)
      %dma_wait3A = arith.constant 0 : i32
      %dma_wait3A_478 = tpu.memref_slice %arg10[%dma_wait3A] : memref<2048xf32, #tpu.memory_space<vmem>> -> memref<128xf32, #tpu.memory_space<vmem>>
      %dma_wait3A_479 = tpu.memref_slice %arg4[%multiple_of3A] : memref<8388608xf32, #tpu.memory_space<hbm>> -> memref<128xf32, #tpu.memory_space<hbm>>
      %dma_wait3A_480 = arith.constant 0 : i32
      %dma_wait3A_481 = tpu.memref_slice %arg10[%dma_wait3A_480] : memref<2048xf32, #tpu.memory_space<vmem>> -> memref<128xf32, #tpu.memory_space<vmem>>
      %dma_wait3A_482 = tpu.memref_slice %arg4[%multiple_of3A] : memref<8388608xf32, #tpu.memory_space<hbm>> -> memref<128xf32, #tpu.memory_space<hbm>>
      tpu.wait_dma2 semaphore(%arg15 : memref<!tpu.dma_semaphore, #tpu.memory_space<semaphore_mem>>) src(%dma_wait3A_482 : memref<128xf32, #tpu.memory_space<hbm>>) dst(%dma_wait3A_481 : memref<128xf32, #tpu.memory_space<vmem>>)
      %dma_wait3A_483 = arith.constant 128 : i32
      %dma_wait3A_484 = tpu.memref_slice %arg10[%dma_wait3A_483] : memref<2048xf32, #tpu.memory_space<vmem>> -> memref<128xf32, #tpu.memory_space<vmem>>
      %dma_wait3A_485 = tpu.memref_slice %arg4[%multiple_of3A_191] : memref<8388608xf32, #tpu.memory_space<hbm>> -> memref<128xf32, #tpu.memory_space<hbm>>
      %dma_wait3A_486 = arith.constant 128 : i32
      %dma_wait3A_487 = tpu.memref_slice %arg10[%dma_wait3A_486] : memref<2048xf32, #tpu.memory_space<vmem>> -> memref<128xf32, #tpu.memory_space<vmem>>
      %dma_wait3A_488 = tpu.memref_slice %arg4[%multiple_of3A_191] : memref<8388608xf32, #tpu.memory_space<hbm>> -> memref<128xf32, #tpu.memory_space<hbm>>
      tpu.wait_dma2 semaphore(%arg15 : memref<!tpu.dma_semaphore, #tpu.memory_space<semaphore_mem>>) src(%dma_wait3A_488 : memref<128xf32, #tpu.memory_space<hbm>>) dst(%dma_wait3A_487 : memref<128xf32, #tpu.memory_space<vmem>>)
      %dma_wait3A_489 = arith.constant 256 : i32
      %dma_wait3A_490 = tpu.memref_slice %arg10[%dma_wait3A_489] : memref<2048xf32, #tpu.memory_space<vmem>> -> memref<128xf32, #tpu.memory_space<vmem>>
      %dma_wait3A_491 = tpu.memref_slice %arg4[%multiple_of3A_211] : memref<8388608xf32, #tpu.memory_space<hbm>> -> memref<128xf32, #tpu.memory_space<hbm>>
      %dma_wait3A_492 = arith.constant 256 : i32
      %dma_wait3A_493 = tpu.memref_slice %arg10[%dma_wait3A_492] : memref<2048xf32, #tpu.memory_space<vmem>> -> memref<128xf32, #tpu.memory_space<vmem>>
      %dma_wait3A_494 = tpu.memref_slice %arg4[%multiple_of3A_211] : memref<8388608xf32, #tpu.memory_space<hbm>> -> memref<128xf32, #tpu.memory_space<hbm>>
      tpu.wait_dma2 semaphore(%arg15 : memref<!tpu.dma_semaphore, #tpu.memory_space<semaphore_mem>>) src(%dma_wait3A_494 : memref<128xf32, #tpu.memory_space<hbm>>) dst(%dma_wait3A_493 : memref<128xf32, #tpu.memory_space<vmem>>)
      %dma_wait3A_495 = arith.constant 384 : i32
      %dma_wait3A_496 = tpu.memref_slice %arg10[%dma_wait3A_495] : memref<2048xf32, #tpu.memory_space<vmem>> -> memref<128xf32, #tpu.memory_space<vmem>>
      %dma_wait3A_497 = tpu.memref_slice %arg4[%multiple_of3A_231] : memref<8388608xf32, #tpu.memory_space<hbm>> -> memref<128xf32, #tpu.memory_space<hbm>>
      %dma_wait3A_498 = arith.constant 384 : i32
      %dma_wait3A_499 = tpu.memref_slice %arg10[%dma_wait3A_498] : memref<2048xf32, #tpu.memory_space<vmem>> -> memref<128xf32, #tpu.memory_space<vmem>>
      %dma_wait3A_500 = tpu.memref_slice %arg4[%multiple_of3A_231] : memref<8388608xf32, #tpu.memory_space<hbm>> -> memref<128xf32, #tpu.memory_space<hbm>>
      tpu.wait_dma2 semaphore(%arg15 : memref<!tpu.dma_semaphore, #tpu.memory_space<semaphore_mem>>) src(%dma_wait3A_500 : memref<128xf32, #tpu.memory_space<hbm>>) dst(%dma_wait3A_499 : memref<128xf32, #tpu.memory_space<vmem>>)
      %dma_wait3A_501 = arith.constant 512 : i32
      %dma_wait3A_502 = tpu.memref_slice %arg10[%dma_wait3A_501] : memref<2048xf32, #tpu.memory_space<vmem>> -> memref<128xf32, #tpu.memory_space<vmem>>
      %dma_wait3A_503 = tpu.memref_slice %arg4[%multiple_of3A_251] : memref<8388608xf32, #tpu.memory_space<hbm>> -> memref<128xf32, #tpu.memory_space<hbm>>
      %dma_wait3A_504 = arith.constant 512 : i32
      %dma_wait3A_505 = tpu.memref_slice %arg10[%dma_wait3A_504] : memref<2048xf32, #tpu.memory_space<vmem>> -> memref<128xf32, #tpu.memory_space<vmem>>
      %dma_wait3A_506 = tpu.memref_slice %arg4[%multiple_of3A_251] : memref<8388608xf32, #tpu.memory_space<hbm>> -> memref<128xf32, #tpu.memory_space<hbm>>
      tpu.wait_dma2 semaphore(%arg15 : memref<!tpu.dma_semaphore, #tpu.memory_space<semaphore_mem>>) src(%dma_wait3A_506 : memref<128xf32, #tpu.memory_space<hbm>>) dst(%dma_wait3A_505 : memref<128xf32, #tpu.memory_space<vmem>>)
      %dma_wait3A_507 = arith.constant 640 : i32
      %dma_wait3A_508 = tpu.memref_slice %arg10[%dma_wait3A_507] : memref<2048xf32, #tpu.memory_space<vmem>> -> memref<128xf32, #tpu.memory_space<vmem>>
      %dma_wait3A_509 = tpu.memref_slice %arg4[%multiple_of3A_271] : memref<8388608xf32, #tpu.memory_space<hbm>> -> memref<128xf32, #tpu.memory_space<hbm>>
      %dma_wait3A_510 = arith.constant 640 : i32
      %dma_wait3A_511 = tpu.memref_slice %arg10[%dma_wait3A_510] : memref<2048xf32, #tpu.memory_space<vmem>> -> memref<128xf32, #tpu.memory_space<vmem>>
      %dma_wait3A_512 = tpu.memref_slice %arg4[%multiple_of3A_271] : memref<8388608xf32, #tpu.memory_space<hbm>> -> memref<128xf32, #tpu.memory_space<hbm>>
      tpu.wait_dma2 semaphore(%arg15 : memref<!tpu.dma_semaphore, #tpu.memory_space<semaphore_mem>>) src(%dma_wait3A_512 : memref<128xf32, #tpu.memory_space<hbm>>) dst(%dma_wait3A_511 : memref<128xf32, #tpu.memory_space<vmem>>)
      %dma_wait3A_513 = arith.constant 768 : i32
      %dma_wait3A_514 = tpu.memref_slice %arg10[%dma_wait3A_513] : memref<2048xf32, #tpu.memory_space<vmem>> -> memref<128xf32, #tpu.memory_space<vmem>>
      %dma_wait3A_515 = tpu.memref_slice %arg4[%multiple_of3A_291] : memref<8388608xf32, #tpu.memory_space<hbm>> -> memref<128xf32, #tpu.memory_space<hbm>>
      %dma_wait3A_516 = arith.constant 768 : i32
      %dma_wait3A_517 = tpu.memref_slice %arg10[%dma_wait3A_516] : memref<2048xf32, #tpu.memory_space<vmem>> -> memref<128xf32, #tpu.memory_space<vmem>>
      %dma_wait3A_518 = tpu.memref_slice %arg4[%multiple_of3A_291] : memref<8388608xf32, #tpu.memory_space<hbm>> -> memref<128xf32, #tpu.memory_space<hbm>>
      tpu.wait_dma2 semaphore(%arg15 : memref<!tpu.dma_semaphore, #tpu.memory_space<semaphore_mem>>) src(%dma_wait3A_518 : memref<128xf32, #tpu.memory_space<hbm>>) dst(%dma_wait3A_517 : memref<128xf32, #tpu.memory_space<vmem>>)
      %dma_wait3A_519 = arith.constant 896 : i32
      %dma_wait3A_520 = tpu.memref_slice %arg10[%dma_wait3A_519] : memref<2048xf32, #tpu.memory_space<vmem>> -> memref<128xf32, #tpu.memory_space<vmem>>
      %dma_wait3A_521 = tpu.memref_slice %arg4[%multiple_of3A_311] : memref<8388608xf32, #tpu.memory_space<hbm>> -> memref<128xf32, #tpu.memory_space<hbm>>
      %dma_wait3A_522 = arith.constant 896 : i32
      %dma_wait3A_523 = tpu.memref_slice %arg10[%dma_wait3A_522] : memref<2048xf32, #tpu.memory_space<vmem>> -> memref<128xf32, #tpu.memory_space<vmem>>
      %dma_wait3A_524 = tpu.memref_slice %arg4[%multiple_of3A_311] : memref<8388608xf32, #tpu.memory_space<hbm>> -> memref<128xf32, #tpu.memory_space<hbm>>
      tpu.wait_dma2 semaphore(%arg15 : memref<!tpu.dma_semaphore, #tpu.memory_space<semaphore_mem>>) src(%dma_wait3A_524 : memref<128xf32, #tpu.memory_space<hbm>>) dst(%dma_wait3A_523 : memref<128xf32, #tpu.memory_space<vmem>>)
      %dma_wait3A_525 = arith.constant 1024 : i32
      %dma_wait3A_526 = tpu.memref_slice %arg10[%dma_wait3A_525] : memref<2048xf32, #tpu.memory_space<vmem>> -> memref<128xf32, #tpu.memory_space<vmem>>
      %dma_wait3A_527 = tpu.memref_slice %arg4[%multiple_of3A_331] : memref<8388608xf32, #tpu.memory_space<hbm>> -> memref<128xf32, #tpu.memory_space<hbm>>
      %dma_wait3A_528 = arith.constant 1024 : i32
      %dma_wait3A_529 = tpu.memref_slice %arg10[%dma_wait3A_528] : memref<2048xf32, #tpu.memory_space<vmem>> -> memref<128xf32, #tpu.memory_space<vmem>>
      %dma_wait3A_530 = tpu.memref_slice %arg4[%multiple_of3A_331] : memref<8388608xf32, #tpu.memory_space<hbm>> -> memref<128xf32, #tpu.memory_space<hbm>>
      tpu.wait_dma2 semaphore(%arg15 : memref<!tpu.dma_semaphore, #tpu.memory_space<semaphore_mem>>) src(%dma_wait3A_530 : memref<128xf32, #tpu.memory_space<hbm>>) dst(%dma_wait3A_529 : memref<128xf32, #tpu.memory_space<vmem>>)
      %dma_wait3A_531 = arith.constant 1152 : i32
      %dma_wait3A_532 = tpu.memref_slice %arg10[%dma_wait3A_531] : memref<2048xf32, #tpu.memory_space<vmem>> -> memref<128xf32, #tpu.memory_space<vmem>>
      %dma_wait3A_533 = tpu.memref_slice %arg4[%multiple_of3A_351] : memref<8388608xf32, #tpu.memory_space<hbm>> -> memref<128xf32, #tpu.memory_space<hbm>>
      %dma_wait3A_534 = arith.constant 1152 : i32
      %dma_wait3A_535 = tpu.memref_slice %arg10[%dma_wait3A_534] : memref<2048xf32, #tpu.memory_space<vmem>> -> memref<128xf32, #tpu.memory_space<vmem>>
      %dma_wait3A_536 = tpu.memref_slice %arg4[%multiple_of3A_351] : memref<8388608xf32, #tpu.memory_space<hbm>> -> memref<128xf32, #tpu.memory_space<hbm>>
      tpu.wait_dma2 semaphore(%arg15 : memref<!tpu.dma_semaphore, #tpu.memory_space<semaphore_mem>>) src(%dma_wait3A_536 : memref<128xf32, #tpu.memory_space<hbm>>) dst(%dma_wait3A_535 : memref<128xf32, #tpu.memory_space<vmem>>)
      %dma_wait3A_537 = arith.constant 1280 : i32
      %dma_wait3A_538 = tpu.memref_slice %arg10[%dma_wait3A_537] : memref<2048xf32, #tpu.memory_space<vmem>> -> memref<128xf32, #tpu.memory_space<vmem>>
      %dma_wait3A_539 = tpu.memref_slice %arg4[%multiple_of3A_371] : memref<8388608xf32, #tpu.memory_space<hbm>> -> memref<128xf32, #tpu.memory_space<hbm>>
      %dma_wait3A_540 = arith.constant 1280 : i32
      %dma_wait3A_541 = tpu.memref_slice %arg10[%dma_wait3A_540] : memref<2048xf32, #tpu.memory_space<vmem>> -> memref<128xf32, #tpu.memory_space<vmem>>
      %dma_wait3A_542 = tpu.memref_slice %arg4[%multiple_of3A_371] : memref<8388608xf32, #tpu.memory_space<hbm>> -> memref<128xf32, #tpu.memory_space<hbm>>
      tpu.wait_dma2 semaphore(%arg15 : memref<!tpu.dma_semaphore, #tpu.memory_space<semaphore_mem>>) src(%dma_wait3A_542 : memref<128xf32, #tpu.memory_space<hbm>>) dst(%dma_wait3A_541 : memref<128xf32, #tpu.memory_space<vmem>>)
      %dma_wait3A_543 = arith.constant 1408 : i32
      %dma_wait3A_544 = tpu.memref_slice %arg10[%dma_wait3A_543] : memref<2048xf32, #tpu.memory_space<vmem>> -> memref<128xf32, #tpu.memory_space<vmem>>
      %dma_wait3A_545 = tpu.memref_slice %arg4[%multiple_of3A_391] : memref<8388608xf32, #tpu.memory_space<hbm>> -> memref<128xf32, #tpu.memory_space<hbm>>
      %dma_wait3A_546 = arith.constant 1408 : i32
      %dma_wait3A_547 = tpu.memref_slice %arg10[%dma_wait3A_546] : memref<2048xf32, #tpu.memory_space<vmem>> -> memref<128xf32, #tpu.memory_space<vmem>>
      %dma_wait3A_548 = tpu.memref_slice %arg4[%multiple_of3A_391] : memref<8388608xf32, #tpu.memory_space<hbm>> -> memref<128xf32, #tpu.memory_space<hbm>>
      tpu.wait_dma2 semaphore(%arg15 : memref<!tpu.dma_semaphore, #tpu.memory_space<semaphore_mem>>) src(%dma_wait3A_548 : memref<128xf32, #tpu.memory_space<hbm>>) dst(%dma_wait3A_547 : memref<128xf32, #tpu.memory_space<vmem>>)
      %dma_wait3A_549 = arith.constant 1536 : i32
      %dma_wait3A_550 = tpu.memref_slice %arg10[%dma_wait3A_549] : memref<2048xf32, #tpu.memory_space<vmem>> -> memref<128xf32, #tpu.memory_space<vmem>>
      %dma_wait3A_551 = tpu.memref_slice %arg4[%multiple_of3A_411] : memref<8388608xf32, #tpu.memory_space<hbm>> -> memref<128xf32, #tpu.memory_space<hbm>>
      %dma_wait3A_552 = arith.constant 1536 : i32
      %dma_wait3A_553 = tpu.memref_slice %arg10[%dma_wait3A_552] : memref<2048xf32, #tpu.memory_space<vmem>> -> memref<128xf32, #tpu.memory_space<vmem>>
      %dma_wait3A_554 = tpu.memref_slice %arg4[%multiple_of3A_411] : memref<8388608xf32, #tpu.memory_space<hbm>> -> memref<128xf32, #tpu.memory_space<hbm>>
      tpu.wait_dma2 semaphore(%arg15 : memref<!tpu.dma_semaphore, #tpu.memory_space<semaphore_mem>>) src(%dma_wait3A_554 : memref<128xf32, #tpu.memory_space<hbm>>) dst(%dma_wait3A_553 : memref<128xf32, #tpu.memory_space<vmem>>)
      %dma_wait3A_555 = arith.constant 1664 : i32
      %dma_wait3A_556 = tpu.memref_slice %arg10[%dma_wait3A_555] : memref<2048xf32, #tpu.memory_space<vmem>> -> memref<128xf32, #tpu.memory_space<vmem>>
      %dma_wait3A_557 = tpu.memref_slice %arg4[%multiple_of3A_431] : memref<8388608xf32, #tpu.memory_space<hbm>> -> memref<128xf32, #tpu.memory_space<hbm>>
      %dma_wait3A_558 = arith.constant 1664 : i32
      %dma_wait3A_559 = tpu.memref_slice %arg10[%dma_wait3A_558] : memref<2048xf32, #tpu.memory_space<vmem>> -> memref<128xf32, #tpu.memory_space<vmem>>
      %dma_wait3A_560 = tpu.memref_slice %arg4[%multiple_of3A_431] : memref<8388608xf32, #tpu.memory_space<hbm>> -> memref<128xf32, #tpu.memory_space<hbm>>
      tpu.wait_dma2 semaphore(%arg15 : memref<!tpu.dma_semaphore, #tpu.memory_space<semaphore_mem>>) src(%dma_wait3A_560 : memref<128xf32, #tpu.memory_space<hbm>>) dst(%dma_wait3A_559 : memref<128xf32, #tpu.memory_space<vmem>>)
      %dma_wait3A_561 = arith.constant 1792 : i32
      %dma_wait3A_562 = tpu.memref_slice %arg10[%dma_wait3A_561] : memref<2048xf32, #tpu.memory_space<vmem>> -> memref<128xf32, #tpu.memory_space<vmem>>
      %dma_wait3A_563 = tpu.memref_slice %arg4[%multiple_of3A_451] : memref<8388608xf32, #tpu.memory_space<hbm>> -> memref<128xf32, #tpu.memory_space<hbm>>
      %dma_wait3A_564 = arith.constant 1792 : i32
      %dma_wait3A_565 = tpu.memref_slice %arg10[%dma_wait3A_564] : memref<2048xf32, #tpu.memory_space<vmem>> -> memref<128xf32, #tpu.memory_space<vmem>>
      %dma_wait3A_566 = tpu.memref_slice %arg4[%multiple_of3A_451] : memref<8388608xf32, #tpu.memory_space<hbm>> -> memref<128xf32, #tpu.memory_space<hbm>>
      tpu.wait_dma2 semaphore(%arg15 : memref<!tpu.dma_semaphore, #tpu.memory_space<semaphore_mem>>) src(%dma_wait3A_566 : memref<128xf32, #tpu.memory_space<hbm>>) dst(%dma_wait3A_565 : memref<128xf32, #tpu.memory_space<vmem>>)
      %dma_wait3A_567 = arith.constant 1920 : i32
      %dma_wait3A_568 = tpu.memref_slice %arg10[%dma_wait3A_567] : memref<2048xf32, #tpu.memory_space<vmem>> -> memref<128xf32, #tpu.memory_space<vmem>>
      %dma_wait3A_569 = tpu.memref_slice %arg4[%multiple_of3A_471] : memref<8388608xf32, #tpu.memory_space<hbm>> -> memref<128xf32, #tpu.memory_space<hbm>>
      %dma_wait3A_570 = arith.constant 1920 : i32
      %dma_wait3A_571 = tpu.memref_slice %arg10[%dma_wait3A_570] : memref<2048xf32, #tpu.memory_space<vmem>> -> memref<128xf32, #tpu.memory_space<vmem>>
      %dma_wait3A_572 = tpu.memref_slice %arg4[%multiple_of3A_471] : memref<8388608xf32, #tpu.memory_space<hbm>> -> memref<128xf32, #tpu.memory_space<hbm>>
      tpu.wait_dma2 semaphore(%arg15 : memref<!tpu.dma_semaphore, #tpu.memory_space<semaphore_mem>>) src(%dma_wait3A_572 : memref<128xf32, #tpu.memory_space<hbm>>) dst(%dma_wait3A_571 : memref<128xf32, #tpu.memory_space<vmem>>)
      %add3A_573 = arith.constant 0 : i32
      %add3A_574 = vector.broadcast %add3A_573 : i32 to vector<16xi32>
      %add3A_575 = arith.addi %add3A_574, %iota3A : vector<16xi32>
      %shift_right_arithmetic3A = arith.constant 2 : i32
      %shift_right_arithmetic3A_576 = vector.broadcast %shift_right_arithmetic3A : i32 to vector<16xi32>
      %shift_right_arithmetic3A_577 = arith.shrsi %add3A_575, %shift_right_arithmetic3A_576 : vector<16xi32>
      %and3A_578 = arith.constant 3 : i32
      %and3A_579 = vector.broadcast %and3A_578 : i32 to vector<16xi32>
      %and3A_580 = arith.andi %add3A_575, %and3A_579 : vector<16xi32>
      %mul3A_581 = arith.constant 16 : i32
      %mul3A_582 = arith.muli %while3A_153, %mul3A_581 : i32
      %add3A_583 = vector.broadcast %mul3A_582 : i32 to vector<16xi32>
      %add3A_584 = arith.addi %add3A_583, %shift_right_arithmetic3A_577 : vector<16xi32>
      %add3A_585 = arith.addi %add3A_105, %add3A_584 : vector<16xi32>
      %min3A = arith.constant 511 : i32
      %min3A_586 = vector.broadcast %min3A : i32 to vector<16xi32>
      %min3A_587 = arith.minsi %add3A_585, %min3A_586 : vector<16xi32>
      %mul3A_588 = arith.constant 4 : i32
      %mul3A_589 = vector.broadcast %mul3A_588 : i32 to vector<16xi32>
      %mul3A_590 = arith.muli %min3A_587, %mul3A_589 : vector<16xi32>
      %add3A_591 = arith.addi %mul3A_590, %and3A_580 : vector<16xi32>
      %gather3A_592 = tpu.vector_load_idx %arg9[%add3A_591] : memref<2048xf32, #tpu.memory_space<vmem>>[vector<16xi32>], vector<16xf32>,
      %gather3A_593 = tpu.vector_load_idx %arg11[%shift_right_arithmetic3A_577] : memref<16xi32, #tpu.memory_space<vmem>>[vector<16xi32>], vector<16xi32>,
      %mul3A_594 = arith.constant 128 : i32
      %mul3A_595 = vector.broadcast %mul3A_594 : i32 to vector<16xi32>
      %mul3A_596 = arith.muli %shift_right_arithmetic3A_577, %mul3A_595 : vector<16xi32>
      %and3A_597 = arith.constant 31 : i32
      %and3A_598 = vector.broadcast %and3A_597 : i32 to vector<16xi32>
      %and3A_599 = arith.andi %gather3A_593, %and3A_598 : vector<16xi32>
      %mul3A_600 = arith.constant 4 : i32
      %mul3A_601 = vector.broadcast %mul3A_600 : i32 to vector<16xi32>
      %mul3A_602 = arith.muli %and3A_599, %mul3A_601 : vector<16xi32>
      %add3A_603 = arith.addi %mul3A_596, %mul3A_602 : vector<16xi32>
      %add3A_604 = arith.addi %add3A_603, %and3A_580 : vector<16xi32>
      %gather3A_605 = tpu.vector_load_idx %arg10[%add3A_604] : memref<2048xf32, #tpu.memory_space<vmem>>[vector<16xi32>], vector<16xf32>,
      %sub3A_606 = arith.subf %gather3A_592, %gather3A_605 : vector<16xf32>
      %abs3A = math.absf %sub3A_606 : vector<16xf32>
      %lt3A_607 = arith.constant 1.000000e+00 : f32
      %lt3A_608 = vector.broadcast %lt3A_607 : f32 to vector<16xf32>
      %lt3A_609 = arith.cmpf olt, %abs3A, %lt3A_608 : vector<16xf32>
      %mul3A_610 = arith.constant 5.000000e-01 : f32
      %mul3A_611 = vector.broadcast %mul3A_610 : f32 to vector<16xf32>
      %mul3A_612 = arith.mulf %mul3A_611, %abs3A : vector<16xf32>
      %mul3A_613 = arith.mulf %mul3A_612, %abs3A : vector<16xf32>
      %sub3A_614 = arith.constant 5.000000e-01 : f32
      %sub3A_615 = vector.broadcast %sub3A_614 : f32 to vector<16xf32>
      %sub3A_616 = arith.subf %abs3A, %sub3A_615 : vector<16xf32>
      %select_n3A_617 = arith.select %lt3A_609, %mul3A_613, %sub3A_616 : vector<16xi1>, vector<16xf32>
      %lt3A_618 = arith.cmpi slt, %add3A_584, %scan3A_45 : vector<16xi32>
      %select_n3A_619 = arith.select %lt3A_618, %select_n3A_617, %broadcast_in_dim3A_37 : vector<16xi1>, vector<16xf32>
      %add3A_620 = arith.addf %while3A_154, %select_n3A_619 : vector<16xf32>
      %add3A_621 = arith.constant 16 : i32
      %add3A_622 = vector.broadcast %add3A_621 : i32 to vector<16xi32>
      %add3A_623 = arith.addi %add3A_622, %iota3A : vector<16xi32>
      %shift_right_arithmetic3A_624 = arith.constant 2 : i32
      %shift_right_arithmetic3A_625 = vector.broadcast %shift_right_arithmetic3A_624 : i32 to vector<16xi32>
      %shift_right_arithmetic3A_626 = arith.shrsi %add3A_623, %shift_right_arithmetic3A_625 : vector<16xi32>
      %and3A_627 = arith.constant 3 : i32
      %and3A_628 = vector.broadcast %and3A_627 : i32 to vector<16xi32>
      %and3A_629 = arith.andi %add3A_623, %and3A_628 : vector<16xi32>
      %mul3A_630 = arith.constant 16 : i32
      %mul3A_631 = arith.muli %while3A_153, %mul3A_630 : i32
      %add3A_632 = vector.broadcast %mul3A_631 : i32 to vector<16xi32>
      %add3A_633 = arith.addi %add3A_632, %shift_right_arithmetic3A_626 : vector<16xi32>
      %add3A_634 = arith.addi %add3A_105, %add3A_633 : vector<16xi32>
      %min3A_635 = arith.constant 511 : i32
      %min3A_636 = vector.broadcast %min3A_635 : i32 to vector<16xi32>
      %min3A_637 = arith.minsi %add3A_634, %min3A_636 : vector<16xi32>
      %mul3A_638 = arith.constant 4 : i32
      %mul3A_639 = vector.broadcast %mul3A_638 : i32 to vector<16xi32>
      %mul3A_640 = arith.muli %min3A_637, %mul3A_639 : vector<16xi32>
      %add3A_641 = arith.addi %mul3A_640, %and3A_629 : vector<16xi32>
      %gather3A_642 = tpu.vector_load_idx %arg9[%add3A_641] : memref<2048xf32, #tpu.memory_space<vmem>>[vector<16xi32>], vector<16xf32>,
      %gather3A_643 = tpu.vector_load_idx %arg11[%shift_right_arithmetic3A_626] : memref<16xi32, #tpu.memory_space<vmem>>[vector<16xi32>], vector<16xi32>,
      %mul3A_644 = arith.constant 128 : i32
      %mul3A_645 = vector.broadcast %mul3A_644 : i32 to vector<16xi32>
      %mul3A_646 = arith.muli %shift_right_arithmetic3A_626, %mul3A_645 : vector<16xi32>
      %and3A_647 = arith.constant 31 : i32
      %and3A_648 = vector.broadcast %and3A_647 : i32 to vector<16xi32>
      %and3A_649 = arith.andi %gather3A_643, %and3A_648 : vector<16xi32>
      %mul3A_650 = arith.constant 4 : i32
      %mul3A_651 = vector.broadcast %mul3A_650 : i32 to vector<16xi32>
      %mul3A_652 = arith.muli %and3A_649, %mul3A_651 : vector<16xi32>
      %add3A_653 = arith.addi %mul3A_646, %mul3A_652 : vector<16xi32>
      %add3A_654 = arith.addi %add3A_653, %and3A_629 : vector<16xi32>
      %gather3A_655 = tpu.vector_load_idx %arg10[%add3A_654] : memref<2048xf32, #tpu.memory_space<vmem>>[vector<16xi32>], vector<16xf32>,
      %sub3A_656 = arith.subf %gather3A_642, %gather3A_655 : vector<16xf32>
      %abs3A_657 = math.absf %sub3A_656 : vector<16xf32>
      %lt3A_658 = arith.constant 1.000000e+00 : f32
      %lt3A_659 = vector.broadcast %lt3A_658 : f32 to vector<16xf32>
      %lt3A_660 = arith.cmpf olt, %abs3A_657, %lt3A_659 : vector<16xf32>
      %mul3A_661 = arith.constant 5.000000e-01 : f32
      %mul3A_662 = vector.broadcast %mul3A_661 : f32 to vector<16xf32>
      %mul3A_663 = arith.mulf %mul3A_662, %abs3A_657 : vector<16xf32>
      %mul3A_664 = arith.mulf %mul3A_663, %abs3A_657 : vector<16xf32>
      %sub3A_665 = arith.constant 5.000000e-01 : f32
      %sub3A_666 = vector.broadcast %sub3A_665 : f32 to vector<16xf32>
      %sub3A_667 = arith.subf %abs3A_657, %sub3A_666 : vector<16xf32>
      %select_n3A_668 = arith.select %lt3A_660, %mul3A_664, %sub3A_667 : vector<16xi1>, vector<16xf32>
      %lt3A_669 = arith.cmpi slt, %add3A_633, %scan3A_45 : vector<16xi32>
      %select_n3A_670 = arith.select %lt3A_669, %select_n3A_668, %broadcast_in_dim3A_37 : vector<16xi1>, vector<16xf32>
      %add3A_671 = arith.addf %add3A_620, %select_n3A_670 : vector<16xf32>
      %add3A_672 = arith.constant 32 : i32
      %add3A_673 = vector.broadcast %add3A_672 : i32 to vector<16xi32>
      %add3A_674 = arith.addi %add3A_673, %iota3A : vector<16xi32>
      %shift_right_arithmetic3A_675 = arith.constant 2 : i32
      %shift_right_arithmetic3A_676 = vector.broadcast %shift_right_arithmetic3A_675 : i32 to vector<16xi32>
      %shift_right_arithmetic3A_677 = arith.shrsi %add3A_674, %shift_right_arithmetic3A_676 : vector<16xi32>
      %and3A_678 = arith.constant 3 : i32
      %and3A_679 = vector.broadcast %and3A_678 : i32 to vector<16xi32>
      %and3A_680 = arith.andi %add3A_674, %and3A_679 : vector<16xi32>
      %mul3A_681 = arith.constant 16 : i32
      %mul3A_682 = arith.muli %while3A_153, %mul3A_681 : i32
      %add3A_683 = vector.broadcast %mul3A_682 : i32 to vector<16xi32>
      %add3A_684 = arith.addi %add3A_683, %shift_right_arithmetic3A_677 : vector<16xi32>
      %add3A_685 = arith.addi %add3A_105, %add3A_684 : vector<16xi32>
      %min3A_686 = arith.constant 511 : i32
      %min3A_687 = vector.broadcast %min3A_686 : i32 to vector<16xi32>
      %min3A_688 = arith.minsi %add3A_685, %min3A_687 : vector<16xi32>
      %mul3A_689 = arith.constant 4 : i32
      %mul3A_690 = vector.broadcast %mul3A_689 : i32 to vector<16xi32>
      %mul3A_691 = arith.muli %min3A_688, %mul3A_690 : vector<16xi32>
      %add3A_692 = arith.addi %mul3A_691, %and3A_680 : vector<16xi32>
      %gather3A_693 = tpu.vector_load_idx %arg9[%add3A_692] : memref<2048xf32, #tpu.memory_space<vmem>>[vector<16xi32>], vector<16xf32>,
      %gather3A_694 = tpu.vector_load_idx %arg11[%shift_right_arithmetic3A_677] : memref<16xi32, #tpu.memory_space<vmem>>[vector<16xi32>], vector<16xi32>,
      %mul3A_695 = arith.constant 128 : i32
      %mul3A_696 = vector.broadcast %mul3A_695 : i32 to vector<16xi32>
      %mul3A_697 = arith.muli %shift_right_arithmetic3A_677, %mul3A_696 : vector<16xi32>
      %and3A_698 = arith.constant 31 : i32
      %and3A_699 = vector.broadcast %and3A_698 : i32 to vector<16xi32>
      %and3A_700 = arith.andi %gather3A_694, %and3A_699 : vector<16xi32>
      %mul3A_701 = arith.constant 4 : i32
      %mul3A_702 = vector.broadcast %mul3A_701 : i32 to vector<16xi32>
      %mul3A_703 = arith.muli %and3A_700, %mul3A_702 : vector<16xi32>
      %add3A_704 = arith.addi %mul3A_697, %mul3A_703 : vector<16xi32>
      %add3A_705 = arith.addi %add3A_704, %and3A_680 : vector<16xi32>
      %gather3A_706 = tpu.vector_load_idx %arg10[%add3A_705] : memref<2048xf32, #tpu.memory_space<vmem>>[vector<16xi32>], vector<16xf32>,
      %sub3A_707 = arith.subf %gather3A_693, %gather3A_706 : vector<16xf32>
      %abs3A_708 = math.absf %sub3A_707 : vector<16xf32>
      %lt3A_709 = arith.constant 1.000000e+00 : f32
      %lt3A_710 = vector.broadcast %lt3A_709 : f32 to vector<16xf32>
      %lt3A_711 = arith.cmpf olt, %abs3A_708, %lt3A_710 : vector<16xf32>
      %mul3A_712 = arith.constant 5.000000e-01 : f32
      %mul3A_713 = vector.broadcast %mul3A_712 : f32 to vector<16xf32>
      %mul3A_714 = arith.mulf %mul3A_713, %abs3A_708 : vector<16xf32>
      %mul3A_715 = arith.mulf %mul3A_714, %abs3A_708 : vector<16xf32>
      %sub3A_716 = arith.constant 5.000000e-01 : f32
      %sub3A_717 = vector.broadcast %sub3A_716 : f32 to vector<16xf32>
      %sub3A_718 = arith.subf %abs3A_708, %sub3A_717 : vector<16xf32>
      %select_n3A_719 = arith.select %lt3A_711, %mul3A_715, %sub3A_718 : vector<16xi1>, vector<16xf32>
      %lt3A_720 = arith.cmpi slt, %add3A_684, %scan3A_45 : vector<16xi32>
      %select_n3A_721 = arith.select %lt3A_720, %select_n3A_719, %broadcast_in_dim3A_37 : vector<16xi1>, vector<16xf32>
      %add3A_722 = arith.addf %add3A_671, %select_n3A_721 : vector<16xf32>
      %add3A_723 = arith.constant 48 : i32
      %add3A_724 = vector.broadcast %add3A_723 : i32 to vector<16xi32>
      %add3A_725 = arith.addi %add3A_724, %iota3A : vector<16xi32>
      %shift_right_arithmetic3A_726 = arith.constant 2 : i32
      %shift_right_arithmetic3A_727 = vector.broadcast %shift_right_arithmetic3A_726 : i32 to vector<16xi32>
      %shift_right_arithmetic3A_728 = arith.shrsi %add3A_725, %shift_right_arithmetic3A_727 : vector<16xi32>
      %and3A_729 = arith.constant 3 : i32
      %and3A_730 = vector.broadcast %and3A_729 : i32 to vector<16xi32>
      %and3A_731 = arith.andi %add3A_725, %and3A_730 : vector<16xi32>
      %mul3A_732 = arith.constant 16 : i32
      %mul3A_733 = arith.muli %while3A_153, %mul3A_732 : i32
      %add3A_734 = vector.broadcast %mul3A_733 : i32 to vector<16xi32>
      %add3A_735 = arith.addi %add3A_734, %shift_right_arithmetic3A_728 : vector<16xi32>
      %add3A_736 = arith.addi %add3A_105, %add3A_735 : vector<16xi32>
      %min3A_737 = arith.constant 511 : i32
      %min3A_738 = vector.broadcast %min3A_737 : i32 to vector<16xi32>
      %min3A_739 = arith.minsi %add3A_736, %min3A_738 : vector<16xi32>
      %mul3A_740 = arith.constant 4 : i32
      %mul3A_741 = vector.broadcast %mul3A_740 : i32 to vector<16xi32>
      %mul3A_742 = arith.muli %min3A_739, %mul3A_741 : vector<16xi32>
      %add3A_743 = arith.addi %mul3A_742, %and3A_731 : vector<16xi32>
      %gather3A_744 = tpu.vector_load_idx %arg9[%add3A_743] : memref<2048xf32, #tpu.memory_space<vmem>>[vector<16xi32>], vector<16xf32>,
      %gather3A_745 = tpu.vector_load_idx %arg11[%shift_right_arithmetic3A_728] : memref<16xi32, #tpu.memory_space<vmem>>[vector<16xi32>], vector<16xi32>,
      %mul3A_746 = arith.constant 128 : i32
      %mul3A_747 = vector.broadcast %mul3A_746 : i32 to vector<16xi32>
      %mul3A_748 = arith.muli %shift_right_arithmetic3A_728, %mul3A_747 : vector<16xi32>
      %and3A_749 = arith.constant 31 : i32
      %and3A_750 = vector.broadcast %and3A_749 : i32 to vector<16xi32>
      %and3A_751 = arith.andi %gather3A_745, %and3A_750 : vector<16xi32>
      %mul3A_752 = arith.constant 4 : i32
      %mul3A_753 = vector.broadcast %mul3A_752 : i32 to vector<16xi32>
      %mul3A_754 = arith.muli %and3A_751, %mul3A_753 : vector<16xi32>
      %add3A_755 = arith.addi %mul3A_748, %mul3A_754 : vector<16xi32>
      %add3A_756 = arith.addi %add3A_755, %and3A_731 : vector<16xi32>
      %gather3A_757 = tpu.vector_load_idx %arg10[%add3A_756] : memref<2048xf32, #tpu.memory_space<vmem>>[vector<16xi32>], vector<16xf32>,
      %sub3A_758 = arith.subf %gather3A_744, %gather3A_757 : vector<16xf32>
      %abs3A_759 = math.absf %sub3A_758 : vector<16xf32>
      %lt3A_760 = arith.constant 1.000000e+00 : f32
      %lt3A_761 = vector.broadcast %lt3A_760 : f32 to vector<16xf32>
      %lt3A_762 = arith.cmpf olt, %abs3A_759, %lt3A_761 : vector<16xf32>
      %mul3A_763 = arith.constant 5.000000e-01 : f32
      %mul3A_764 = vector.broadcast %mul3A_763 : f32 to vector<16xf32>
      %mul3A_765 = arith.mulf %mul3A_764, %abs3A_759 : vector<16xf32>
      %mul3A_766 = arith.mulf %mul3A_765, %abs3A_759 : vector<16xf32>
      %sub3A_767 = arith.constant 5.000000e-01 : f32
      %sub3A_768 = vector.broadcast %sub3A_767 : f32 to vector<16xf32>
      %sub3A_769 = arith.subf %abs3A_759, %sub3A_768 : vector<16xf32>
      %select_n3A_770 = arith.select %lt3A_762, %mul3A_766, %sub3A_769 : vector<16xi1>, vector<16xf32>
      %lt3A_771 = arith.cmpi slt, %add3A_735, %scan3A_45 : vector<16xi32>
      %select_n3A_772 = arith.select %lt3A_771, %select_n3A_770, %broadcast_in_dim3A_37 : vector<16xi1>, vector<16xf32>
      %add3A_773 = arith.addf %add3A_722, %select_n3A_772 : vector<16xf32>
      scf.yield %add3A_773 : vector<16xf32>
    }
    %swap3A_151 = arith.constant 0 : index
    %swap3A_152 = tpu.vector_load %arg12[%swap3A_151] {strides = array<i32>} : memref<16xf32, #tpu.memory_space<vmem>>, vector<16xf32>,
    tpu.vector_store %arg12[%swap3A_151], %while3A_150 {strides = array<i32>} : memref<16xf32, #tpu.memory_space<vmem>>, vector<16xf32>,
    "tpu.region"() ({
      %run_scoped3A = tpu.sem_alloc : memref<!tpu.dma_semaphore, #tpu.memory_space<semaphore_mem>>
      %dma_start3A = arith.constant 0 : i32
      %dma_start3A_153 = tpu.memref_slice %arg5[%add3A, %dma_start3A] : memref<32x16xf32, #tpu.memory_space<hbm>> -> memref<1x16xf32, #tpu.memory_space<hbm>>
      %dma_start3A_154 = tpu.memref_squeeze %dma_start3A_153 : memref<1x16xf32, #tpu.memory_space<hbm>> -> memref<16xf32, #tpu.memory_space<hbm>>
      %dma_start3A_155 = arith.constant 0 : i32
      %dma_start3A_156 = tpu.memref_slice %arg5[%add3A, %dma_start3A_155] : memref<32x16xf32, #tpu.memory_space<hbm>> -> memref<1x16xf32, #tpu.memory_space<hbm>>
      %dma_start3A_157 = tpu.memref_squeeze %dma_start3A_156 : memref<1x16xf32, #tpu.memory_space<hbm>> -> memref<16xf32, #tpu.memory_space<hbm>>
      tpu.enqueue_dma source(%arg12 : memref<16xf32, #tpu.memory_space<vmem>>) target(%dma_start3A_157 : memref<16xf32, #tpu.memory_space<hbm>>) target_semaphore(%run_scoped3A : memref<!tpu.dma_semaphore, #tpu.memory_space<semaphore_mem>>)
      %dma_wait3A = arith.constant 0 : i32
      %dma_wait3A_158 = tpu.memref_slice %arg5[%add3A, %dma_wait3A] : memref<32x16xf32, #tpu.memory_space<hbm>> -> memref<1x16xf32, #tpu.memory_space<hbm>>
      %dma_wait3A_159 = tpu.memref_squeeze %dma_wait3A_158 : memref<1x16xf32, #tpu.memory_space<hbm>> -> memref<16xf32, #tpu.memory_space<hbm>>
      %dma_wait3A_160 = arith.constant 0 : i32
      %dma_wait3A_161 = tpu.memref_slice %arg5[%add3A, %dma_wait3A_160] : memref<32x16xf32, #tpu.memory_space<hbm>> -> memref<1x16xf32, #tpu.memory_space<hbm>>
      %dma_wait3A_162 = tpu.memref_squeeze %dma_wait3A_161 : memref<1x16xf32, #tpu.memory_space<hbm>> -> memref<16xf32, #tpu.memory_space<hbm>>
      tpu.wait_dma2 semaphore(%run_scoped3A : memref<!tpu.dma_semaphore, #tpu.memory_space<semaphore_mem>>) src(%arg12 : memref<16xf32, #tpu.memory_space<vmem>>) dst(%dma_wait3A_162 : memref<16xf32, #tpu.memory_space<hbm>>)
      tpu.yield
    }) : () -> ()
    return
  }
}

</mosaic_0001>

<sc_bundles>
// kernel: kernel.3.cloned.1.call-start
scs
__scs_entry_jumppad:
0x0: {  	(pc) =	sbr.rel $0x88, $3  }
0x1: {  	(tag) =	ssettag $0x0;
	lr =	simm.s32 $0x1  }
0x2: {  	[smem:$0x3F9E] =	sst lr;
	_ =	strace $0xD0000000  }
0x3: {  	_ = 	snop  }
0x4: {  	_ = 	snop  }
0x5: {  	_ = 	snop  }
0x6: {  	_ = 	snop  }
0x7: {  	_ = 	snop  }
__scs_overlays_trampoline_lowered:
0x8: {  	[smem:$0x3FAD] =	sst s0  }
0x9: {  	[smem:$0x3FAE] =	sst s1  }
0xa: {  	[smem:$0x3FAF] =	sst s2  }
0xb: {  	[smem:$0x3FB0] =	sst s3  }
0xc: {  	[smem:$0x3FB1] =	sst s4  }
0xd: {  	[smem:$0x3FB2] =	sst s5  }
0xe: {  	[smem:$0x3FB3] =	sst s6  }
0xf: {  	[smem:$0x3FB4] =	sst s7  }
0x10: {  	[smem:$0x3FB5] =	sst s8  }
0x11: {  	[smem:$0x3FB6] =	sst s9;
	s0 =	simm.s32 @!p0 $0x0  }
0x12: {  	s1 =	sld [smem:$0x3F9C];
	s0 =	simm.s32 @p0 $0x1  }
0x13: {  	[smem:$0x3FB7] =	sst s0;
	s0 =	simm.s32 @!p1 $0x0  }
0x14: {  	s2 =	sld [smem:$0x3F9B];
	s0 =	simm.s32 @p1 $0x1  }
0x15: {  	[smem:$0x3FB8] =	sst s0;
	s0 =	simm.s32 @!p2 $0x0  }
0x16: {  	s3 =	sld [smem:$0x3FDB];
	s0 =	simm.s32 @p2 $0x1  }
0x17: {  	s4 =	simm.s32 $0x1BF5;
	[smem:$0x3FBA] =	sst s0  }
0x18: {  	s0 =	sld [smem:$0x3F9D];
	_ =	swait.ge [sflag:s4], $0x0  }
0x19: {  	s7 =	sld [smem:$0x3F9E]  }
0x1a: {  	s8 =	sadd.s32 $0xFFFFE003, lr  }
0x1b: {  	s9 =	sadd.s32 $0xFFFFFEF7, lr;
	s5 =	simm.s32 $0xFFFFFFFF;
	p2 =	slt.u32 s8, $0xFFFFF086  }
0x1c: {  	p1 =	slt.u32 s9, $0xF7A;
	s5 =	simm.s32 @!p2 $0x0  }
0x1d: {  	s5 =	simm.s32 @p1 $0x1;
	p0 =	seq.s32 s7, s2  }
0x1e: {  	s7 =	smul.u32 @!p0 $0xF7A, s2;
	p2 =	seq.s32 @!p0 s5, $0x0  }
0x1f: {  	s9 =	smul.u32 $0xF7A, s1;
	s8 =	simm.s32 @!p0 $0x1BF5;
	p2 =	por !p2, p0  }
0x20: {  	[sflag:s8] =	ssyncset.s32 @!p0 $0xFFFFF086;
	s6 =	sadd.s32 @!p0 s3, s7;
	s7 =	simm.s32 @!p0 $0x108  }
0x21: {  	s3 =	sadd.s32 s3, s9;
	s6 =	sadd.s32 @!p0 $0x88, s6;
	s7 =	simm.s32 @p2 $0x1082  }
0x22: {  	[simem:s7], [sflag:s8] =	dma.local @!p0 [hbm:s6], $0xF7A  }
0x23: {  	s9 =	sor.u32 $0xD0000000, s2;
	s6 =	simm.s32 $0x108;
	_ =	swait.ge @!p0 [sflag:s8], $0x0  }
0x24: {  	s3 =	sadd.s32 $0x88, s3;
	s6 =	simm.s32 @!p1 $0x1082;
	[sflag:s4] =	ssyncset.s32 $0xFFFFF086  }
0x25: {  	[simem:s6], [sflag:s4] =	dma.local [hbm:s3], $0xF7A  }
0x26: {  	[smem:$0x3F9E] =	sst s1;
	(tag) =	ssettag s2;
	_ =	strace s9  }
0x27: {  	s1 =	sld [smem:$0x3FAE]  }
0x28: {  	s2 =	sld [smem:$0x3FAF]  }
0x29: {  	s4 =	sld [smem:$0x3FB1]  }
0x2a: {  	p0 =	seq.s32 s5, $0x0;
	s5 =	sld [smem:$0x3FB2]  }
0x2b: {  	s6 =	sld [smem:$0x3FB3]  }
0x2c: {  	s7 =	sld [smem:$0x3FB4]  }
0x2d: {  	s3 =	simm.s32 $0x108;
	s8 =	sld [smem:$0x3FB5]  }
0x2e: {  	s3 =	simm.s32 @!p0 $0x1082;
	s9 =	sld [smem:$0x3FB6]  }
0x2f: {  	lr =	sadd.s32 s0, s3;
	s0 =	sld [smem:$0x3FAD]  }
0x30: {  	s3 =	sld [smem:$0x3FB0]  }
0x31: {  	[smem:$0x3FB9] =	sst s10  }
0x32: {  	s10 =	sld [smem:$0x3FB7];
	_ =	sdelay $0x3  }
0x33: {  	p0 =	seq.s32 s10, $0x1;
	s10 =	sld [smem:$0x3FB9];
	_ =	sdelay $0x3  }
0x34: {  	[smem:$0x3FB9] =	sst s10  }
0x35: {  	s10 =	sld [smem:$0x3FB8];
	_ =	sdelay $0x3  }
0x36: {  	p1 =	seq.s32 s10, $0x1;
	s10 =	sld [smem:$0x3FB9];
	_ =	sdelay $0x3  }
0x37: {  	[smem:$0x3FB9] =	sst s10  }
0x38: {  	s10 =	sld [smem:$0x3FBA]  }
0x39: {  	_ = 	snop;
	(pc) =	sbr.ind lr, $3  }
0x3a: {  	_ = 	snop  }
0x3b: {  	_ = 	snop  }
0x3c: {  	p2 =	seq.s32 s10, $0x1;
	s10 =	sld [smem:$0x3FB9]  }
0x3d: {  	_ =	shalt  }
0x3e: {  	_ =	shalt  }
0x3f: {  	_ =	shalt  }
0x40: {  	_ =	shalt  }
0x41: {  	_ =	shalt  }
0x42: {  	_ =	shalt  }
0x43: {  	_ =	shalt  }
0x44: {  	_ =	shalt  }
0x45: {  	_ =	shalt  }
0x46: {  	_ =	shalt  }
0x47: {  	_ =	shalt  }
0x48: {  	_ =	shalt  }
0x49: {  	_ =	shalt  }
0x4a: {  	_ =	shalt  }
0x4b: {  	_ =	shalt  }
0x4c: {  	_ =	shalt  }
0x4d: {  	_ =	shalt  }
0x4e: {  	_ =	shalt  }
0x4f: {  	_ =	shalt  }
0x50: {  	_ =	shalt  }
0x51: {  	_ =	shalt  }
0x52: {  	_ =	shalt  }
0x53: {  	_ =	shalt  }
0x54: {  	_ =	shalt  }
0x55: {  	_ =	shalt  }
0x56: {  	_ =	shalt  }
0x57: {  	_ =	shalt  }
0x58: {  	_ =	shalt  }
0x59: {  	_ =	shalt  }
0x5a: {  	_ =	shalt  }
0x5b: {  	_ =	shalt  }
0x5c: {  	_ =	shalt  }
0x5d: {  	_ =	shalt  }
0x5e: {  	_ =	shalt  }
0x5f: {  	_ =	shalt  }
0x60: {  	_ =	shalt  }
0x61: {  	_ =	shalt  }
0x62: {  	_ =	shalt  }
0x63: {  	_ =	shalt  }
0x64: {  	_ =	shalt  }
0x65: {  	_ =	shalt  }
0x66: {  	_ =	shalt  }
0x67: {  	_ =	shalt  }
0x68: {  	_ =	shalt  }
0x69: {  	_ =	shalt  }
0x6a: {  	_ =	shalt  }
0x6b: {  	_ =	shalt  }
0x6c: {  	_ =	shalt  }
0x6d: {  	_ =	shalt  }
0x6e: {  	_ =	shalt  }
0x6f: {  	_ =	shalt  }
0x70: {  	_ =	shalt  }
0x71: {  	_ =	shalt  }
0x72: {  	_ =	shalt  }
0x73: {  	_ =	shalt  }
0x74: {  	_ =	shalt  }
0x75: {  	_ =	shalt  }
0x76: {  	_ =	shalt  }
0x77: {  	_ =	shalt  }
0x78: {  	_ =	shalt  }
0x79: {  	_ =	shalt  }
0x7a: {  	_ =	shalt  }
0x7b: {  	_ =	shalt  }
0x7c: {  	_ =	shalt  }
0x7d: {  	_ =	shalt  }
0x7e: {  	_ =	shalt  }
0x7f: {  	_ =	shalt  }
0x80: {  	_ =	shalt  }
0x81: {  	_ =	shalt  }
0x82: {  	_ =	shalt  }
0x83: {  	_ =	shalt  }
0x84: {  	_ =	shalt  }
0x85: {  	_ =	shalt  }
0x86: {  	_ =	shalt  }
0x87: {  	_ =	shalt  }
.Lfunc_end0:
.L_simem_size_0:
called_computation_lowered:
.L_overlay_start_0:
0x88: {  	s2 =	sld [smem:$0x3FD9]  }
0x89: {  	s3 =	sld [smem:$0x3FFE];
	_ =	sdelay $0x1  }
0x8a: {  	s1 =	srdreg.scid  }
0x8b: {  	s0 =	sand.u32 $0x1, s1  }
0x8c: {  	s17 =	sshll.u32 s0, $0xA;
	s2 =	sadd.s32 s3, s2  }
0x8d: {  	s2 =	sadd.s32 s2, s17  }
0x8e: {  	[smem:$0x3FC5] =	sst s2  }
0x8f: {  	_ = 	snop  }
0x90: {  	s2 =	sld [smem:$0x3FC8];
	(tm) =	ssettm $0x1  }
0x91: {  	s18 =	sld [smem:$0x3FFB];
	_ =	sdelay $0x3  }
0x92: {  	_ =	strace s18  }
0x93: {  	s3 =	sld [smem:$0x3FFC];
	_ =	sdelay $0x3  }
0x94: {  	_ =	strace s3  }
0x95: {  	s3 =	sld [smem:$0x3FFD];
	_ =	sdelay $0x3  }
0x96: {  	_ =	strace s3  }
0x97: {  	_ =	strace $0x8FFFFFFF  }
0x98: {  	s19 =	sld [smem:$0x3FDB];
	_ =	sdelay $0x1  }
0x99: {  	s4 =	simm.s32 $_scs_section_size  }
0x9a: {  	s5 =	simm.s32 $_size__tile_overlayer_lowered;
	s6 =	simm.s32 $_tile_overlayer_lowered  }
0x9b: {  	s22 =	simm.s32 $0x1BFF;
	s21 =	sshll.u32 s6, $0x1;
	s3 =	sadd.s32 s4, s19  }
0x9c: {  	s7 =	simm.s32 $0x0;
	s20 =	sshll.u32 s5, $0x1;
	s5 =	sadd.s32 s21, s3  }
0x9d: {  	[timem:s7], [sflag:s22] =	dma.local [hbm:s5], s20  }
0x9e: {  	_ =	swait.ge [sflag:s22], s20  }
0x9f: {  	s4 =	ssub.s32 $0x0, s20;
	[sflag:s22] =	ssyncset.done $0x0  }
0xa0: {  	[sflag:s22] =	ssyncadd.s32 s4;
	_ =	sdelay $0x1  }
0xa1: {  	s23 =	simm.s32 $0x1B8B  }
0xa2: {  	_ =	swait.ge [sflag:s23], $0x1  }
0xa3: {  	[sflag:s23] =	ssyncset.done $0x0  }
0xa4: {  	s25 =	simm.s32 $0x1B8E;
	s24 =	sld [smem:$0x3FFE];
	[sflag:s23] =	ssyncadd.s32 $0xFFFFFFFF  }
0xa5: {  	s26 =	simm.s32 $execute0_lowered;
	[smem:$0x3FD2] =	sst s25  }
0xa6: {  	s5 =	sshll.u32 s26, $0x1;
	_ =	strace $0x80000046;
	[dreg:$0x1] =	wrdreg $0xFFFFFFFF  }
0xa7: {  	s28 =	simm.s32 $_size_execute0_lowered;
	s3 =	sadd.s32 s3, s5;
	[dreg:$0x0] =	wrdreg $0x0  }
0xa8: {  	s5 =	sshll.u32 s28, $0x1;
	[dreg:$0x2] =	wrdreg s3  }
0xa9: {  	[dreg:$0x3] =	wrdreg s5  }
0xaa: {  	[dreg:$0x4] =	wrdreg $0xC0  }
0xab: {  	_ =	task [dreg:s7], $0x5FFFF  }
0xac: {  	[dreg:$0x1] =	wrdreg $0xFFFFFFFF  }
0xad: {  	[dreg:$0x0] =	wrdreg $0x60  }
0xae: {  	[dreg:$0x2] =	wrdreg s2  }
0xaf: {  	[dreg:$0x3] =	wrdreg s24  }
0xb0: {  	[dreg:$0x4] =	wrdreg $0x9  }
0xb1: {  	_ =	task.clear_ibuf [dreg:s7], $0x5FFFF;
	_ =	strace $0x90000046  }
0xb2: {  	s29 =	simm.s32 $0x9;
	_ =	strace $0x80000048  }
0xb3: {  	_ =	swait.ge [sflag:s29], $0x1  }
0xb4: {  	[sflag:s29] =	ssyncadd.s32 $0xFFFFFFFF  }
0xb5: {  	_ =	strace $0x90000048  }
0xb6: {  	_ =	sfence  }
0xb7: {  	s30 =	sld [smem:$0x0];
	_ =	sdelay $0x2  }
0xb8: {  	s31 =	sshll.u32 s1, $0xD;
	s1 =	sshrl.u32 s1, $0x2  }
0xb9: {  	s3 =	sand.u32 $0x4000, s31;
	s1 =	sadd.s32 s1, s30  }
0xba: {  	s0 =	sor.u32 s3, s0;
	s1 =	sshll.u32 s1, $0x11  }
0xbb: {  	s0 =	sor.u32 s1, s0  }
0xbc: {  	s0 =	sadd.s32 $0x8F2B, s0  }
0xbd: {  	[sflag:s0] =	ssyncadd.remote.s32 $0x1  }
0xbe: {  	_ =	sfence.sel $0xFFFF  }
0xbf: {  	[dreg:$0x0] =	wrdreg $0xFFFFFFFF;
	(pc) =	sbr.abs _section_cstart, $3  }
0xc0: {  	[dreg:$0x1] =	wrdreg $0xFFFFFFFF  }
0xc1: {  	_ =	task.clear_ibuf [dreg:s7], $0x2FFFF;
	_ =	strace $0x9FFFFFFF  }
0xc2: {  	(tm) =	ssettm $0x7FFFFFFF  }
0xc3: {  	_ =	shalt  }
tec
execute0_lowered:
.L_overlay_start_1:
0x0: {  	(tag) =	ssettag $0x1  }
0x1: {  	v0 =	vimm.s32 $0x0;
	v1 =	vlaneseq.u32  }
0x2: {  	v3 =	vimm.s32 $0x0;
	v4 =	vimm.s32 $0x3210;
	vm3 =	vmmov $0x1  }
0x3: {  	vm6 =	vcmask $0x308;
	vm7 =	vcmask $0x70C;
	vm8 =	vcmask $0xB10  }
0x4: {  	v5 =	vimm.s32 $0x83828180;
	v6 =	vimm.s32 $0x383;
	vm1 =	vcmask $0x300  }
0x5: {  	vm2 =	vcmask $0x704;
	vm4 =	vcmask $0xB08;
	vm5 =	vcmask $0xF0C  }
0x6: {  	v7 =	vimm.s32 $0x783;
	vm11 =	vcmask $0x1310;
	vm12 =	vcmask $0x2328  }
0x7: {  	s1 =	stileid.u32;
	vm13 =	vcmask $0x272C;
	vm14 =	vcmask $0x2B30;
	vm15 =	vcmask $0x2F34  }
0x8: {  	s0 =	sand.u32 $0x3, s1;
	v4 =	vunpack.c.l.s4.s8 v4;
	v5 =	vunpack.c.0.s8.s32 v5;
	v7 =	vsel vm1, $0x600, v7  }
0x9: {  	vm9 =	vmmov vm7;
	v2 =	vmov s0;
	v7 =	vsel vm2, $0x601, v7  }
0xa: {  	vm0 =	veq.s32 v2, $0x3;
	v4 =	vunpack.c.0.s8.s32 v4;
	v7 =	vsel vm4, $0x602, v7  }
0xb: {  	v5 =	vand.u32 $0xFF, v5;
	v3 =	vsel vm0, $0xFFFFFFFF, v3;
	v7 =	vsel vm5, $0x603, v7  }
0xc: {  	s13 =	rddreg [dreg:$0x0];
	vm0 =	vgt.u32 v2, $0x1;
	[tilespmem:$0x1FFD0] =	vst v3;
	v3 =	vimm.s32 $0x0;
	v7 =	vsel vm11, $0x680, v7  }
0xd: {  	s2 =	srdreg.scid;
	s6 =	rddreg [dreg:$0x1];
	v3 =	vsel vm0, $0xFFFFFFFF, v3;
	vm0 =	veq.s32 v2, $0x0;
	v2 =	vimm.s32 $0x0  }
0xe: {  	s3 =	simm.s32 $0x0;
	s29 =	simm.s32 $0x12900;
	s30 =	simm.s32 $0x12980;
	[tilespmem:$0x1FFE0] =	vst v3;
	v2 =	vsel vm0, $0xFFFFFFFF, v2;
	v3 =	vor.u32 $0x100, v1;
	vm0 =	vcmask $0xF00  }
0xf: {  	s11 =	simm.s32 $0x1;
	s31 =	simm.s32 $0x12A00;
	s14 =	simm.s32 $0x12A80;
	[tilespmem:$0x1FFF0] =	vst v2;
	v2 =	vor.u32 $0x80, v1;
	v4 =	vnsel vm0, $0x183, v4;
	vm0 =	vcmask $0x1F10  }
0x10: {  	s16 =	simm.s32 $0x12B00;
	s18 =	simm.s32 $0x12B80;
	s19 =	simm.s32 $0x12C00;
	v4 =	vsel vm0, v5, v4;
	v5 =	vsel vm1, $0x200, v6;
	vm0 =	vcmask $0x2320  }
0x11: {  	s21 =	simm.s32 $0x12C80;
	s22 =	simm.s32 $0x12D00;
	s5 =	sand.u32 $0x1, s2;
	v6 =	vimm.s32 $0x583;
	v5 =	vsel vm2, $0x201, v5;
	v4 =	vsel vm0, $0x100, v4  }
0x12: {  	[smem:$0x7FF] =	sst s3;
	s8 =	sshll.u32 s1, $0x4;
	s2 =	sshll.u32 s5, $0x4;
	v6 =	vsel vm1, $0x400, v6;
	vm1 =	vcmask $0x2724;
	v5 =	vsel vm4, $0x202, v5  }
0x13: {  	p1 =	sne.s32 s0, $0x0;
	s0 =	sshll.u32 s0, $0x10;
	s7 =	sor.u32 s1, s2;
	v6 =	vsel vm2, $0x401, v6;
	v4 =	vsel vm1, $0x101, v4;
	vm2 =	vcmask $0x2B28  }
0x14: {  	s2 =	sshll.u32 s7, $0x4;
	_ =	strace $0x80000047;
	[dreg:$0x12] =	wrdreg s0;
	v5 =	vsel vm5, $0x203, v5;
	v6 =	vsel vm4, $0x402, v6;
	vm4 =	vcmask $0x1714  }
0x15: {  	s8 =	sand.u32 $0x70, s8;
	s2 =	sand.u32 $0x180, s2;
	[dreg:$0x3] =	wrdreg s29;
	v4 =	vsel vm2, $0x102, v4;
	v5 =	vsel vm11, $0x280, v5;
	v6 =	vsel vm5, $0x403, v6  }
0x16: {  	s9 =	sadd.s32 $0x800, s6;
	s10 =	sor.u32 s8, s2;
	[dreg:$0x4] =	wrdreg s30;
	vm5 =	vcmask $0x1B18;
	v7 =	vsel vm4, $0x681, v7;
	v5 =	vsel vm4, $0x281, v5  }
0x17: {  	s24 =	simm.s32 $0x12D80;
	s15 =	sadd.s32 s9, s10;
	[dreg:$0x5] =	wrdreg s31;
	v6 =	vsel vm11, $0x480, v6;
	v7 =	vsel vm5, $0x682, v7;
	vm11 =	vcmask $0xF14  }
0x18: {  	s26 =	simm.s32 $0x12E00;
	s5 =	ssub.s32 $0x2, s5;
	[dreg:$0x14] =	wrdreg s15;
	v5 =	vsel vm5, $0x282, v5;
	v6 =	vsel vm4, $0x481, v6;
	vm4 =	vcmask $0x1F1C  }
0x19: {  	s4 =	sadd.s32 $0x2000000, s6;
	s28 =	sshrl.u32 s5, $0x1;
	[dreg:$0x6] =	wrdreg s14;
	v6 =	vsel vm5, $0x482, v6;
	vm5 =	vmmov vm8;
	v5 =	vsel vm4, $0x283, v5  }
0x1a: {  	p0 =	seq.s32 s7, $0x0;
	s12 =	sshrl.u32 s7, $0x2;
	[dreg:$0x7] =	wrdreg s16;
	v7 =	vsel vm4, $0x683, v7;
	vm8 =	vmmov vm6;
	v6 =	vsel vm4, $0x483, v6  }
0x1b: {  	s7 =	sshll.u32 s7, $0x10;
	p0 =	por !p1, !p0;
	[dreg:$0x8] =	wrdreg s18;
	vm4 =	vcmask $0x2F2C;
	v5 =	vsel vm0, $0x300, v5;
	v7 =	vsel vm0, $0x700, v7  }
0x1c: {  	p0 =	por !p0, !p0;
	s2 =	sadd.s32 s10, s6;
	[dreg:$0x9] =	wrdreg s19;
	v6 =	vsel vm0, $0x500, v6;
	v4 =	vsel vm4, $0x103, v4;
	v5 =	vsel vm1, $0x301, v5  }
0x1d: {  	s8 =	ssub.s32 s5, s28;
	s23 =	sadd.s32 $0xA00, s2;
	[dreg:$0xa] =	wrdreg s21;
	v7 =	vsel vm1, $0x701, v7;
	vm0 =	vcmask $0x3330;
	v6 =	vsel vm1, $0x501, v6  }
0x1e: {  	s5 =	simm.s32 $0x1;
	s28 =	simm.s32 $0x12E80;
	[dreg:$0x16] =	wrdreg s23;
	v5 =	vsel vm2, $0x302, v5;
	v7 =	vsel vm2, $0x702, v7;
	v8 =	vsel vm0, $0x180, v4  }
0x1f: {  	s11 =	simm.s32 @!p0 $0x0;
	s25 =	smax.u32 s8, $0x1;
	[dreg:$0xb] =	wrdreg s22;
	vm1 =	vcmask $0x3734;
	v4 =	vshrl.u32 v1, $0x2;
	v6 =	vsel vm2, $0x502, v6  }
0x20: {  	s10 =	simm.s32 $0x0;
	s11 =	ssub.s32 s12, s11;
	[dreg:$0x17] =	wrdreg s25;
	v5 =	vsel vm4, $0x303, v5;
	v7 =	vsel vm4, $0x703, v7;
	v8 =	vsel vm1, $0x181, v8  }
0x21: {  	s12 =	sshll.u32 s11, $0x8;
	s17 =	sshll.u32 s11, $0x6;
	[dreg:$0xc] =	wrdreg s24;
	v16 =	vmul.u32 $0x80, v4;
	v13 =	vor.u32 $0x8, v4;
	v15 =	vor.u32 $0xC, v4  }
0x22: {  	s11 =	sshll.u32 s11, $0x14;
	s14 =	simm.s32 $0x12080;
	[dreg:$0xd] =	wrdreg s26;
	vm2 =	vmmov $0x7fff;
	v6 =	vsel vm4, $0x503, v6;
	v5 =	vsel vm0, $0x380, v5  }
0x23: {  	s15 =	simm.s32 $0x2;
	[dreg:$0xe] =	wrdreg s28;
	s29 =	simm.s32 $0x12F00;
	v7 =	vsel vm0, $0x780, v7;
	v6 =	vsel vm0, $0x580, v6;
	vm0 =	vcmask $0x3B38  }
.Ltmp0:
0x24: {  	s30 =	simm.s32 $0x12F80;
	[dreg:$0xf] =	wrdreg s29;
	v9 =	vsel vm1, $0x381, v5;
	v11 =	vsel vm1, $0x781, v7;
	v12 =	vor.u32 $0x27F, v16;
	(pc) =	sbr.rel .LBB2_1-.Ltmp0, $4  }
0x25: {  	s31 =	simm.s32 $0x13000;
	s12 =	sand.u32 $0x1FFFFF00, s12;
	[dreg:$0x10] =	wrdreg s30;
	v14 =	vor.u32 $0x47F, v16;
	v10 =	vsel vm1, $0x581, v6;
	v5 =	vsel vm0, $0x182, v8  }
0x26: {  	[dreg:$0x11] =	wrdreg s31;
	s12 =	sadd.s32 s6, s12;
	s6 =	sand.u32 $0x1FFFFFC0, s17;
	v6 =	vsel vm0, $0x382, v9;
	v8 =	vsel vm0, $0x782, v11;
	v9 =	vand.u32 $0x3, v1  }
0x27: {  	s16 =	simm.s32 $0x2000;
	[dreg:$0x13] =	wrdreg s12;
	s20 =	sadd.s32 s9, s6;
	v11 =	vor.u32 $0x4, v4;
	vm1 =	vcmask $0x373C;
	v7 =	vsel vm0, $0x582, v10  }
0x28: {  	s19 =	simm.s32 $0x12880;
	[dreg:$0x15] =	wrdreg s20;
	s20 =	simm.s32 $0x13080;
	v10 =	vor.u32 $0x7F, v16;
	v16 =	vor.u32 $0x67F, v16;
	vm0 =	vcmask $0x3338  }
.LBB2_12:
0x29: {  	s24 =	simm.s32 $0x0;
	v20 =	vimm.f32 $0.0e+00  }
.LBB2_17:
0x2a: {  	_ =	sdelay $0x6  }
0x2b: {  	s0 =	spop (v2sf)  }
0x2c: {  	s1 =	spop (v2sf)  }
0x2d: {  	s1 =	sshll.u32 s1, $0x2  }
0x2e: {  	s2 =	spop (v2sf);
	s1 =	sand.u32 $0xFFFFFF80, s1  }
0x2f: {  	s2 =	sshll.u32 s2, $0x2;
	s1 =	sadd.s32 s11, s1  }
0x30: {  	s2 =	sand.u32 $0xFFFFFF80, s2;
	s1 =	sshrl.u32 s1, $0x3  }
0x31: {  	[tilespmem:$0x13080] =	vst v25;
	s9 =	spop (v2sf);
	(v2sf) =	vpush v36, $0xF;
	s2 =	sadd.s32 s11, s2;
	s1 =	sadd.s32 s4, s1  }
0x32: {  	[tilespmem:s19], [sflag:$0x1] =	stream.linear.gather [hbm4b:s1+s3], $0x80, $0x38;
	[tilespmem:$0x13400] =	vst v63  }
0x33: {  	s6 =	rddreg [dreg:$0x3];
	v54, _, _ =	vpop (xrf0);
	s2 =	sshrl.u32 s2, $0x3;
	s1 =	sshll.u32 s9, $0x2  }
0x34: {  	s17 =	spop (v2sf);
	(v2sf) =	vpush v54, $0xF;
	s2 =	sadd.s32 s4, s2;
	s1 =	sand.u32 $0xFFFFFF80, s1  }
0x35: {  	[tilespmem:s6], [sflag:$0x1] =	stream.linear.gather [hbm4b:s2+s3], $0x80, $0x38;
	[tilespmem:$0x13400] =	vst v63  }
0x36: {  	(v2sf) =	vpush v35, $0xF;
	s1 =	sadd.s32 s11, s1  }
0x37: {  	s1 =	sshrl.u32 s1, $0x3  }
0x38: {  	s12 =	rddreg [dreg:$0x4];
	s1 =	sadd.s32 s4, s1  }
0x39: {  	[tilespmem:s12], [sflag:$0x1] =	stream.linear.gather [hbm4b:s1+s3], $0x80, $0x38;
	[tilespmem:$0x13400] =	vst v63  }
0x3a: {  	s18 =	rddreg [dreg:$0x5];
	s1 =	sshll.u32 s17, $0x2  }
0x3b: {  	s21 =	rddreg [dreg:$0x6];
	s0 =	sshll.u32 s0, $0x2;
	s1 =	sand.u32 $0xFFFFFF80, s1  }
0x3c: {  	s0 =	sand.u32 $0xFFFFFF80, s0;
	s22 =	spop (v2sf);
	s1 =	sadd.s32 s11, s1  }
0x3d: {  	s0 =	sadd.s32 s11, s0;
	s2 =	sshll.u32 s22, $0x2;
	s1 =	sshrl.u32 s1, $0x3  }
0x3e: {  	s0 =	sshrl.u32 s0, $0x3;
	s2 =	sand.u32 $0xFFFFFF80, s2;
	s1 =	sadd.s32 s4, s1  }
0x3f: {  	[tilespmem:s18], [sflag:$0x1] =	stream.linear.gather [hbm4b:s1+s3], $0x80, $0x38;
	[tilespmem:$0x13400] =	vst v63  }
0x40: {  	v55, _, _ =	vpop (xrf0);
	s0 =	sadd.s32 s4, s0;
	s2 =	sadd.s32 s11, s2;
	s25 =	spop (v2sf)  }
0x41: {  	(v2sf) =	vpush v55, $0xF;
	[tilespmem:s21], [sflag:$0x1] =	stream.linear.gather [hbm4b:s0+s3], $0x80, $0x38;
	[tilespmem:$0x13400] =	vst v63  }
0x42: {  	s23 =	rddreg [dreg:$0x7];
	s2 =	sshrl.u32 s2, $0x3;
	s1 =	sshll.u32 s25, $0x2  }
0x43: {  	s2 =	sadd.s32 s4, s2;
	s1 =	sand.u32 $0xFFFFFF80, s1;
	s29 =	spop (v2sf)  }
0x44: {  	[tilespmem:s23], [sflag:$0x1] =	stream.linear.gather [hbm4b:s2+s3], $0x80, $0x38;
	[tilespmem:$0x13400] =	vst v63  }
0x45: {  	s1 =	sadd.s32 s11, s1;
	s30 =	spop (v2sf)  }
0x46: {  	v56, _, _ =	vpop (xrf0);
	s1 =	sshrl.u32 s1, $0x3;
	s0 =	sshll.u32 s30, $0x2  }
0x47: {  	s28 =	rddreg [dreg:$0x8];
	(v2sf) =	vpush v56, $0xF;
	s1 =	sadd.s32 s4, s1;
	s0 =	sand.u32 $0xFFFFFF80, s0  }
0x48: {  	[tilespmem:s28], [sflag:$0x1] =	stream.linear.gather [hbm4b:s1+s3], $0x80, $0x38;
	[tilespmem:$0x13400] =	vst v63  }
0x49: {  	s0 =	sadd.s32 s11, s0  }
0x4a: {  	s0 =	sshrl.u32 s0, $0x3  }
0x4b: {  	s31 =	rddreg [dreg:$0x9];
	s2 =	sshll.u32 s29, $0x2;
	s0 =	sadd.s32 s4, s0  }
0x4c: {  	v57, _, _ =	vpop (xrf0);
	[tilespmem:s31], [sflag:$0x1] =	stream.linear.gather [hbm4b:s0+s3], $0x80, $0x38;
	[tilespmem:$0x13400] =	vst v63  }
0x4d: {  	(v2sf) =	vpush v57, $0xF;
	s0 =	sand.u32 $0xFFFFFF80, s2  }
0x4e: {  	s0 =	sadd.s32 s11, s0  }
0x4f: {  	s0 =	sshrl.u32 s0, $0x3  }
0x50: {  	s6 =	rddreg [dreg:$0xa];
	s9 =	spop (v2sf);
	s0 =	sadd.s32 s4, s0  }
0x51: {  	[tilespmem:s6], [sflag:$0x1] =	stream.linear.gather [hbm4b:s0+s3], $0x80, $0x38;
	[tilespmem:$0x13400] =	vst v63  }
0x52: {  	v58, _, _ =	vpop (xrf0);
	s0 =	sshll.u32 s9, $0x2  }
0x53: {  	(v2sf) =	vpush v58, $0xF;
	s0 =	sand.u32 $0xFFFFFF80, s0  }
0x54: {  	s0 =	sadd.s32 s11, s0  }
0x55: {  	s0 =	sshrl.u32 s0, $0x3  }
0x56: {  	s12 =	rddreg [dreg:$0xb];
	s0 =	sadd.s32 s4, s0;
	s17 =	spop (v2sf)  }
0x57: {  	[tilespmem:s12], [sflag:$0x1] =	stream.linear.gather [hbm4b:s0+s3], $0x80, $0x38;
	[tilespmem:$0x13400] =	vst v63  }
0x58: {  	v59, _, _ =	vpop (xrf0);
	(xrf0) =	vadd.scan.msk.s32 $0xffff, v30;
	s0 =	sshll.u32 s17, $0x2  }
0x59: {  	(v2sf) =	vpush v59, $0xF;
	s0 =	sand.u32 $0xFFFFFF80, s0  }
0x5a: {  	s0 =	sadd.s32 s11, s0  }
0x5b: {  	s0 =	sshrl.u32 s0, $0x3  }
0x5c: {  	s18 =	rddreg [dreg:$0xc];
	s21 =	spop (v2sf);
	s0 =	sadd.s32 s4, s0  }
0x5d: {  	[tilespmem:s18], [sflag:$0x1] =	stream.linear.gather [hbm4b:s0+s3], $0x80, $0x38;
	[tilespmem:$0x13400] =	vst v63  }
0x5e: {  	v60, _, _ =	vpop (xrf0);
	(xrf0) =	vadd.scan.msk.s32 $0xffff, v29;
	s0 =	sshll.u32 s21, $0x2  }
0x5f: {  	(v2sf) =	vpush v60, $0xF;
	s0 =	sand.u32 $0xFFFFFF80, s0  }
0x60: {  	s0 =	sadd.s32 s11, s0  }
0x61: {  	s0 =	sshrl.u32 s0, $0x3  }
0x62: {  	s22 =	rddreg [dreg:$0xd];
	s23 =	spop (v2sf);
	s0 =	sadd.s32 s4, s0  }
0x63: {  	[tilespmem:s22], [sflag:$0x1] =	stream.linear.gather [hbm4b:s0+s3], $0x80, $0x38;
	[tilespmem:$0x13400] =	vst v63  }
0x64: {  	v61, _, _ =	vpop (xrf0);
	s0 =	sshll.u32 s23, $0x2  }
0x65: {  	(v2sf) =	vpush v61, $0xF;
	s0 =	sand.u32 $0xFFFFFF80, s0  }
0x66: {  	s0 =	sadd.s32 s11, s0  }
0x67: {  	s0 =	sshrl.u32 s0, $0x3  }
0x68: {  	s0 =	sadd.s32 s4, s0;
	s25 =	spop (v2sf)  }
0x69: {  	[tilespmem:s26], [sflag:$0x1] =	stream.linear.gather [hbm4b:s0+s3], $0x80, $0x38;
	[tilespmem:$0x13400] =	vst v63  }
0x6a: {  	s0 =	sshll.u32 s25, $0x2  }
0x6b: {  	s0 =	sand.u32 $0xFFFFFF80, s0  }
0x6c: {  	s0 =	sadd.s32 s11, s0  }
0x6d: {  	s0 =	sshrl.u32 s0, $0x3  }
0x6e: {  	s26 =	rddreg [dreg:$0xf];
	s28 =	spop (v2sf);
	s0 =	sadd.s32 s4, s0  }
0x6f: {  	[tilespmem:s26], [sflag:$0x1] =	stream.linear.gather [hbm4b:s0+s3], $0x80, $0x38;
	[tilespmem:$0x13400] =	vst v63  }
0x70: {  	s0 =	sshll.u32 s28, $0x2  }
0x71: {  	s0 =	sand.u32 $0xFFFFFF80, s0  }
0x72: {  	s0 =	sadd.s32 s11, s0  }
0x73: {  	s0 =	sshrl.u32 s0, $0x3  }
0x74: {  	s29 =	rddreg [dreg:$0x10];
	s30 =	spop (v2sf);
	s0 =	sadd.s32 s4, s0  }
0x75: {  	[tilespmem:s29], [sflag:$0x1] =	stream.linear.gather [hbm4b:s0+s3], $0x80, $0x38;
	[tilespmem:$0x13400] =	vst v63  }
0x76: {  	s0 =	sshll.u32 s30, $0x2  }
0x77: {  	s0 =	sand.u32 $0xFFFFFF80, s0  }
0x78: {  	s0 =	sadd.s32 s11, s0  }
0x79: {  	s0 =	sshrl.u32 s0, $0x3  }
0x7a: {  	s31 =	rddreg [dreg:$0x11];
	s0 =	sadd.s32 s4, s0  }
0x7b: {  	[tilespmem:s31], [sflag:$0x1] =	stream.linear.gather [hbm4b:s0+s3], $0x80, $0x38;
	[tilespmem:$0x13400] =	vst v63  }
0x7c: {  	_ =	swait.ge [sflag:s5], $0x80  }
0x7d: {  	[sflag:s5] =	ssyncset.done $0x0  }
0x7e: {  	[sflag:s5] =	ssyncadd.s32 $0xFFFFFF80  }
0x7f: {  	_ =	swait.ge [sflag:s5], $0x80  }
0x80: {  	[sflag:s5] =	ssyncset.done $0x0  }
0x81: {  	[sflag:s5] =	ssyncadd.s32 $0xFFFFFF80  }
0x82: {  	_ =	swait.ge [sflag:s5], $0x80  }
0x83: {  	[sflag:s5] =	ssyncset.done $0x0  }
0x84: {  	[sflag:s5] =	ssyncadd.s32 $0xFFFFFF80  }
0x85: {  	_ =	swait.ge [sflag:s5], $0x80  }
0x86: {  	[sflag:s5] =	ssyncset.done $0x0  }
0x87: {  	[sflag:s5] =	ssyncadd.s32 $0xFFFFFF80  }
0x88: {  	_ =	swait.ge [sflag:s5], $0x80  }
0x89: {  	[sflag:s5] =	ssyncset.done $0x0  }
0x8a: {  	[sflag:s5] =	ssyncadd.s32 $0xFFFFFF80  }
0x8b: {  	_ =	swait.ge [sflag:s5], $0x80  }
0x8c: {  	[sflag:s5] =	ssyncset.done $0x0  }
0x8d: {  	[sflag:s5] =	ssyncadd.s32 $0xFFFFFF80  }
0x8e: {  	_ =	swait.ge [sflag:s5], $0x80  }
0x8f: {  	[sflag:s5] =	ssyncset.done $0x0  }
0x90: {  	[sflag:s5] =	ssyncadd.s32 $0xFFFFFF80  }
0x91: {  	_ =	swait.ge [sflag:s5], $0x80  }
0x92: {  	[sflag:s5] =	ssyncset.done $0x0  }
0x93: {  	[sflag:s5] =	ssyncadd.s32 $0xFFFFFF80  }
0x94: {  	_ =	swait.ge [sflag:s5], $0x80  }
0x95: {  	[sflag:s5] =	ssyncset.done $0x0  }
0x96: {  	[sflag:s5] =	ssyncadd.s32 $0xFFFFFF80  }
0x97: {  	_ =	swait.ge [sflag:s5], $0x80  }
0x98: {  	[sflag:s5] =	ssyncset.done $0x0  }
0x99: {  	[sflag:s5] =	ssyncadd.s32 $0xFFFFFF80  }
0x9a: {  	_ =	swait.ge [sflag:s5], $0x80  }
0x9b: {  	[sflag:s5] =	ssyncset.done $0x0  }
0x9c: {  	[sflag:s5] =	ssyncadd.s32 $0xFFFFFF80  }
0x9d: {  	_ =	swait.ge [sflag:s5], $0x80  }
0x9e: {  	[sflag:s5] =	ssyncset.done $0x0  }
0x9f: {  	[sflag:s5] =	ssyncadd.s32 $0xFFFFFF80  }
0xa0: {  	_ =	swait.ge [sflag:s5], $0x80  }
0xa1: {  	v25 =	vand.u32 @p0 $0x7FFFFFFF, v34;
	[sflag:s5] =	ssyncset.done $0x0  }
0xa2: {  	v28 =	vsub.f32 @p0 v28, v33;
	v29 =	vmul.f32 @p0 $5.000000000e-01, v25;
	[sflag:s5] =	ssyncadd.s32 $0xFFFFFF80  }
0xa3: {  	vm5 =	vlt.s32 @p0 v22, v17;
	vm7 =	vlt.s32 @p0 v24, v17;
	vm4 =	vlt.s32 @p0 v23, v17;
	_ =	swait.ge [sflag:s5], $0x80  }
0xa4: {  	v22 =	vand.u32 @p0 $0x7FFFFFFF, v28;
	v28 =	vadd.f32 @p0 $-5.000000000e-01, v25;
	v24 =	vmul.f32 @p0 v29, v25;
	[sflag:s5] =	ssyncset.done $0x0  }
0xa5: {  	vm6 =	vlt.f32 @p0 v25, $1.000000000e+00;
	v23 =	vsub.f32 @p0 v26, v31;
	v25 =	vmul.f32 @p0 $5.000000000e-01, v22;
	[sflag:s5] =	ssyncadd.s32 $0xFFFFFF80  }
0xa6: {  	v26 =	vsub.f32 @p0 v27, v32;
	v27 =	vadd.f32 @p0 $-5.000000000e-01, v22;
	v24 =	vsel @p0 vm6, v24, v28;
	_ =	swait.ge [sflag:s5], $0x80  }
0xa7: {  	v24 =	vnsel @p0 vm5, $0x0, v24;
	vm5 =	vlt.f32 @p0 v22, $1.000000000e+00;
	v22 =	vmul.f32 @p0 v25, v22;
	[sflag:s5] =	ssyncset.done $0x0  }
0xa8: {  	s0 =	sadd.s32 @p0 $0x10, s24;
	[sflag:s5] =	ssyncadd.s32 $0xFFFFFF80  }
0xa9: {  	v22 =	vsel @p0 vm5, v22, v27;
	s8 =	smov.u32 @p0 s0;
	_ =	swait.ge [sflag:s5], $0x80  }
0xaa: {  	v62 =	vor.u32 s8, v4;
	v63 =	vor.u32 s8, v13;
	v34 =	vor.u32 s8, v15;
	[sflag:s5] =	ssyncset.done $0x0  }
0xab: {  	v40 =	vor.u32 s8, v11;
	v42 =	vadd.s32 v19, v62;
	v43 =	vadd.s32 v19, v63;
	[sflag:s5] =	ssyncadd.s32 $0xFFFFFF80  }
0xac: {  	v44 =	vadd.s32 v19, v40;
	v19 =	vadd.s32 v19, v34;
	vm5 =	vlt.s32 v42, $0x1FF;
	v41 =	vld.idx.msk [tilespmem:v4+s20+$0x0], $0xffff  }
0xad: {  	vm6 =	vlt.s32 v19, $0x1FF;
	v28 =	vnsel vm5, $0x1FF, v42;
	vm5 =	vlt.s32 v44, $0x1FF;
	v45 =	vld.idx.msk [tilespmem:v11+s20+$0x0], $0xffff  }
0xae: {  	v28 =	vshll.u32 v28, $0x2;
	v29 =	vnsel vm5, $0x1FF, v44;
	vm5 =	vlt.s32 v43, $0x1FF;
	v46 =	vld.idx.msk [tilespmem:v13+s20+$0x0], $0xffff  }
0xaf: {  	v28 =	vor.u32 v9, v28;
	v27 =	vnsel vm5, $0x1FF, v43;
	v29 =	vshll.u32 v29, $0x2;
	v47 =	vld.idx.msk [tilespmem:v15+s20+$0x0], $0xffff  }
0xb0: {  	v19 =	vnsel vm6, $0x1FF, v19;
	v29 =	vor.u32 v9, v29;
	v27 =	vshll.u32 v27, $0x2  }
0xb1: {  	v19 =	vshll.u32 v19, $0x2;
	v27 =	vor.u32 v9, v27;
	v25 =	vshll.u32 v41, $0x2  }
0xb2: {  	v19 =	vor.u32 v9, v19;
	v31 =	vshll.u32 v45, $0x2;
	v25 =	vor.u32 v5, v25  }
0xb3: {  	v32 =	vshll.u32 v46, $0x2;
	v31 =	vor.u32 v6, v31;
	v25 =	vand.u32 v10, v25  }
0xb4: {  	v28 =	vld.idx.msk [tilespmem:v28+s14+$0x0], $0xffff;
	v36 =	vshll.u32 v47, $0x2;
	v32 =	vor.u32 v7, v32;
	v31 =	vand.u32 v12, v31  }
0xb5: {  	v29 =	vld.idx.msk [tilespmem:v29+s14+$0x0], $0xffff;
	v36 =	vor.u32 v8, v36;
	v32 =	vand.u32 v14, v32  }
0xb6: {  	v23 =	vand.u32 @p0 $0x7FFFFFFF, v23;
	v49 =	vld.idx.msk [tilespmem:v27+s14+$0x0], $0xffff;
	v36 =	vand.u32 v16, v36  }
0xb7: {  	v26 =	vand.u32 @p0 $0x7FFFFFFF, v26;
	v20 =	vadd.f32 @p0 v24, v20;
	v24 =	vmul.f32 @p0 $5.000000000e-01, v23;
	v19 =	vld.idx.msk [tilespmem:v19+s14+$0x0], $0xffff  }
0xb8: {  	v37 =	vmul.f32 @p0 $5.000000000e-01, v26;
	v25 =	vld.idx.msk [tilespmem:v25+s19+$0x0], $0xffff  }
0xb9: {  	v24 =	vmul.f32 @p0 v24, v23;
	vm5 =	vlt.f32 @p0 v23, $1.000000000e+00;
	v23 =	vadd.f32 @p0 $-5.000000000e-01, v23;
	v48 =	vld.idx.msk [tilespmem:v31+s19+$0x0], $0xffff  }
0xba: {  	v38 =	vadd.f32 @p0 $-5.000000000e-01, v26;
	v22 =	vnsel @p0 vm4, $0x0, v22;
	v51 =	vld.idx.msk [tilespmem:v32+s19+$0x0], $0xffff  }
0xbb: {  	v37 =	vmul.f32 @p0 v37, v26;
	v20 =	vadd.f32 @p0 v22, v20;
	v22 =	vsel @p0 vm5, v24, v23;
	v52 =	vld.idx.msk [tilespmem:v36+s19+$0x0], $0xffff  }
0xbc: {  	vm4 =	vlt.f32 @p0 v26, $1.000000000e+00;
	v22 =	vnsel @p0 vm7, $0x0, v22  }
0xbd: {  	v24 =	vsel @p0 vm4, v37, v38;
	vm4 =	vlt.s32 @p0 v21, v17;
	v20 =	vadd.f32 @p0 v22, v20  }
0xbe: {  	vm6 =	vlt.s32 v40, v17;
	v22 =	vnsel @p0 vm4, $0x0, v24;
	v50 =	vsub.f32 v28, v25  }
0xbf: {  	vm5 =	vlt.s32 v63, v17;
	v20 =	vadd.f32 @p0 v22, v20;
	v23 =	vsub.f32 v29, v48  }
0xc0: {  	v24 =	vsub.f32 v49, v51;
	v19 =	vsub.f32 v19, v52;
	v21 =	vand.u32 $0x7FFFFFFF, v50  }
0xc1: {  	vm4 =	vlt.s32 v62, v17;
	v18 =	vpsel p0, v20, v18;
	v53 =	vmul.f32 $5.000000000e-01, v21  }
0xc2: {  	v20 =	vand.u32 $0x7FFFFFFF, v23;
	v24 =	vand.u32 $0x7FFFFFFF, v24;
	v19 =	vand.u32 $0x7FFFFFFF, v19  }
0xc3: {  	v55 =	vadd.f32 $-5.000000000e-01, v21;
	v56 =	vmul.f32 $5.000000000e-01, v20;
	v54 =	vmul.f32 v53, v21  }
0xc4: {  	vm7 =	vlt.f32 v21, $1.000000000e+00;
	v58 =	vadd.f32 $-5.000000000e-01, v20;
	v59 =	vmul.f32 $5.000000000e-01, v24  }
0xc5: {  	v61 =	vadd.f32 $-5.000000000e-01, v24;
	v21 =	vmul.f32 v56, v20;
	v57 =	vsel vm7, v54, v55  }
0xc6: {  	v60 =	vmul.f32 v59, v24;
	v22 =	vnsel vm4, $0x0, v57;
	vm4 =	vlt.f32 v20, $1.000000000e+00  }
0xc7: {  	v20 =	vmul.f32 $5.000000000e-01, v19;
	v18 =	vadd.f32 v22, v18;
	v21 =	vsel vm4, v21, v58  }
0xc8: {  	v62 =	vadd.f32 $-5.000000000e-01, v19;
	vm4 =	vlt.f32 v24, $1.000000000e+00;
	v21 =	vnsel vm6, $0x0, v21  }
0xc9: {  	v20 =	vmul.f32 v20, v19;
	v63 =	vsel vm4, v60, v61;
	v18 =	vadd.f32 v21, v18  }
0xca: {  	vm4 =	vlt.f32 v19, $1.000000000e+00;
	v19 =	vnsel vm5, $0x0, v63  }
0xcb: {  	v20 =	vsel vm4, v20, v62;
	vm4 =	vlt.s32 v34, v17;
	v18 =	vadd.f32 v19, v18  }
0xcc: {  	vm7 =	vmmov vm9;
	v17 =	vnsel vm4, $0x0, v20  }
0xcd: {  	vm6 =	vmmov vm8;
	vm5 =	vmmov vm10;
	v18 =	vadd.f32 v17, v18  }
.LBB2_18:
0xce: {  	_ = 	snop  }
0xcf: {  	s0 =	rddreg [dreg:$0x16];
	s1 =	simm.s32 $0x13100;
	[tilespmem:$0x13100] =	vst v18  }
0xd0: {  	[hbm4b:s0+s3] =	stream.linear.scatter [tilespmem:s1], [sflag:$0x2], $0x80, $0x38;
	[tilespmem:$0x13400] =	vst v63  }
0xd1: {  	_ =	swait.ge [sflag:s15], $0x80  }
0xd2: {  	s10 =	sadd.s32 $0x1, s10;
	s31 =	rddreg [dreg:$0x17]  }
0xd3: {  	p0 =	sne.s32 s10, s31  }
.Ltmp1:
0xd4: {  	_ = 	snop;
	(pc) =	sbr.rel @!p0 .LBB2_19-.Ltmp1, $3  }
0xd5: {  	_ =	sdelay $0x1  }
0xd6: {  	[sflag:s15] =	ssyncset.done $0x0  }
0xd7: {  	[sflag:s15] =	ssyncadd.s32 $0xFFFFFF80  }
.LBB2_1:
.Ltmp2:
0xd8: {  	s0 =	rddreg [dreg:$0x13];
	(pc) =	sbr.rel .LBB2_2-.Ltmp2, $4  }
0xd9: {  	[tilespmem:s14], [sflag:$0x2] =	stream.linear.gather [hbm4b:s0+s3], $0x800, $0x38;
	[tilespmem:$0x13400] =	vst v63  }
0xda: {  	_ =	swait.ge [sflag:s15], $0x800  }
0xdb: {  	[sflag:s15] =	ssyncset.done $0x0  }
0xdc: {  	v17 =	vimm.s32 $0x0;
	s24 =	simm.s32 $0x0;
	s23 =	rddreg [dreg:$0x12];
	[sflag:s15] =	ssyncadd.s32 $0xFFFFF800  }
.LBB2_9:
0xdd: {  	s24 =	sadd.s32 $0x1, s24  }
0xde: {  	p0 =	sne.s32 s24, $0x8  }
.Ltmp3:
0xdf: {  	_ = 	snop;
	(pc) =	sbr.rel @!p0 .LBB2_10-.Ltmp3, $2  }
0xe0: {  	_ =	sdelay $0x2  }
0xe1: {  	s23 =	sadd.s32 $0x2000, s23  }
.LBB2_2:
0xe2: {  	s0 =	sshll.u32 s24, $0xD  }
0xe3: {  	s0 =	sadd.s32 s7, s0  }
0xe4: {  	s0 =	sshrl.u32 s0, $0x3  }
.Ltmp4:
0xe5: {  	s25 =	simm.s32 $0x0;
	s0 =	sadd.s32 s13, s0;
	(pc) =	sbr.rel .LBB2_3-.Ltmp4, $4  }
0xe6: {  	[tilespmem:s25], [sflag:$0x2] =	stream.linear.gather [hbm4b:s0+s25], $0x2000, $0x38;
	[tilespmem:$0x13400] =	vst v63  }
0xe7: {  	_ =	swait.ge [sflag:s15], $0x2000  }
0xe8: {  	[sflag:s15] =	ssyncset.done $0x0  }
0xe9: {  	s26 =	smov.u32 s23;
	s2 =	simm.s32 $0x0;
	[sflag:s15] =	ssyncadd.s32 $0xFFFFE000  }
.LBB2_4:
0xea: {  	vm5 =	vmmov vm10  }
.LBB2_8:
0xeb: {  	s2 =	sadd.s32 $0x1, s2  }
0xec: {  	p0 =	sne.s32 s2, $0x20  }
.Ltmp5:
0xed: {  	_ = 	snop;
	(pc) =	sbr.rel @!p0 .LBB2_9-.Ltmp5, $2  }
0xee: {  	_ =	sdelay $0x2  }
0xef: {  	s26 =	sadd.s32 $0x100, s26  }
.LBB2_3:
0xf0: {  	s0 =	sshll.u32 s2, $0x8  }
0xf1: {  	v18 =	vld [tilespmem:s0+$0x0]  }
0xf2: {  	v19 =	vld [tilespmem:s0+$0x10]  }
0xf3: {  	v20 =	vld [tilespmem:s0+$0x20]  }
0xf4: {  	v21 =	vld [tilespmem:s0+$0x30]  }
0xf5: {  	v22 =	vld [tilespmem:s0+$0x40]  }
0xf6: {  	v23 =	vld [tilespmem:s0+$0x50]  }
0xf7: {  	vm10 =	vmmov vm5;
	vm4 =	veq.s32 v18, $0x1;
	vm5 =	veq.s32 v19, $0x1;
	v18 =	vld [tilespmem:s0+$0x60]  }
0xf8: {  	v47 =	vld [tilespmem:s0+$0x70];
	v19 =	vsel vm4, $0x1, v0;
	v24 =	vsel vm5, $0x1, v0;
	vm4 =	veq.s32 v20, $0x1  }
0xf9: {  	v49 =	vld [tilespmem:s0+$0x80];
	v19 =	vadd.s32 v19, v24;
	v48 =	vsel vm4, $0x1, v0;
	vm4 =	veq.s32 v21, $0x1  }
0xfa: {  	v51 =	vld [tilespmem:s0+$0x90];
	v19 =	vadd.s32 v48, v19;
	v50 =	vsel vm4, $0x1, v0;
	vm4 =	veq.s32 v22, $0x1  }
0xfb: {  	v53 =	vld [tilespmem:s0+$0xA0];
	v19 =	vadd.s32 v50, v19;
	v52 =	vsel vm4, $0x1, v0;
	vm4 =	veq.s32 v23, $0x1  }
0xfc: {  	v19 =	vadd.s32 v52, v19;
	v54 =	vsel vm4, $0x1, v0;
	vm4 =	veq.s32 v18, $0x1;
	v18 =	vld [tilespmem:s0+$0xB0]  }
0xfd: {  	v56 =	vld [tilespmem:s0+$0xC0];
	v19 =	vadd.s32 v54, v19;
	v55 =	vsel vm4, $0x1, v0;
	vm4 =	veq.s32 v47, $0x1  }
0xfe: {  	v58 =	vld [tilespmem:s0+$0xD0];
	v19 =	vadd.s32 v55, v19;
	v57 =	vsel vm4, $0x1, v0;
	vm4 =	veq.s32 v49, $0x1  }
0xff: {  	v60 =	vld [tilespmem:s0+$0xE0];
	v19 =	vadd.s32 v57, v19;
	v59 =	vsel vm4, $0x1, v0;
	vm4 =	veq.s32 v51, $0x1  }
0x100: {  	v62 =	vld [tilespmem:s0+$0xF0];
	v19 =	vadd.s32 v59, v19;
	v61 =	vsel vm4, $0x1, v0;
	vm4 =	veq.s32 v53, $0x1  }
0x101: {  	v19 =	vadd.s32 v61, v19;
	v63 =	vsel vm4, $0x1, v0;
	vm4 =	veq.s32 v18, $0x1  }
0x102: {  	v18 =	vadd.s32 v63, v19;
	v19 =	vsel vm4, $0x1, v0;
	vm4 =	veq.s32 v56, $0x1  }
0x103: {  	v18 =	vadd.s32 v19, v18;
	v19 =	vsel vm4, $0x1, v0;
	vm4 =	veq.s32 v58, $0x1  }
0x104: {  	v18 =	vadd.s32 v19, v18;
	v19 =	vsel vm4, $0x1, v0;
	vm4 =	veq.s32 v60, $0x1  }
0x105: {  	v18 =	vadd.s32 v19, v18;
	v19 =	vsel vm4, $0x1, v0;
	vm4 =	veq.s32 v62, $0x1  }
0x106: {  	v18 =	vadd.s32 v19, v18;
	v19 =	vsel vm4, $0x1, v0  }
0x107: {  	v18 =	vadd.s32 v19, v18  }
0x108: {  	(xrf0) =	vadd.scan.msk.s32 $0xffff, v18;
	_ =	sdelay $0x5  }
0x109: {  	v18, _, _ =	vpop (xrf0)  }
0x10a: {  	(v2sf) =	vpush v18, $0xF;
	_ =	sdelay $0xe  }
0x10b: {  	s6 =	spop (v2sf)  }
0x10c: {  	p0 =	slt.s32 s6, $0x1  }
.Ltmp6:
0x10d: {  	_ = 	snop;
	(pc) =	sbr.rel @p0 .LBB2_4-.Ltmp6, $1  }
0x10e: {  	_ =	sdelay $0x3  }
0x10f: {  	s6 =	sand.u32 $0x80, s25  }
0x110: {  	s8 =	sand.u32 $0x70, s25;
	s6 =	sadd.s32 s6, s0  }
0x111: {  	s6 =	sadd.s32 s8, s6  }
0x112: {  	v18 =	vld [tilespmem:s6+$0x0];
	_ =	sdelay $0x4  }
0x113: {  	vm4 =	veq.s32 v18, $0x1  }
0x114: {  	v18 =	vsel vm4, $0x1, v0  }
0x115: {  	(xrf0) =	vadd.scan.msk.s32 $0xffff, v18;
	_ =	sdelay $0x4  }
0x116: {  	v18 =	vmpcnt.ones.xlane vm4  }
0x117: {  	v19, _, _ =	vpop (xrf0)  }
0x118: {  	v18 =	vadd.s32 v17, v18;
	v17 =	vadd.s32 v19, v17  }
0x119: {  	v19 =	vadd.s32 $0xFFFFFFFF, v17;
	_ =	sdelay $0x1  }
0x11a: {  	s6 =	simm.s32 $0x10  }
0x11b: {  	s17 =	sadd.s32 $0x0, s26;
	s8 =	simm.s32 $0x20;
	s9 =	sand.u32 $0x80, s6;
	v17 =	vmov v18  }
.LBB2_6:
0x11c: {  	p0 =	sne.s32 s8, $0xF0;
	s21 =	sand.u32 $0x70, s6;
	s9 =	sadd.s32 s9, s0;
	v20 =	vor.u32 s17, v1  }
0x11d: {  	s17 =	smov.u32 s6;
	s6 =	smov.u32 s8;
	s9 =	sadd.s32 s21, s9;
	[tilespmem:v19+s16+$0x0] =	vst.idx.msk vm4, v20  }
0x11e: {  	v19 =	vld [tilespmem:s9+$0x0];
	_ =	sdelay $0x4  }
0x11f: {  	vm4 =	veq.s32 v19, $0x1  }
0x120: {  	v19 =	vsel vm4, $0x1, v0;
	v20 =	vmpcnt.ones.xlane vm4  }
0x121: {  	(xrf0) =	vadd.scan.msk.s32 $0xffff, v19  }
0x122: {  	v18 =	vadd.s32 v18, v20;
	_ =	sdelay $0x4  }
0x123: {  	v19, _, _ =	vpop (xrf0)  }
.Ltmp7:
0x124: {  	v19 =	vadd.s32 v19, v17;
	v17 =	vmov v18;
	(pc) =	sbr.rel @p0 .LBB2_6-.Ltmp7, $2  }
0x125: {  	v19 =	vadd.s32 $0xFFFFFFFF, v19;
	_ =	sdelay $0x2  }
0x126: {  	s8 =	sadd.s32 $0x10, s8;
	s17 =	sadd.s32 s17, s26;
	s9 =	sand.u32 $0x80, s6  }
0x127: {  	_ =	sdelay $0x3  }
0x128: {  	s8 =	sand.u32 $0x70, s6;
	s0 =	sadd.s32 s9, s0;
	v20 =	vor.u32 s17, v1  }
0x129: {  	s0 =	sadd.s32 s8, s0;
	[tilespmem:v19+s16+$0x0] =	vst.idx.msk vm4, v20  }
0x12a: {  	v19 =	vld [tilespmem:s0+$0x0];
	_ =	sdelay $0x4  }
0x12b: {  	vm4 =	veq.s32 v19, $0x1  }
0x12c: {  	v19 =	vsel vm4, $0x1, v0  }
0x12d: {  	(xrf0) =	vadd.scan.msk.s32 $0xffff, v19;
	_ =	sdelay $0x5  }
0x12e: {  	v19, _, _ =	vpop (xrf0)  }
0x12f: {  	v17 =	vadd.s32 v19, v17  }
0x130: {  	v19 =	vadd.s32 $0xFFFFFFFF, v17  }
.Ltmp8:
0x131: {  	_ = 	snop;
	(pc) =	sbr.rel .LBB2_8-.Ltmp8, $4  }
0x132: {  	_ = 	snop  }
0x133: {  	s31 =	sadd.s32 s6, s26;
	v17 =	vmpcnt.ones.xlane vm4  }
0x134: {  	v63 =	vor.u32 s31, v1  }
0x135: {  	vm5 =	vmmov vm10;
	v17 =	vadd.s32 v18, v17;
	[tilespmem:v19+s16+$0x0] =	vst.idx.msk vm4, v63  }
.LBB2_10:
0x136: {  	v18 =	vadd.s32 v1, v17;
	_ =	sdelay $0x3  }
0x137: {  	s2 =	simm.s32 $0x2000  }
0x138: {  	[tilespmem:v18+s2+$0x0] =	vst.idx.msk $0xffff, v0  }
0x139: {  	s8 =	simm.s32 $0x0;
	s0 =	rddreg [dreg:$0x14];
	s1 =	simm.s32 $0x13180;
	[tilespmem:$0x13180] =	vst v17  }
0x13a: {  	[hbm4b:s0+s8] =	stream.linear.scatter [tilespmem:s1], [sflag:$0x2], $0x80, $0x38;
	[tilespmem:$0x13400] =	vst v63  }
0x13b: {  	_ =	swait.ge [sflag:s15], $0x80  }
0x13c: {  	[sflag:s15] =	ssyncset.done $0x0  }
0x13d: {  	[sflag:s15] =	ssyncadd.s32 $0xFFFFFF80  }
0x13e: {  	[bflag:$0x0] =	sbarrier.arrive $0xFFFF  }
0x13f: {  	s29 =	simm.s32 $0x13200;
	s28 =	rddreg [dreg:$0x15]  }
0x140: {  	[tilespmem:s29], [sflag:$0x2] =	stream.linear.gather [hbm4b:s28+s8], $0x200, $0x38;
	[tilespmem:$0x13400] =	vst v63  }
0x141: {  	v18 =	vnsel vm3, $0x0, v17;
	_ =	swait.ge [sflag:s15], $0x200  }
0x142: {  	(xrf0) =	vadd.scan.msk.s32 $0xffff, v18;
	_ =	sdelay $0x5  }
0x143: {  	v18, _, _ =	vpop (xrf0)  }
0x144: {  	(v2sf) =	vpush v18, $0xF;
	_ =	sdelay $0xe  }
0x145: {  	s30 =	spop (v2sf)  }
0x146: {  	s0 =	sadd.s32 $0xF, s30  }
0x147: {  	s6 =	sand.u32 $0xF, s0  }
0x148: {  	s31 =	sshra.s32 s0, $0x1F;
	p1 =	slt.s32 s0, $0x1;
	p0 =	sne.s32 s6, $0x0  }
0x149: {  	s6 =	sshrl.u32 s31, $0x1C;
	p0 =	por !p1, !p0  }
0x14a: {  	s0 =	sadd.s32 s6, s0;
	s6 =	simm.s32 $0x1;
	p0 =	por !p0, !p0  }
0x14b: {  	s0 =	sshra.s32 s0, $0x4;
	s6 =	simm.s32 @!p0 $0x0  }
0x14c: {  	s0 =	ssub.s32 s0, s6  }
0x14d: {  	p0 =	slt.s32 s0, $0x1  }
.Ltmp9:
0x14e: {  	[sflag:s15] =	ssyncset.done $0x0;
	(pc) =	sbr.rel @p0 .LBB2_18-.Ltmp9, $4  }
0x14f: {  	[sflag:s15] =	ssyncadd.s32 $0xFFFFFE00  }
0x150: {  	v21 =	vld.idx.msk [tilespmem:v1+s29+$0x0], $0xffff  }
0x151: {  	v20 =	vld.idx.msk [tilespmem:v2+s29+$0x0], $0xffff  }
0x152: {  	v19 =	vld.idx.msk [tilespmem:v3+s29+$0x0], $0xffff;
	v18 =	vimm.f32 $0.0e+00  }
0x153: {  	v25 =	vld [tilespmem:s2+$0x0];
	_ =	sdelay $0x4  }
0x154: {  	v22 =	vsel vm11, $0x0, v25  }
0x155: {  	v23 =	vnsel vm3, $0x0, v25;
	(xrf0) =	vadd.scan.msk.s32 $0xffff, v22  }
0x156: {  	(xrf0) =	vadd.scan.msk.s32 $0xffff, v23  }
0x157: {  	v48 =	vsel vm6, $0x0, v25  }
0x158: {  	v49 =	vsel vm7, $0x0, v25;
	(xrf0) =	vadd.scan.msk.s32 $0xffff, v48  }
0x159: {  	vm4 =	vcmask $0x171C;
	v55 =	vld [tilespmem:$0x1FFF0];
	v50 =	vsel vm5, $0x0, v25;
	(xrf0) =	vadd.scan.msk.s32 $0xffff, v49  }
0x15a: {  	v57 =	vld [tilespmem:$0x1FFE0];
	v51 =	vsel vm4, $0x0, v25;
	vm4 =	vcmask $0x1318;
	(xrf0) =	vadd.scan.msk.s32 $0xffff, v50  }
0x15b: {  	v61 =	vld [tilespmem:$0x1FFD0];
	v52 =	vsel vm4, $0x0, v25;
	vm4 =	vcmask $0x1B20;
	(xrf0) =	vadd.scan.msk.s32 $0xffff, v51;
	v24, _, _ =	vpop (xrf0)  }
0x15c: {  	v53 =	vsel vm4, $0x0, v25;
	vm4 =	vcmask $0x1F24;
	(xrf0) =	vadd.scan.msk.s32 $0xffff, v52;
	v26, _, _ =	vpop (xrf0);
	(v2sf) =	vpush v24, $0xF  }
0x15d: {  	v56 =	vsel vm12, $0x0, v25;
	v54 =	vsel vm4, $0x0, v25;
	(xrf0) =	vadd.scan.msk.s32 $0xffff, v53;
	(v2sf) =	vpush v26, $0xF  }
0x15e: {  	p1 =	sne.s32 s0, $0x1;
	v58 =	vsel vm13, $0x0, v25;
	v59 =	vsel vm14, $0x0, v25;
	vm4 =	vnez.u8 v55;
	v24, _, _ =	vpop (xrf0);
	(xrf0) =	vadd.scan.msk.s32 $0xffff, v54  }
.Ltmp10:
0x15f: {  	v21 =	vsel vm4, $0x0, v21;
	vm4 =	vnez.u8 v57;
	v26, _, _ =	vpop (xrf0);
	(xrf0) =	vadd.scan.msk.s32 $0xffff, v56;
	(v2sf) =	vpush v24, $0xF;
	(pc) =	sbr.rel @!p1 .LBB2_12-.Ltmp10, $4  }
0x160: {  	v62 =	vsel vm15, $0x0, v25;
	v20 =	vnsel vm4, $0x0, v20;
	vm4 =	vnez.u8 v61;
	v60, _, _ =	vpop (xrf0);
	(xrf0) =	vadd.scan.msk.s32 $0xffff, v58  }
0x161: {  	v20 =	vadd.s32 v21, v20;
	v19 =	vnsel vm4, $0x0, v19;
	(v2sf) =	vpush v26, $0xF;
	v36, _, _ =	vpop (xrf0);
	(xrf0) =	vadd.scan.msk.s32 $0xffff, v59  }
0x162: {  	v19 =	vadd.s32 v19, v20;
	v20 =	vsel vm0, $0x0, v25;
	(v2sf) =	vpush v60, $0xF;
	v63, _, _ =	vpop (xrf0);
	(xrf0) =	vadd.scan.msk.s32 $0xffff, v62  }
0x163: {  	s24 =	sadd.s32 $0xFFFFFFFF, s0;
	s26 =	rddreg [dreg:$0xe];
	p0 =	por $0x0, $0x0;
	v30 =	vsel vm1, $0x0, v25;
	v29 =	vsel vm2, $0x0, v25;
	(v2sf) =	vpush v63, $0xF;
	v35, _, _ =	vpop (xrf0);
	(xrf0) =	vadd.scan.msk.s32 $0xffff, v20  }
0x164: {  	_ =	sdelay $0x6  }
0x165: {  	s0 =	spop (v2sf)  }
0x166: {  	s2 =	spop (v2sf)  }
0x167: {  	s2 =	sshll.u32 s2, $0x2  }
0x168: {  	v20, _, _ =	vpop (xrf0);
	(v2sf) =	vpush v36, $0xF;
	s2 =	sand.u32 $0xFFFFFF80, s2;
	s6 =	spop (v2sf)  }
0x169: {  	(v2sf) =	vpush v20, $0xF;
	s2 =	sadd.s32 s11, s2;
	s6 =	sshll.u32 s6, $0x2  }
0x16a: {  	s2 =	sshrl.u32 s2, $0x3;
	s6 =	sand.u32 $0xFFFFFF80, s6  }
0x16b: {  	[tilespmem:$0x13080] =	vst v25;
	(v2sf) =	vpush v35, $0xF;
	s12 =	spop (v2sf);
	s2 =	sadd.s32 s4, s2;
	s6 =	sadd.s32 s11, s6  }
0x16c: {  	[tilespmem:s19], [sflag:$0x1] =	stream.linear.gather [hbm4b:s2+s3], $0x80, $0x38;
	[tilespmem:$0x13400] =	vst v63  }
0x16d: {  	[dreg:$0x18] =	wrdreg s10;
	s6 =	sshrl.u32 s6, $0x3;
	s2 =	sshll.u32 s12, $0x2  }
0x16e: {  	s10 =	rddreg [dreg:$0x3];
	s6 =	sadd.s32 s4, s6;
	s2 =	sand.u32 $0xFFFFFF80, s2  }
0x16f: {  	[tilespmem:s10], [sflag:$0x1] =	stream.linear.gather [hbm4b:s6+s3], $0x80, $0x38;
	[tilespmem:$0x13400] =	vst v63  }
0x170: {  	s13 =	rddreg [dreg:$0x4];
	s2 =	sadd.s32 s11, s2  }
0x171: {  	s18 =	rddreg [dreg:$0x5];
	s0 =	sshll.u32 s0, $0x2;
	s2 =	sshrl.u32 s2, $0x3  }
0x172: {  	s0 =	sand.u32 $0xFFFFFF80, s0;
	s17 =	spop (v2sf);
	s2 =	sadd.s32 s4, s2  }
0x173: {  	[tilespmem:s13], [sflag:$0x1] =	stream.linear.gather [hbm4b:s2+s3], $0x80, $0x38;
	[tilespmem:$0x13400] =	vst v63  }
0x174: {  	s21 =	rddreg [dreg:$0x6];
	s0 =	sadd.s32 s11, s0;
	s2 =	sshll.u32 s17, $0x2  }
0x175: {  	s23 =	rddreg [dreg:$0x7];
	s0 =	sshrl.u32 s0, $0x3;
	s2 =	sand.u32 $0xFFFFFF80, s2  }
0x176: {  	s0 =	sadd.s32 s4, s0;
	s22 =	spop (v2sf);
	s2 =	sadd.s32 s11, s2  }
0x177: {  	v20, _, _ =	vpop (xrf0);
	s6 =	sshll.u32 s22, $0x2;
	s2 =	sshrl.u32 s2, $0x3;
	s25 =	spop (v2sf)  }
0x178: {  	(v2sf) =	vpush v20, $0xF;
	s6 =	sand.u32 $0xFFFFFF80, s6;
	s2 =	sadd.s32 s4, s2;
	s30 =	spop (v2sf)  }
0x179: {  	[tilespmem:s18], [sflag:$0x1] =	stream.linear.gather [hbm4b:s2+s3], $0x80, $0x38;
	[tilespmem:$0x13400] =	vst v63  }
0x17a: {  	s6 =	sadd.s32 s11, s6;
	s2 =	sshll.u32 s25, $0x2;
	s31 =	spop (v2sf)  }
0x17b: {  	[tilespmem:s21], [sflag:$0x1] =	stream.linear.gather [hbm4b:s0+s3], $0x80, $0x38;
	[tilespmem:$0x13400] =	vst v63  }
0x17c: {  	s6 =	sshrl.u32 s6, $0x3;
	s2 =	sand.u32 $0xFFFFFF80, s2;
	s0 =	sshll.u32 s31, $0x2  }
0x17d: {  	v20, _, _ =	vpop (xrf0);
	s6 =	sadd.s32 s4, s6;
	s2 =	sadd.s32 s11, s2;
	s0 =	sand.u32 $0xFFFFFF80, s0  }
0x17e: {  	(v2sf) =	vpush v20, $0xF;
	[tilespmem:s23], [sflag:$0x1] =	stream.linear.gather [hbm4b:s6+s3], $0x80, $0x38;
	[tilespmem:$0x13400] =	vst v63  }
0x17f: {  	s2 =	sshrl.u32 s2, $0x3;
	s0 =	sadd.s32 s11, s0  }
0x180: {  	s29 =	rddreg [dreg:$0x8];
	s2 =	sadd.s32 s4, s2;
	s0 =	sshrl.u32 s0, $0x3  }
0x181: {  	[tilespmem:s29], [sflag:$0x1] =	stream.linear.gather [hbm4b:s2+s3], $0x80, $0x38;
	[tilespmem:$0x13400] =	vst v63  }
0x182: {  	s1 =	rddreg [dreg:$0x9];
	v20, _, _ =	vpop (xrf0);
	s0 =	sadd.s32 s4, s0;
	s2 =	sshll.u32 s30, $0x2  }
0x183: {  	(v2sf) =	vpush v20, $0xF;
	[tilespmem:s1], [sflag:$0x1] =	stream.linear.gather [hbm4b:s0+s3], $0x80, $0x38;
	[tilespmem:$0x13400] =	vst v63  }
0x184: {  	s0 =	sand.u32 $0xFFFFFF80, s2  }
0x185: {  	s0 =	sadd.s32 s11, s0  }
0x186: {  	s0 =	sshrl.u32 s0, $0x3  }
0x187: {  	(xrf0) =	vadd.scan.msk.s32 $0xffff, v30;
	s9 =	spop (v2sf);
	s6 =	rddreg [dreg:$0xa];
	s0 =	sadd.s32 s4, s0  }
0x188: {  	[tilespmem:s6], [sflag:$0x1] =	stream.linear.gather [hbm4b:s0+s3], $0x80, $0x38;
	[tilespmem:$0x13400] =	vst v63  }
0x189: {  	v20, _, _ =	vpop (xrf0);
	s0 =	sshll.u32 s9, $0x2  }
0x18a: {  	(v2sf) =	vpush v20, $0xF;
	s0 =	sand.u32 $0xFFFFFF80, s0  }
0x18b: {  	(xrf0) =	vadd.scan.msk.s32 $0xffff, v29;
	s0 =	sadd.s32 s11, s0  }
0x18c: {  	v20, _, _ =	vpop (xrf0);
	s0 =	sshrl.u32 s0, $0x3  }
0x18d: {  	s10 =	rddreg [dreg:$0xb];
	(v2sf) =	vpush v20, $0xF;
	s12 =	spop (v2sf);
	s0 =	sadd.s32 s4, s0  }
0x18e: {  	v20, _, _ =	vpop (xrf0);
	[tilespmem:s10], [sflag:$0x1] =	stream.linear.gather [hbm4b:s0+s3], $0x80, $0x38;
	[tilespmem:$0x13400] =	vst v63  }
0x18f: {  	(v2sf) =	vpush v20, $0xF;
	s0 =	sshll.u32 s12, $0x2  }
0x190: {  	s0 =	sand.u32 $0xFFFFFF80, s0  }
0x191: {  	v20, _, _ =	vpop (xrf0);
	s0 =	sadd.s32 s11, s0  }
0x192: {  	s17 =	spop (v2sf);
	(v2sf) =	vpush v20, $0xF;
	s0 =	sshrl.u32 s0, $0x3  }
0x193: {  	s13 =	rddreg [dreg:$0xc];
	s0 =	sadd.s32 s4, s0  }
0x194: {  	[tilespmem:s13], [sflag:$0x1] =	stream.linear.gather [hbm4b:s0+s3], $0x80, $0x38;
	[tilespmem:$0x13400] =	vst v63  }
0x195: {  	s0 =	sshll.u32 s17, $0x2  }
0x196: {  	s0 =	sand.u32 $0xFFFFFF80, s0  }
0x197: {  	s0 =	sadd.s32 s11, s0  }
0x198: {  	s0 =	sshrl.u32 s0, $0x3  }
0x199: {  	s18 =	rddreg [dreg:$0xd];
	s21 =	spop (v2sf);
	s0 =	sadd.s32 s4, s0  }
0x19a: {  	[tilespmem:s18], [sflag:$0x1] =	stream.linear.gather [hbm4b:s0+s3], $0x80, $0x38;
	[tilespmem:$0x13400] =	vst v63  }
0x19b: {  	s0 =	sshll.u32 s21, $0x2  }
0x19c: {  	s22 =	spop (v2sf);
	s0 =	sand.u32 $0xFFFFFF80, s0  }
0x19d: {  	s2 =	sshll.u32 s22, $0x2;
	s0 =	sadd.s32 s11, s0  }
0x19e: {  	s2 =	sand.u32 $0xFFFFFF80, s2;
	s25 =	spop (v2sf);
	s0 =	sshrl.u32 s0, $0x3  }
0x19f: {  	s23 =	sadd.s32 s11, s2;
	s2 =	sshll.u32 s25, $0x2;
	s0 =	sadd.s32 s4, s0  }
0x1a0: {  	[tilespmem:s26], [sflag:$0x1] =	stream.linear.gather [hbm4b:s0+s3], $0x80, $0x38;
	[tilespmem:$0x13400] =	vst v63  }
0x1a1: {  	s2 =	sand.u32 $0xFFFFFF80, s2;
	s29 =	spop (v2sf);
	s0 =	sshrl.u32 s23, $0x3  }
0x1a2: {  	s26 =	rddreg [dreg:$0xf];
	s2 =	sadd.s32 s11, s2;
	s0 =	sadd.s32 s4, s0  }
0x1a3: {  	[tilespmem:s26], [sflag:$0x1] =	stream.linear.gather [hbm4b:s0+s3], $0x80, $0x38;
	[tilespmem:$0x13400] =	vst v63  }
0x1a4: {  	s2 =	sshrl.u32 s2, $0x3;
	s0 =	sshll.u32 s29, $0x2  }
0x1a5: {  	s30 =	rddreg [dreg:$0x10];
	s2 =	sadd.s32 s4, s2;
	s0 =	sand.u32 $0xFFFFFF80, s0  }
0x1a6: {  	[tilespmem:s30], [sflag:$0x1] =	stream.linear.gather [hbm4b:s2+s3], $0x80, $0x38;
	[tilespmem:$0x13400] =	vst v63  }
0x1a7: {  	s0 =	sadd.s32 s11, s0  }
0x1a8: {  	s0 =	sshrl.u32 s0, $0x3  }
0x1a9: {  	s31 =	rddreg [dreg:$0x11];
	s0 =	sadd.s32 s4, s0  }
0x1aa: {  	[tilespmem:s31], [sflag:$0x1] =	stream.linear.gather [hbm4b:s0+s3], $0x80, $0x38;
	[tilespmem:$0x13400] =	vst v63  }
0x1ab: {  	_ =	swait.ge [sflag:s5], $0x80  }
0x1ac: {  	[sflag:s5] =	ssyncset.done $0x0  }
0x1ad: {  	[sflag:s5] =	ssyncadd.s32 $0xFFFFFF80  }
0x1ae: {  	_ =	swait.ge [sflag:s5], $0x80  }
0x1af: {  	[sflag:s5] =	ssyncset.done $0x0  }
0x1b0: {  	[sflag:s5] =	ssyncadd.s32 $0xFFFFFF80  }
0x1b1: {  	_ =	swait.ge [sflag:s5], $0x80  }
0x1b2: {  	[sflag:s5] =	ssyncset.done $0x0  }
0x1b3: {  	[sflag:s5] =	ssyncadd.s32 $0xFFFFFF80  }
0x1b4: {  	_ =	swait.ge [sflag:s5], $0x80  }
0x1b5: {  	[sflag:s5] =	ssyncset.done $0x0  }
0x1b6: {  	[sflag:s5] =	ssyncadd.s32 $0xFFFFFF80  }
0x1b7: {  	_ =	swait.ge [sflag:s5], $0x80  }
0x1b8: {  	[sflag:s5] =	ssyncset.done $0x0  }
0x1b9: {  	[sflag:s5] =	ssyncadd.s32 $0xFFFFFF80  }
0x1ba: {  	_ =	swait.ge [sflag:s5], $0x80  }
0x1bb: {  	[sflag:s5] =	ssyncset.done $0x0  }
0x1bc: {  	[sflag:s5] =	ssyncadd.s32 $0xFFFFFF80  }
0x1bd: {  	_ =	swait.ge [sflag:s5], $0x80  }
0x1be: {  	[sflag:s5] =	ssyncset.done $0x0  }
0x1bf: {  	[sflag:s5] =	ssyncadd.s32 $0xFFFFFF80  }
0x1c0: {  	_ =	swait.ge [sflag:s5], $0x80  }
0x1c1: {  	[sflag:s5] =	ssyncset.done $0x0  }
0x1c2: {  	[sflag:s5] =	ssyncadd.s32 $0xFFFFFF80  }
0x1c3: {  	_ =	swait.ge [sflag:s5], $0x80  }
0x1c4: {  	[sflag:s5] =	ssyncset.done $0x0  }
0x1c5: {  	[sflag:s5] =	ssyncadd.s32 $0xFFFFFF80  }
0x1c6: {  	_ =	swait.ge [sflag:s5], $0x80  }
0x1c7: {  	[sflag:s5] =	ssyncset.done $0x0  }
0x1c8: {  	[sflag:s5] =	ssyncadd.s32 $0xFFFFFF80  }
0x1c9: {  	_ =	swait.ge [sflag:s5], $0x80  }
0x1ca: {  	[sflag:s5] =	ssyncset.done $0x0  }
0x1cb: {  	[sflag:s5] =	ssyncadd.s32 $0xFFFFFF80  }
0x1cc: {  	_ =	swait.ge [sflag:s5], $0x80  }
0x1cd: {  	[sflag:s5] =	ssyncset.done $0x0  }
0x1ce: {  	[sflag:s5] =	ssyncadd.s32 $0xFFFFFF80  }
0x1cf: {  	_ =	swait.ge [sflag:s5], $0x80  }
0x1d0: {  	[sflag:s5] =	ssyncset.done $0x0  }
0x1d1: {  	[sflag:s5] =	ssyncadd.s32 $0xFFFFFF80  }
0x1d2: {  	_ =	swait.ge [sflag:s5], $0x80  }
0x1d3: {  	[sflag:s5] =	ssyncset.done $0x0  }
0x1d4: {  	[sflag:s5] =	ssyncadd.s32 $0xFFFFFF80  }
0x1d5: {  	_ =	swait.ge [sflag:s5], $0x80  }
0x1d6: {  	[sflag:s5] =	ssyncset.done $0x0  }
0x1d7: {  	[sflag:s5] =	ssyncadd.s32 $0xFFFFFF80  }
0x1d8: {  	_ =	swait.ge [sflag:s5], $0x80  }
0x1d9: {  	v22 =	vor.u32 s8, v4;
	v21 =	vor.u32 s8, v15;
	[sflag:s5] =	ssyncset.done $0x0  }
0x1da: {  	v24 =	vor.u32 s8, v13;
	v23 =	vor.u32 s8, v11;
	v28 =	vadd.s32 v19, v21;
	s25 =	simm.s32 $0x2010;
	[sflag:s5] =	ssyncadd.s32 $0xFFFFFF80  }
0x1db: {  	v26 =	vadd.s32 v19, v24;
	vm5 =	vlt.s32 v28, $0x1FF;
	v20 =	vadd.s32 v19, v22;
	v25 =	vld [tilespmem:s25+$0x0]  }
0x1dc: {  	v27 =	vadd.s32 v19, v23;
	v28 =	vnsel vm5, $0x1FF, v28;
	vm4 =	vlt.s32 v20, $0x1FF  }
0x1dd: {  	v28 =	vshll.u32 v28, $0x2;
	v20 =	vnsel vm4, $0x1FF, v20;
	vm4 =	vlt.s32 v27, $0x1FF;
	v29 =	vld.idx.msk [tilespmem:v4+s20+$0x0], $0xffff  }
0x1de: {  	v27 =	vnsel vm4, $0x1FF, v27;
	vm4 =	vlt.s32 v26, $0x1FF;
	v20 =	vshll.u32 v20, $0x2;
	v30 =	vld.idx.msk [tilespmem:v11+s20+$0x0], $0xffff  }
0x1df: {  	v53 =	vor.u32 v9, v28;
	v26 =	vnsel vm4, $0x1FF, v26;
	v20 =	vor.u32 v9, v20  }
0x1e0: {  	v27 =	vshll.u32 v27, $0x2;
	vm4 =	vcmask $0x171C;
	v31 =	vsel vm11, $0x0, v25  }
0x1e1: {  	v27 =	vor.u32 v9, v27;
	v26 =	vshll.u32 v26, $0x2;
	v32 =	vld.idx.msk [tilespmem:v13+s20+$0x0], $0xffff;
	v33 =	vnsel vm3, $0x0, v25;
	(xrf0) =	vadd.scan.msk.s32 $0xffff, v31  }
0x1e2: {  	v26 =	vor.u32 v9, v26;
	v29 =	vshll.u32 v29, $0x2;
	v34 =	vsel vm6, $0x0, v25;
	v31 =	vld.idx.msk [tilespmem:v15+s20+$0x0], $0xffff;
	(xrf0) =	vadd.scan.msk.s32 $0xffff, v33  }
0x1e3: {  	v51 =	vsel vm7, $0x0, v25;
	v30 =	vshll.u32 v30, $0x2;
	v29 =	vor.u32 v5, v29  }
0x1e4: {  	v28 =	vor.u32 v6, v30;
	v30 =	vsel vm4, $0x0, v25;
	vm4 =	vcmask $0x1318;
	(xrf0) =	vadd.scan.msk.s32 $0xffff, v34  }
0x1e5: {  	v52 =	vsel vm10, $0x0, v25;
	v29 =	vand.u32 v10, v29;
	v54 =	vsel vm4, $0x0, v25;
	(xrf0) =	vadd.scan.msk.s32 $0xffff, v51  }
0x1e6: {  	v55 =	vand.u32 v12, v28;
	v28 =	vshll.u32 v32, $0x2;
	vm4 =	vcmask $0x1B20;
	(xrf0) =	vadd.scan.msk.s32 $0xffff, v52  }
0x1e7: {  	v57 =	vor.u32 v7, v28;
	(xrf0) =	vadd.scan.msk.s32 $0xffff, v30;
	v30 =	vshll.u32 v31, $0x2;
	v31 =	vsel vm4, $0x0, v25;
	v56, _, _ =	vpop (xrf0)  }
0x1e8: {  	v28 =	vld.idx.msk [tilespmem:v27+s14+$0x0], $0xffff;
	vm4 =	vcmask $0x1F24;
	(xrf0) =	vadd.scan.msk.s32 $0xffff, v54;
	v27 =	vor.u32 v8, v30;
	v58, _, _ =	vpop (xrf0);
	(v2sf) =	vpush v56, $0xF  }
0x1e9: {  	v20 =	vld.idx.msk [tilespmem:v20+s14+$0x0], $0xffff;
	v30 =	vsel vm4, $0x0, v25;
	(xrf0) =	vadd.scan.msk.s32 $0xffff, v31;
	v31 =	vand.u32 v14, v57;
	(v2sf) =	vpush v58, $0xF  }
0x1ea: {  	p1 =	sne.s32 s24, $0x1;
	v59 =	vsel vm12, $0x0, v25;
	v37 =	vld.idx.msk [tilespmem:v29+s19+$0x0], $0xffff;
	v60 =	vand.u32 v16, v27;
	v29, _, _ =	vpop (xrf0);
	(xrf0) =	vadd.scan.msk.s32 $0xffff, v30  }
.Ltmp11:
0x1eb: {  	v26 =	vld.idx.msk [tilespmem:v26+s14+$0x0], $0xffff;
	v30 =	vsel vm13, $0x0, v25;
	v61, _, _ =	vpop (xrf0);
	(xrf0) =	vadd.scan.msk.s32 $0xffff, v59;
	(v2sf) =	vpush v29, $0xF;
	(pc) =	sbr.rel @!p1 .LBB2_14-.Ltmp11, $4  }
0x1ec: {  	v62 =	vsel vm14, $0x0, v25;
	v33 =	vld.idx.msk [tilespmem:v55+s19+$0x0], $0xffff;
	v38, _, _ =	vpop (xrf0);
	(xrf0) =	vadd.scan.msk.s32 $0xffff, v30  }
0x1ed: {  	v39 =	vsel vm15, $0x0, v25;
	v40 =	vsel vm0, $0x0, v25;
	v27 =	vld.idx.msk [tilespmem:v53+s14+$0x0], $0xffff;
	(v2sf) =	vpush v61, $0xF;
	v36, _, _ =	vpop (xrf0);
	(xrf0) =	vadd.scan.msk.s32 $0xffff, v62  }
0x1ee: {  	s28 =	sadd.s32 $0xFFFFFFFF, s24;
	v29 =	vsel vm2, $0x0, v25;
	v30 =	vsel vm1, $0x0, v25;
	(v2sf) =	vpush v38, $0xF;
	v63, _, _ =	vpop (xrf0);
	(xrf0) =	vadd.scan.msk.s32 $0xffff, v39;
	v31 =	vld.idx.msk [tilespmem:v31+s19+$0x0], $0xffff  }
0x1ef: {  	p0 =	por $0x1, $0x1;
	s24 =	simm.s32 $0x0;
	s26 =	rddreg [dreg:$0xe];
	v34 =	vsub.f32 v20, v37;
	v20 =	vimm.f32 $0.0e+00;
	v32 =	vld.idx.msk [tilespmem:v60+s19+$0x0], $0xffff;
	(v2sf) =	vpush v63, $0xF;
	v35, _, _ =	vpop (xrf0);
	(xrf0) =	vadd.scan.msk.s32 $0xffff, v40  }
.LBB2_15:
0x1f0: {  	_ =	sdelay $0x2  }
0x1f1: {  	(v2sf) =	vpush v36, $0xF;
	_ =	sdelay $0x3  }
0x1f2: {  	s21 =	rddreg [dreg:$0x7]  }
0x1f3: {  	s6 =	rddreg [dreg:$0x6];
	s10 =	spop (v2sf)  }
0x1f4: {  	s9 =	rddreg [dreg:$0x3];
	s12 =	spop (v2sf)  }
0x1f5: {  	s10 =	sshll.u32 s10, $0x2;
	s12 =	sshll.u32 s12, $0x2;
	s13 =	spop (v2sf)  }
0x1f6: {  	s10 =	sand.u32 $0xFFFFFF80, s10;
	s12 =	sand.u32 $0xFFFFFF80, s12;
	s13 =	sshll.u32 s13, $0x2  }
0x1f7: {  	v37, _, _ =	vpop (xrf0);
	s18 =	spop (v2sf);
	s10 =	sadd.s32 s11, s10;
	s12 =	sadd.s32 s11, s12  }
0x1f8: {  	(v2sf) =	vpush v37, $0xF;
	s13 =	sand.u32 $0xFFFFFF80, s13;
	s18 =	sshll.u32 s18, $0x2;
	s22 =	spop (v2sf)  }
0x1f9: {  	s12 =	sshrl.u32 s12, $0x3;
	s18 =	sand.u32 $0xFFFFFF80, s18;
	s13 =	sadd.s32 s11, s13  }
0x1fa: {  	[tilespmem:$0x13080] =	vst v25;
	s12 =	sadd.s32 s4, s12;
	s23 =	spop (v2sf);
	s18 =	sadd.s32 s11, s18  }
0x1fb: {  	[tilespmem:s19], [sflag:$0x1] =	stream.linear.gather [hbm4b:s12+s3], $0x80, $0x38;
	[tilespmem:$0x13400] =	vst v63  }
0x1fc: {  	(v2sf) =	vpush v35, $0xF;
	s22 =	sshll.u32 s22, $0x2;
	s12 =	sshrl.u32 s13, $0x3;
	s18 =	sshrl.u32 s18, $0x3  }
0x1fd: {  	(xrf0) =	vadd.scan.msk.s32 $0xffff, v30;
	v30, _, _ =	vpop (xrf0);
	s1 =	sand.u32 $0xFFFFFF80, s22;
	s22 =	spop (v2sf);
	s23 =	sshll.u32 s23, $0x2  }
0x1fe: {  	(v2sf) =	vpush v30, $0xF;
	s13 =	sadd.s32 s4, s18;
	s18 =	sadd.s32 s11, s1;
	s12 =	sadd.s32 s4, s12  }
0x1ff: {  	v42, _, _ =	vpop (xrf0);
	s1 =	rddreg [dreg:$0x4];
	s22 =	sshll.u32 s22, $0x2;
	s18 =	sshrl.u32 s18, $0x3  }
0x200: {  	(v2sf) =	vpush v42, $0xF;
	[tilespmem:s9], [sflag:$0x1] =	stream.linear.gather [hbm4b:s12+s3], $0x80, $0x38;
	[tilespmem:$0x13400] =	vst v63  }
0x201: {  	s9 =	sadd.s32 s4, s18;
	s18 =	sand.u32 $0xFFFFFF80, s22;
	s22 =	sand.u32 $0xFFFFFF80, s23  }
0x202: {  	[tilespmem:s1], [sflag:$0x1] =	stream.linear.gather [hbm4b:s13+s3], $0x80, $0x38;
	[tilespmem:$0x13400] =	vst v63  }
0x203: {  	s8 =	rddreg [dreg:$0x5];
	s10 =	sshrl.u32 s10, $0x3;
	s1 =	sadd.s32 s11, s22  }
0x204: {  	[tilespmem:s8], [sflag:$0x1] =	stream.linear.gather [hbm4b:s9+s3], $0x80, $0x38;
	[tilespmem:$0x13400] =	vst v63  }
0x205: {  	s10 =	sadd.s32 s4, s10;
	s12 =	sadd.s32 s11, s18;
	s1 =	sshrl.u32 s1, $0x3  }
0x206: {  	vm6 =	vlt.s32 v22, v17;
	v22, _, _ =	vpop (xrf0);
	[tilespmem:s6], [sflag:$0x1] =	stream.linear.gather [hbm4b:s10+s3], $0x80, $0x38;
	[tilespmem:$0x13400] =	vst v63  }
0x207: {  	s18 =	sshrl.u32 s12, $0x3;
	s1 =	sadd.s32 s4, s1;
	s23 =	spop (v2sf);
	(v2sf) =	vpush v22, $0xF  }
0x208: {  	[tilespmem:s21], [sflag:$0x1] =	stream.linear.gather [hbm4b:s1+s3], $0x80, $0x38;
	[tilespmem:$0x13400] =	vst v63  }
0x209: {  	vm5 =	vlt.s32 v23, v17;
	s17 =	rddreg [dreg:$0x8];
	(xrf0) =	vadd.scan.msk.s32 $0xffff, v29;
	v23, _, _ =	vpop (xrf0);
	s22 =	sshll.u32 s23, $0x2;
	s23 =	sadd.s32 s4, s18  }
0x20a: {  	v26 =	vsub.f32 v26, v31;
	v31, _, _ =	vpop (xrf0);
	(v2sf) =	vpush v23, $0xF;
	[tilespmem:s17], [sflag:$0x1] =	stream.linear.gather [hbm4b:s23+s3], $0x80, $0x38;
	[tilespmem:$0x13400] =	vst v63  }
0x20b: {  	s2 =	rddreg [dreg:$0xa];
	(v2sf) =	vpush v31, $0xF;
	s10 =	spop (v2sf)  }
0x20c: {  	s0 =	rddreg [dreg:$0x9];
	s9 =	sand.u32 $0xFFFFFF80, s22;
	s8 =	sshll.u32 s10, $0x2  }
0x20d: {  	v44, _, _ =	vpop (xrf0);
	s13 =	sadd.s32 s11, s9;
	s18 =	spop (v2sf);
	s12 =	sand.u32 $0xFFFFFF80, s8  }
0x20e: {  	s21 =	sshrl.u32 s13, $0x3;
	(v2sf) =	vpush v44, $0xF;
	s22 =	sshll.u32 s18, $0x2;
	s1 =	sadd.s32 s11, s12  }
0x20f: {  	v46, _, _ =	vpop (xrf0);
	s23 =	spop (v2sf);
	s8 =	sand.u32 $0xFFFFFF80, s22;
	s1 =	sshrl.u32 s1, $0x3  }
0x210: {  	(v2sf) =	vpush v46, $0xF;
	s9 =	sshll.u32 s23, $0x2;
	s8 =	sadd.s32 s11, s8;
	s1 =	sadd.s32 s4, s1  }
0x211: {  	[tilespmem:s0], [sflag:$0x1] =	stream.linear.gather [hbm4b:s1+s3], $0x80, $0x38;
	[tilespmem:$0x13400] =	vst v63  }
0x212: {  	s10 =	sadd.s32 s4, s21;
	s13 =	sand.u32 $0xFFFFFF80, s9;
	s12 =	sshrl.u32 s8, $0x3  }
0x213: {  	[tilespmem:s2], [sflag:$0x1] =	stream.linear.gather [hbm4b:s10+s3], $0x80, $0x38;
	[tilespmem:$0x13400] =	vst v63  }
0x214: {  	s31 =	rddreg [dreg:$0xb];
	s18 =	sadd.s32 s11, s13;
	s17 =	sadd.s32 s4, s12  }
0x215: {  	[tilespmem:s31], [sflag:$0x1] =	stream.linear.gather [hbm4b:s17+s3], $0x80, $0x38;
	[tilespmem:$0x13400] =	vst v63  }
0x216: {  	s1 =	sshrl.u32 s18, $0x3;
	s21 =	spop (v2sf)  }
0x217: {  	s30 =	rddreg [dreg:$0xc];
	s1 =	sadd.s32 s4, s1;
	s2 =	sshll.u32 s21, $0x2  }
0x218: {  	[tilespmem:s30], [sflag:$0x1] =	stream.linear.gather [hbm4b:s1+s3], $0x80, $0x38;
	[tilespmem:$0x13400] =	vst v63  }
0x219: {  	s29 =	rddreg [dreg:$0xd];
	s22 =	spop (v2sf);
	s2 =	sand.u32 $0xFFFFFF80, s2  }
0x21a: {  	s6 =	sshll.u32 s22, $0x2;
	s23 =	spop (v2sf);
	s22 =	rddreg [dreg:$0xf]  }
0x21b: {  	s2 =	sadd.s32 s11, s2;
	s6 =	sand.u32 $0xFFFFFF80, s6;
	s9 =	sshll.u32 s23, $0x2  }
0x21c: {  	s0 =	sshrl.u32 s2, $0x3;
	s2 =	sadd.s32 s11, s6;
	s12 =	sand.u32 $0xFFFFFF80, s9  }
0x21d: {  	s0 =	sadd.s32 s4, s0;
	s10 =	sshrl.u32 s2, $0x3;
	s18 =	spop (v2sf)  }
0x21e: {  	[tilespmem:s29], [sflag:$0x1] =	stream.linear.gather [hbm4b:s0+s3], $0x80, $0x38;
	[tilespmem:$0x13400] =	vst v63  }
0x21f: {  	s17 =	sadd.s32 s11, s12;
	s2 =	sshll.u32 s18, $0x2;
	s21 =	spop (v2sf)  }
0x220: {  	s13 =	sadd.s32 s4, s10;
	s2 =	sand.u32 $0xFFFFFF80, s2;
	s6 =	sshll.u32 s21, $0x2  }
0x221: {  	[tilespmem:s26], [sflag:$0x1] =	stream.linear.gather [hbm4b:s13+s3], $0x80, $0x38;
	[tilespmem:$0x13400] =	vst v63  }
0x222: {  	s1 =	sshrl.u32 s17, $0x3;
	s23 =	sadd.s32 s11, s2;
	s6 =	sand.u32 $0xFFFFFF80, s6  }
0x223: {  	s1 =	sadd.s32 s4, s1;
	s0 =	sshrl.u32 s23, $0x3;
	s6 =	sadd.s32 s11, s6  }
0x224: {  	[tilespmem:s22], [sflag:$0x1] =	stream.linear.gather [hbm4b:s1+s3], $0x80, $0x38;
	[tilespmem:$0x13400] =	vst v63  }
0x225: {  	s26 =	rddreg [dreg:$0x10];
	s0 =	sadd.s32 s4, s0;
	s29 =	sshrl.u32 s6, $0x3  }
0x226: {  	[tilespmem:s26], [sflag:$0x1] =	stream.linear.gather [hbm4b:s0+s3], $0x80, $0x38;
	[tilespmem:$0x13400] =	vst v63  }
0x227: {  	s30 =	rddreg [dreg:$0x11];
	s31 =	sadd.s32 s4, s29  }
0x228: {  	[tilespmem:s30], [sflag:$0x1] =	stream.linear.gather [hbm4b:s31+s3], $0x80, $0x38;
	[tilespmem:$0x13400] =	vst v63  }
0x229: {  	_ =	swait.ge [sflag:s5], $0x80  }
0x22a: {  	[sflag:s5] =	ssyncset.done $0x0  }
0x22b: {  	[sflag:s5] =	ssyncadd.s32 $0xFFFFFF80  }
0x22c: {  	_ =	swait.ge [sflag:s5], $0x80  }
0x22d: {  	[sflag:s5] =	ssyncset.done $0x0  }
0x22e: {  	[sflag:s5] =	ssyncadd.s32 $0xFFFFFF80  }
0x22f: {  	_ =	swait.ge [sflag:s5], $0x80  }
0x230: {  	[sflag:s5] =	ssyncset.done $0x0  }
0x231: {  	[sflag:s5] =	ssyncadd.s32 $0xFFFFFF80  }
0x232: {  	_ =	swait.ge [sflag:s5], $0x80  }
0x233: {  	[sflag:s5] =	ssyncset.done $0x0  }
0x234: {  	[sflag:s5] =	ssyncadd.s32 $0xFFFFFF80  }
0x235: {  	_ =	swait.ge [sflag:s5], $0x80  }
0x236: {  	[sflag:s5] =	ssyncset.done $0x0  }
0x237: {  	[sflag:s5] =	ssyncadd.s32 $0xFFFFFF80  }
0x238: {  	_ =	swait.ge [sflag:s5], $0x80  }
0x239: {  	[sflag:s5] =	ssyncset.done $0x0  }
0x23a: {  	[sflag:s5] =	ssyncadd.s32 $0xFFFFFF80  }
0x23b: {  	_ =	swait.ge [sflag:s5], $0x80  }
0x23c: {  	[sflag:s5] =	ssyncset.done $0x0  }
0x23d: {  	[sflag:s5] =	ssyncadd.s32 $0xFFFFFF80  }
0x23e: {  	_ =	swait.ge [sflag:s5], $0x80  }
0x23f: {  	[sflag:s5] =	ssyncset.done $0x0  }
0x240: {  	[sflag:s5] =	ssyncadd.s32 $0xFFFFFF80  }
0x241: {  	_ =	swait.ge [sflag:s5], $0x80  }
0x242: {  	[sflag:s5] =	ssyncset.done $0x0  }
0x243: {  	[sflag:s5] =	ssyncadd.s32 $0xFFFFFF80  }
0x244: {  	_ =	swait.ge [sflag:s5], $0x80  }
0x245: {  	[sflag:s5] =	ssyncset.done $0x0  }
0x246: {  	[sflag:s5] =	ssyncadd.s32 $0xFFFFFF80  }
0x247: {  	_ =	swait.ge [sflag:s5], $0x80  }
0x248: {  	[sflag:s5] =	ssyncset.done $0x0  }
0x249: {  	v29 =	vand.u32 $0x7FFFFFFF, v34;
	[sflag:s5] =	ssyncadd.s32 $0xFFFFFF80  }
0x24a: {  	v34 =	vmul.f32 $5.000000000e-01, v29;
	v28 =	vsub.f32 v28, v33;
	_ =	swait.ge [sflag:s5], $0x80  }
0x24b: {  	vm4 =	vlt.s32 v24, v17;
	v43 =	vadd.f32 $-5.000000000e-01, v29;
	[sflag:s5] =	ssyncset.done $0x0  }
0x24c: {  	v27 =	vsub.f32 v27, v32;
	v24 =	vand.u32 $0x7FFFFFFF, v28;
	v28 =	vmul.f32 v34, v29;
	[sflag:s5] =	ssyncadd.s32 $0xFFFFFF80  }
0x24d: {  	vm7 =	vlt.f32 v29, $1.000000000e+00;
	v26 =	vand.u32 $0x7FFFFFFF, v26;
	v29 =	vmul.f32 $5.000000000e-01, v24;
	_ =	swait.ge [sflag:s5], $0x80  }
0x24e: {  	v27 =	vand.u32 $0x7FFFFFFF, v27;
	v45 =	vadd.f32 $-5.000000000e-01, v24;
	v28 =	vsel vm7, v28, v43;
	[sflag:s5] =	ssyncset.done $0x0  }
0x24f: {  	v28 =	vnsel vm6, $0x0, v28;
	vm6 =	vlt.f32 v24, $1.000000000e+00;
	v24 =	vmul.f32 v29, v24;
	[sflag:s5] =	ssyncadd.s32 $0xFFFFFF80  }
0x250: {  	v29 =	vmul.f32 $5.000000000e-01, v27;
	v20 =	vadd.f32 v28, v20;
	v28 =	vmul.f32 $5.000000000e-01, v26;
	_ =	swait.ge [sflag:s5], $0x80  }
0x251: {  	v47 =	vadd.f32 $-5.000000000e-01, v27;
	vm7 =	vlt.f32 v26, $1.000000000e+00;
	v24 =	vsel vm6, v24, v45;
	[sflag:s5] =	ssyncset.done $0x0  }
0x252: {  	v29 =	vmul.f32 v29, v27;
	v28 =	vmul.f32 v28, v26;
	v26 =	vadd.f32 $-5.000000000e-01, v26;
	[sflag:s5] =	ssyncadd.s32 $0xFFFFFF80  }
0x253: {  	v24 =	vnsel vm5, $0x0, v24;
	vm5 =	vlt.f32 v27, $1.000000000e+00;
	_ =	swait.ge [sflag:s5], $0x80  }
0x254: {  	s24 =	sadd.s32 $0x10, s24;
	v20 =	vadd.f32 v24, v20;
	v24 =	vsel vm7, v28, v26;
	v26 =	vsel vm5, v29, v47;
	[sflag:s5] =	ssyncset.done $0x0  }
0x255: {  	v24 =	vnsel vm4, $0x0, v24;
	vm4 =	vlt.s32 v21, v17;
	v22 =	vor.u32 s24, v4;
	[sflag:s5] =	ssyncadd.s32 $0xFFFFFF80  }
0x256: {  	v20 =	vadd.f32 v24, v20;
	v25 =	vadd.s32 v19, v22;
	v23 =	vor.u32 s24, v11;
	_ =	swait.ge [sflag:s5], $0x80  }
0x257: {  	v21 =	vnsel vm4, $0x0, v26;
	vm4 =	vlt.s32 v25, $0x1FF;
	v27 =	vadd.s32 v19, v23;
	[sflag:s5] =	ssyncset.done $0x0  }
0x258: {  	v20 =	vadd.f32 v21, v20;
	v25 =	vnsel vm4, $0x1FF, v25;
	vm4 =	vlt.s32 v27, $0x1FF;
	[sflag:s5] =	ssyncadd.s32 $0xFFFFFF80  }
0x259: {  	s25 =	sadd.s32 $0x10, s25;
	v21 =	vor.u32 s24, v15;
	v25 =	vshll.u32 v25, $0x2;
	v27 =	vnsel vm4, $0x1FF, v27;
	v30 =	vld.idx.msk [tilespmem:v4+s20+$0x0], $0xffff  }
0x25a: {  	v28 =	vadd.s32 v19, v21;
	v29 =	vor.u32 v9, v25;
	v27 =	vshll.u32 v27, $0x2;
	v25 =	vld [tilespmem:s25+$0x0]  }
0x25b: {  	vm5 =	vlt.s32 v28, $0x1FF;
	v27 =	vor.u32 v9, v27  }
0x25c: {  	v24 =	vor.u32 s24, v13;
	v28 =	vnsel vm5, $0x1FF, v28;
	v31 =	vld.idx.msk [tilespmem:v11+s20+$0x0], $0xffff  }
0x25d: {  	v26 =	vadd.s32 v19, v24;
	v28 =	vshll.u32 v28, $0x2;
	v48 =	vld.idx.msk [tilespmem:v13+s20+$0x0], $0xffff  }
0x25e: {  	vm5 =	vcmask $0x1318;
	v49 =	vor.u32 v9, v28;
	vm4 =	vlt.s32 v26, $0x1FF;
	v50 =	vld.idx.msk [tilespmem:v15+s20+$0x0], $0xffff  }
0x25f: {  	v26 =	vnsel vm4, $0x1FF, v26;
	v51 =	vld.idx.msk [tilespmem:v29+s14+$0x0], $0xffff;
	v29 =	vsel vm11, $0x0, v25;
	v30 =	vshll.u32 v30, $0x2  }
0x260: {  	vm4 =	vcmask $0x171C;
	v28 =	vld.idx.msk [tilespmem:v27+s14+$0x0], $0xffff;
	v27 =	vnsel vm3, $0x0, v25;
	(xrf0) =	vadd.scan.msk.s32 $0xffff, v29;
	v29 =	vor.u32 v5, v30  }
0x261: {  	v26 =	vshll.u32 v26, $0x2;
	v53 =	vsel vm8, $0x0, v25;
	(xrf0) =	vadd.scan.msk.s32 $0xffff, v27;
	v29 =	vand.u32 v10, v29  }
0x262: {  	v26 =	vor.u32 v9, v26;
	v52 =	vsel vm5, $0x0, v25;
	v30 =	vsel vm9, $0x0, v25;
	(xrf0) =	vadd.scan.msk.s32 $0xffff, v53  }
0x263: {  	v38 =	vsel vm10, $0x0, v25;
	v31 =	vshll.u32 v31, $0x2;
	v57 =	vshll.u32 v50, $0x2;
	(xrf0) =	vadd.scan.msk.s32 $0xffff, v30  }
0x264: {  	v30 =	vor.u32 v6, v31;
	v31 =	vsel vm4, $0x0, v25;
	vm4 =	vcmask $0x1B20;
	(xrf0) =	vadd.scan.msk.s32 $0xffff, v38  }
0x265: {  	v56 =	vand.u32 v12, v30;
	v44 =	vsel vm4, $0x0, v25;
	(xrf0) =	vadd.scan.msk.s32 $0xffff, v31;
	v31 =	vshll.u32 v48, $0x2  }
0x266: {  	vm4 =	vcmask $0x1F24;
	v42, _, _ =	vpop (xrf0);
	(xrf0) =	vadd.scan.msk.s32 $0xffff, v52;
	v43 =	vld.idx.msk [tilespmem:v29+s19+$0x0], $0xffff;
	v29 =	vor.u32 v7, v31;
	v31 =	vor.u32 v8, v57  }
0x267: {  	v58 =	vsel vm4, $0x0, v25;
	v59, _, _ =	vpop (xrf0);
	(v2sf) =	vpush v42, $0xF;
	(xrf0) =	vadd.scan.msk.s32 $0xffff, v44;
	v60 =	vand.u32 v14, v29  }
0x268: {  	p1 =	sne.s32 s28, $0x1;
	v54 =	vsel vm12, $0x0, v25;
	v62 =	vand.u32 v16, v31;
	(v2sf) =	vpush v59, $0xF;
	v61, _, _ =	vpop (xrf0);
	(xrf0) =	vadd.scan.msk.s32 $0xffff, v58  }
.Ltmp12:
0x269: {  	v26 =	vld.idx.msk [tilespmem:v26+s14+$0x0], $0xffff;
	v39 =	vsel vm13, $0x0, v25;
	(v2sf) =	vpush v61, $0xF;
	v31, _, _ =	vpop (xrf0);
	(xrf0) =	vadd.scan.msk.s32 $0xffff, v54;
	(pc) =	sbr.rel @p1 .LBB2_15-.Ltmp12, $4  }
0x26a: {  	v55 =	vsel vm14, $0x0, v25;
	v27 =	vld.idx.msk [tilespmem:v49+s14+$0x0], $0xffff;
	(v2sf) =	vpush v31, $0xF;
	v31, _, _ =	vpop (xrf0);
	(xrf0) =	vadd.scan.msk.s32 $0xffff, v39  }
0x26b: {  	v40 =	vsel vm15, $0x0, v25;
	v33 =	vld.idx.msk [tilespmem:v56+s19+$0x0], $0xffff;
	v36, _, _ =	vpop (xrf0);
	(xrf0) =	vadd.scan.msk.s32 $0xffff, v55  }
0x26c: {  	v41 =	vsel vm0, $0x0, v25;
	v30 =	vsel vm1, $0x0, v25;
	(v2sf) =	vpush v31, $0xF;
	v63, _, _ =	vpop (xrf0);
	(xrf0) =	vadd.scan.msk.s32 $0xffff, v40;
	v31 =	vld.idx.msk [tilespmem:v60+s19+$0x0], $0xffff  }
0x26d: {  	s28 =	sadd.s32 $0xFFFFFFFF, s28;
	s26 =	rddreg [dreg:$0xe];
	v29 =	vsel vm2, $0x0, v25;
	v34 =	vsub.f32 v51, v43;
	v32 =	vld.idx.msk [tilespmem:v62+s19+$0x0], $0xffff;
	(v2sf) =	vpush v63, $0xF;
	v35, _, _ =	vpop (xrf0);
	(xrf0) =	vadd.scan.msk.s32 $0xffff, v41  }
.Ltmp13:
0x26e: {  	(pc) =	sbr.rel .LBB2_17-.Ltmp13, $3  }
0x26f: {  	_ =	sdelay $0x1  }
0x270: {  	s13 =	rddreg [dreg:$0x0]  }
0x271: {  	s10 =	rddreg [dreg:$0x18];
	s8 =	simm.s32 $0x0  }
.LBB2_14:
.Ltmp14:
0x272: {  	(pc) =	sbr.rel .LBB2_17-.Ltmp14, $3  }
0x273: {  	_ =	sdelay $0x1  }
0x274: {  	s13 =	rddreg [dreg:$0x0]  }
0x275: {  	s24 =	simm.s32 $0x0;
	v20 =	vimm.f32 $0.0e+00;
	s10 =	rddreg [dreg:$0x18];
	s8 =	simm.s32 $0x0  }
.LBB2_19:
0x276: {  	_ =	sfence.sel $0x180000  }
0x277: {  	[bflag:$0x0] =	sbarrier.arrive $0xFFFF  }
0x278: {  	_ =	strace $0x90000047  }
0x279: {  	s0 =	stileid.u32;
	[bflag:$0x2] =	sbarrier.arrive $0xFFFF  }
0x27a: {  	p0 =	sne.s32 s0, $0x0;
	s0 =	rddreg [dreg:$0x2]  }
0x27b: {  	s0 =	sadd.s32 @!p0 $0x100000, s0  }
0x27c: {  	[sflag:s0] =	ssyncadd.tile.s32 @!p0 $0x1;
	_ =	shalt  }
.Lfunc_end2:
_tile_overlayer_lowered:
.L_overlay_start_2:
0x27d: {  	(tag) =	ssettag $0x2  }
0x27e: {  	s0 =	rddreg [dreg:$0x0];
	s2 =	stileid.u32  }
0x27f: {  	s1 =	rddreg [dreg:$0x1];
	p0 =	sne.s32 s2, $0x0  }
0x280: {  	s3 =	rddreg [dreg:$0x2];
	[bflag:$0x3] =	sbarrier.arrive $0xFFFF;
	s2 =	simm.s32 @!p0 $0x1C02  }
0x281: {  	[timem:s3], [sflag:s2] =	dma.local @!p0 [hbm:s0], s1  }
0x282: {  	s0 =	simm.s32 @!p0 $0x2  }
0x283: {  	_ =	swait.ge @!p0 [sflag:s0], s1  }
0x284: {  	s1 =	ssub.s32 @!p0 $0x0, s1;
	[sflag:s0] =	ssyncset.done @!p0 $0x0  }
0x285: {  	[sflag:s0] =	ssyncadd.s32 @!p0 s1  }
0x286: {  	[bflag:$0x3] =	sbarrier.arrive $0xFFFF  }
0x287: {  	_ =	shalt  }

</sc_bundles>
